<compile_context>
chip_gen: v7x
topology: tpu7x:2x2x1
jax: 0.10.2.dev20260603
libtpu: 0.0.44.dev20260713+nightly
codegen_flags: <defaults>
</compile_context>

<pallas_src>
import functools

import jax
import jax.numpy as jnp
from jax import lax
from jax.experimental import pallas as pl
from jax.experimental.pallas import tpu as pltpu
from jax.experimental.pallas import tpu_sc as plsc

B = 16384
MF_D = 16
MLP_D = 10
NC = 2
NS = 16
NW = NC * NS
BPW = B // NW
RR = 128


@functools.cache
def _make_sc_gather():
    mesh = plsc.VectorSubcoreMesh(core_axis_name="c", subcore_axis_name="s")

    @functools.partial(
        pl.kernel,
        mesh=mesh,
        compiler_params=pltpu.CompilerParams(use_tc_tiling_on_sc=True),
        out_type=[
            jax.ShapeDtypeStruct((B, MF_D), jnp.float32),
            jax.ShapeDtypeStruct((B, MF_D), jnp.float32),
            jax.ShapeDtypeStruct((B, MLP_D), jnp.float32),
            jax.ShapeDtypeStruct((B, MLP_D), jnp.float32),
        ],
        scratch_types=[
            pltpu.VMEM((BPW,), jnp.int32),
            pltpu.VMEM((BPW,), jnp.int32),
            pltpu.VMEM((RR, MF_D), jnp.float32),
            pltpu.VMEM((RR, MF_D), jnp.float32),
            pltpu.VMEM((RR, MLP_D), jnp.float32),
            pltpu.VMEM((RR, MLP_D), jnp.float32),
            pltpu.SemaphoreType.DMA,
        ],
    )
    def _sc_gather(u_hbm, i_hbm, mfu_hbm, mfi_hbm, mlpu_hbm, mlpi_hbm,
                   o_mfu, o_mfi, o_mlpu, o_mlpi,
                   uv, iv, bmfu, bmfi, bmlpu, bmlpi, sem):
        wid = lax.axis_index("s") * NC + lax.axis_index("c")
        base = wid * BPW
        pltpu.sync_copy(u_hbm.at[pl.ds(base, BPW)], uv)
        pltpu.sync_copy(i_hbm.at[pl.ds(base, BPW)], iv)

        def round_(t, _):
            r0 = t * RR

            @plsc.parallel_loop(0, RR // 16, unroll=2)
            def _grp(g):
                gr = r0 + g * 16
                uvec = uv[pl.ds(gr, 16)]
                ivec = iv[pl.ds(gr, 16)]
                for j in range(16):
                    r = g * 16 + j
                    a = uvec[j]
                    b = ivec[j]
                    pltpu.async_copy(mfu_hbm.at[pl.ds(a, 1)],
                                     bmfu.at[pl.ds(r, 1)], sem)
                    pltpu.async_copy(mfi_hbm.at[pl.ds(b, 1)],
                                     bmfi.at[pl.ds(r, 1)], sem)
                    pltpu.async_copy(mlpu_hbm.at[pl.ds(a, 1)],
                                     bmlpu.at[pl.ds(r, 1)], sem)
                    pltpu.async_copy(mlpi_hbm.at[pl.ds(b, 1)],
                                     bmlpi.at[pl.ds(r, 1)], sem)
            ob = base + r0
            pltpu.make_async_copy(o_mfu.at[pl.ds(ob, RR)], bmfu, sem).wait()
            pltpu.make_async_copy(o_mfi.at[pl.ds(ob, RR)], bmfi, sem).wait()
            pltpu.make_async_copy(o_mlpu.at[pl.ds(ob, RR)], bmlpu, sem).wait()
            pltpu.make_async_copy(o_mlpi.at[pl.ds(ob, RR)], bmlpi, sem).wait()
            pltpu.sync_copy(bmfu, o_mfu.at[pl.ds(ob, RR)])
            pltpu.sync_copy(bmfi, o_mfi.at[pl.ds(ob, RR)])
            pltpu.sync_copy(bmlpu, o_mlpu.at[pl.ds(ob, RR)])
            pltpu.sync_copy(bmlpi, o_mlpi.at[pl.ds(ob, RR)])
            return _

        lax.fori_loop(0, BPW // RR, round_, 0)

    return _sc_gather


BM = 2048


def _tc_mlp_body(mfu, mfi, mlpu, mlpi, W1a, W1b, b1, W2, b2, W3, b3,
                 Wl, bl, w2la, w2lb, b2l, out):
    f32 = jnp.float32
    x = (jnp.dot(mlpu[...], W1a[...], preferred_element_type=f32)
         + jnp.dot(mlpi[...], W1b[...], preferred_element_type=f32)
         + b1[...])
    x = jnp.maximum(x, 0.0)
    x = jnp.dot(x, W2[...], preferred_element_type=f32) + b2[...]
    x = jnp.maximum(x, 0.0)
    x = jnp.dot(x, W3[...], preferred_element_type=f32) + b3[...]
    x = jnp.maximum(x, 0.0)
    mlp_vec = jnp.dot(x, Wl[...], preferred_element_type=f32) + bl[...]
    mf_vec = mfu[...] * mfi[...]
    logit = (jnp.dot(mf_vec, w2la[...], preferred_element_type=f32)
             + jnp.dot(mlp_vec, w2lb[...], preferred_element_type=f32)
             + b2l[...])
    out[...] = jax.nn.sigmoid(logit)


def _tc_mlp(mfu, mfi, mlpu, mlpi, W1a, W1b, b1, W2, b2, W3, b3,
            Wl, bl, w2la, w2lb, b2l):
    def row_block(d):
        return pl.BlockSpec((BM, d), lambda m: (m, 0))

    def full(a):
        return pl.BlockSpec(a.shape, lambda m: (0,) * a.ndim)

    return pl.pallas_call(
        _tc_mlp_body,
        grid=(B // BM,),
        in_specs=[
            row_block(MF_D), row_block(MF_D), row_block(MLP_D),
            row_block(MLP_D),
            full(W1a), full(W1b), full(b1), full(W2), full(b2),
            full(W3), full(b3), full(Wl), full(bl),
            full(w2la), full(w2lb), full(b2l),
        ],
        out_specs=pl.BlockSpec((BM, 1), lambda m: (m, 0)),
        out_shape=jax.ShapeDtypeStruct((B, 1), jnp.float32),
    )(mfu, mfi, mlpu, mlpi, W1a, W1b, b1, W2, b2, W3, b3,
      Wl, bl, w2la, w2lb, b2l)


def kernel(inputs, mf_user, mf_item, mlp_user, mlp_item,
           W1, b1, W2, b2, W3, b3, Wl, bl, W2l, b2l):
    u = inputs[:, 0]
    i = inputs[:, 1]
    mfu, mfi, mlpu, mlpi = _make_sc_gather()(
        u, i, mf_user, mf_item, mlp_user, mlp_item)
    return _tc_mlp(
        mfu, mfi, mlpu, mlpi,
        W1[:MLP_D], W1[MLP_D:], b1.reshape(1, -1),
        W2, b2.reshape(1, -1), W3, b3.reshape(1, -1),
        Wl, bl.reshape(1, -1),
        W2l[:MF_D], W2l[MF_D:], b2l.reshape(1, 1),
    )

# --- scband reference (transcript-rebuilt; emitter-appended) ---
"""Pipeline reference for scband-neural-mf-52518860095887 (READ-ONLY COPY).

The authoritative reference and input builder live on the scoring server;
editing this copy changes nothing except your own understanding.
"""

import jax, jax.numpy as jnp
import numpy as np

NUM_USERS = 1000000
NUM_ITEMS = 1000000
MF_DIM = 16
LAYERS = [20, 64, 32, 16]
BATCH = 16384


def setup_inputs(seed: int = 0) -> dict:
    key = jax.random.key(seed)
    ks = jax.random.split(key, 20)
    s = 0.02
    d = {}
    d["inputs"] = jax.random.randint(ks[0], (BATCH, 2), 0, NUM_USERS, dtype=jnp.int64 if jax.config.jax_enable_x64 else jnp.int32).astype(jnp.int32)
    d["mf_user"] = jax.random.normal(ks[1], (NUM_USERS, MF_DIM), jnp.float32) * s
    d["mf_item"] = jax.random.normal(ks[2], (NUM_ITEMS, MF_DIM), jnp.float32) * s
    d["mlp_user"] = jax.random.normal(ks[3], (NUM_USERS, LAYERS[0] // 2), jnp.float32) * s
    d["mlp_item"] = jax.random.normal(ks[4], (NUM_ITEMS, LAYERS[0] // 2), jnp.float32) * s
    d["W1"] = jax.random.normal(ks[5], (LAYERS[0], LAYERS[1]), jnp.float32) * (1.0 / np.sqrt(LAYERS[0]))
    d["b1"] = jnp.zeros((LAYERS[1],), jnp.float32)
    d["W2"] = jax.random.normal(ks[6], (LAYERS[1], LAYERS[2]), jnp.float32) * (1.0 / np.sqrt(LAYERS[1]))
    d["b2"] = jnp.zeros((LAYERS[2],), jnp.float32)
    d["W3"] = jax.random.normal(ks[7], (LAYERS[2], LAYERS[3]), jnp.float32) * (1.0 / np.sqrt(LAYERS[2]))
    d["b3"] = jnp.zeros((LAYERS[3],), jnp.float32)
    d["Wl"] = jax.random.normal(ks[8], (LAYERS[3], MF_DIM), jnp.float32) * (1.0 / np.sqrt(LAYERS[3]))
    d["bl"] = jnp.zeros((MF_DIM,), jnp.float32)
    d["W2l"] = jax.random.normal(ks[9], (2 * MF_DIM, 1), jnp.float32) * (1.0 / np.sqrt(2 * MF_DIM))
    d["b2l"] = jnp.zeros((1,), jnp.float32)
    return d


def reference(inputs, mf_user, mf_item, mlp_user, mlp_item, W1, b1, W2, b2, W3, b3, Wl, bl, W2l, b2l):
    u = inputs[:, 0]
    i = inputs[:, 1]
    mf_u = jnp.take(mf_user, u, axis=0)
    mf_i = jnp.take(mf_item, i, axis=0)
    mf_vec = mf_u * mf_i
    mlp_u = jnp.take(mlp_user, u, axis=0)
    mlp_i = jnp.take(mlp_item, i, axis=0)
    x = jnp.concatenate([mlp_u, mlp_i], axis=-1)
    x = jax.nn.relu(x @ W1 + b1)
    x = jax.nn.relu(x @ W2 + b2)
    x = jax.nn.relu(x @ W3 + b3)
    mlp_vec = x @ Wl + bl
    vector = jnp.concatenate([mf_vec, mlp_vec], axis=-1)
    logit = vector @ W2l + b2l
    return jax.nn.sigmoid(logit)

if __name__ == "__main__":
    import jax
    _d = setup_inputs()
    print(jax.jit(kernel)(*tuple(_d.values())))

</pallas_src>

<mosaic_0001>
#map = affine_map<(d0, d1) -> (0)>
#map1 = affine_map<(d0, d1) -> (0, 0)>
module attributes {stable_mosaic.version = 14 : i64} {
  func.func @_sc_gather(%arg0: i32, %arg1: i32, %arg2: memref<16384xi32, #tpu.memory_space<hbm>>, %arg3: memref<16384xi32, #tpu.memory_space<hbm>>, %arg4: memref<1000000x16xf32, #tpu.memory_space<hbm>>, %arg5: memref<1000000x16xf32, #tpu.memory_space<hbm>>, %arg6: memref<1000000x10xf32, #tpu.memory_space<hbm>>, %arg7: memref<1000000x10xf32, #tpu.memory_space<hbm>>, %arg8: memref<16384x16xf32, #tpu.memory_space<hbm>>, %arg9: memref<16384x16xf32, #tpu.memory_space<hbm>>, %arg10: memref<16384x10xf32, #tpu.memory_space<hbm>>, %arg11: memref<16384x10xf32, #tpu.memory_space<hbm>>, %arg12: memref<512xi32, #tpu.memory_space<vmem>>, %arg13: memref<512xi32, #tpu.memory_space<vmem>>, %arg14: memref<128x16xf32, #tpu.memory_space<vmem>>, %arg15: memref<128x16xf32, #tpu.memory_space<vmem>>, %arg16: memref<128x10xf32, #tpu.memory_space<vmem>>, %arg17: memref<128x10xf32, #tpu.memory_space<vmem>>, %arg18: memref<!tpu.dma_semaphore, #tpu.memory_space<semaphore_mem>>) attributes {dimension_semantics = [#tpu.dimension_semantics<core_parallel>, #tpu.dimension_semantics<subcore_parallel>], iteration_bounds = array<i64: 2, 16>, scalar_prefetch = 0 : i64, scratch_operands = 7 : i64, tpu.core_type = #tpu.core_type<sc_vector_subcore>, window_params = [{transform_indices = #map}, {transform_indices = #map}, {transform_indices = #map1}, {transform_indices = #map1}, {transform_indices = #map1}, {transform_indices = #map1}, {transform_indices = #map1}, {transform_indices = #map1}, {transform_indices = #map1}, {transform_indices = #map1}]} {
    %mul3A = arith.constant 2 : i32
    %mul3A_0 = arith.muli %arg1, %mul3A : i32
    %add3A = arith.addi %mul3A_0, %arg0 : i32
    %mul3A_1 = arith.constant 512 : i32
    %mul3A_2 = arith.muli %add3A, %mul3A_1 : i32
    "tpu.region"() ({
      %run_scoped3A = tpu.sem_alloc : memref<!tpu.dma_semaphore, #tpu.memory_space<semaphore_mem>>
      %dma_start3A = tpu.memref_slice %arg2[%mul3A_2] : memref<16384xi32, #tpu.memory_space<hbm>> -> memref<512xi32, #tpu.memory_space<hbm>>
      %dma_start3A_8 = tpu.memref_slice %arg2[%mul3A_2] : memref<16384xi32, #tpu.memory_space<hbm>> -> memref<512xi32, #tpu.memory_space<hbm>>
      tpu.enqueue_dma source(%dma_start3A_8 : memref<512xi32, #tpu.memory_space<hbm>>) target(%arg12 : memref<512xi32, #tpu.memory_space<vmem>>) target_semaphore(%run_scoped3A : memref<!tpu.dma_semaphore, #tpu.memory_space<semaphore_mem>>)
      %dma_wait3A = tpu.memref_slice %arg2[%mul3A_2] : memref<16384xi32, #tpu.memory_space<hbm>> -> memref<512xi32, #tpu.memory_space<hbm>>
      %dma_wait3A_9 = tpu.memref_slice %arg2[%mul3A_2] : memref<16384xi32, #tpu.memory_space<hbm>> -> memref<512xi32, #tpu.memory_space<hbm>>
      tpu.wait_dma2 semaphore(%run_scoped3A : memref<!tpu.dma_semaphore, #tpu.memory_space<semaphore_mem>>) src(%dma_wait3A_9 : memref<512xi32, #tpu.memory_space<hbm>>) dst(%arg12 : memref<512xi32, #tpu.memory_space<vmem>>)
      tpu.yield
    }) : () -> ()
    "tpu.region"() ({
      %run_scoped3A = tpu.sem_alloc : memref<!tpu.dma_semaphore, #tpu.memory_space<semaphore_mem>>
      %dma_start3A = tpu.memref_slice %arg3[%mul3A_2] : memref<16384xi32, #tpu.memory_space<hbm>> -> memref<512xi32, #tpu.memory_space<hbm>>
      %dma_start3A_8 = tpu.memref_slice %arg3[%mul3A_2] : memref<16384xi32, #tpu.memory_space<hbm>> -> memref<512xi32, #tpu.memory_space<hbm>>
      tpu.enqueue_dma source(%dma_start3A_8 : memref<512xi32, #tpu.memory_space<hbm>>) target(%arg13 : memref<512xi32, #tpu.memory_space<vmem>>) target_semaphore(%run_scoped3A : memref<!tpu.dma_semaphore, #tpu.memory_space<semaphore_mem>>)
      %dma_wait3A = tpu.memref_slice %arg3[%mul3A_2] : memref<16384xi32, #tpu.memory_space<hbm>> -> memref<512xi32, #tpu.memory_space<hbm>>
      %dma_wait3A_9 = tpu.memref_slice %arg3[%mul3A_2] : memref<16384xi32, #tpu.memory_space<hbm>> -> memref<512xi32, #tpu.memory_space<hbm>>
      tpu.wait_dma2 semaphore(%run_scoped3A : memref<!tpu.dma_semaphore, #tpu.memory_space<semaphore_mem>>) src(%dma_wait3A_9 : memref<512xi32, #tpu.memory_space<hbm>>) dst(%arg13 : memref<512xi32, #tpu.memory_space<vmem>>)
      tpu.yield
    }) : () -> ()
    %scan3A = arith.constant 0 : i32
    %scan3A_3 = arith.constant 0 : i32
    %scan3A_4 = arith.constant 4 : i32
    %scan3A_5 = arith.addi %scan3A_3, %scan3A_4 : i32
    %scan3A_6 = arith.constant 1 : i32
    scf.for %scan3A_8 = %scan3A_3 to %scan3A_5 step %scan3A_6  : i32 {
      %mul3A_9 = arith.constant 128 : i32
      %mul3A_10 = arith.muli %scan3A_8, %mul3A_9 : i32
      %parallel_loop3A = arith.constant 0 : i32
      %parallel_loop3A_11 = arith.constant 8 : i32
      %parallel_loop3A_12 = arith.constant 1 : i32
      scf.for %parallel_loop3A_29 = %parallel_loop3A to %parallel_loop3A_11 step %parallel_loop3A_12  : i32 {
        %parallel_loop3A_30 = arith.constant 16 : i32
        %parallel_loop3A_31 = arith.muli %parallel_loop3A_29, %parallel_loop3A_30 : i32
        %parallel_loop3A_32 = arith.addi %mul3A_10, %parallel_loop3A_31 : i32
        %parallel_loop3A_33 = arith.index_cast %parallel_loop3A_32 : i32 to index
        %parallel_loop3A_34 = tpu.vector_load %arg12[%parallel_loop3A_33] {strides = array<i32>} : memref<512xi32, #tpu.memory_space<vmem>>, vector<16xi32>,
        %parallel_loop3A_35 = vector.shape_cast %parallel_loop3A_34 : vector<16xi32> to vector<16xi32>
        %parallel_loop3A_36 = arith.index_cast %parallel_loop3A_32 : i32 to index
        %parallel_loop3A_37 = tpu.vector_load %arg13[%parallel_loop3A_36] {strides = array<i32>} : memref<512xi32, #tpu.memory_space<vmem>>, vector<16xi32>,
        %parallel_loop3A_38 = vector.shape_cast %parallel_loop3A_37 : vector<16xi32> to vector<16xi32>
        %parallel_loop3A_39 = arith.constant 16 : i32
        %parallel_loop3A_40 = arith.muli %parallel_loop3A_29, %parallel_loop3A_39 : i32
        %parallel_loop3A_41 = arith.constant 0 : i32
        %parallel_loop3A_42 = arith.addi %parallel_loop3A_40, %parallel_loop3A_41 : i32
        %parallel_loop3A_43 = vector.extract_strided_slice %parallel_loop3A_35 {offsets = [0], sizes = [1], strides = [1]} : vector<16xi32> to vector<1xi32>
        %parallel_loop3A_44 = vector.extract %parallel_loop3A_43[0] : i32 from vector<1xi32>
        %parallel_loop3A_45 = vector.extract_strided_slice %parallel_loop3A_38 {offsets = [0], sizes = [1], strides = [1]} : vector<16xi32> to vector<1xi32>
        %parallel_loop3A_46 = vector.extract %parallel_loop3A_45[0] : i32 from vector<1xi32>
        %parallel_loop3A_47 = arith.constant 0 : i32
        %parallel_loop3A_48 = tpu.memref_slice %arg14[%parallel_loop3A_42, %parallel_loop3A_47] : memref<128x16xf32, #tpu.memory_space<vmem>> -> memref<1x16xf32, #tpu.memory_space<vmem>>
        %parallel_loop3A_49 = arith.constant 0 : i32
        %parallel_loop3A_50 = tpu.memref_slice %arg4[%parallel_loop3A_44, %parallel_loop3A_49] : memref<1000000x16xf32, #tpu.memory_space<hbm>> -> memref<1x16xf32, #tpu.memory_space<hbm>>
        %parallel_loop3A_51 = arith.constant 0 : i32
        %parallel_loop3A_52 = tpu.memref_slice %arg14[%parallel_loop3A_42, %parallel_loop3A_51] : memref<128x16xf32, #tpu.memory_space<vmem>> -> memref<1x16xf32, #tpu.memory_space<vmem>>
        %parallel_loop3A_53 = arith.constant 0 : i32
        %parallel_loop3A_54 = tpu.memref_slice %arg4[%parallel_loop3A_44, %parallel_loop3A_53] : memref<1000000x16xf32, #tpu.memory_space<hbm>> -> memref<1x16xf32, #tpu.memory_space<hbm>>
        tpu.enqueue_dma source(%parallel_loop3A_54 : memref<1x16xf32, #tpu.memory_space<hbm>>) target(%parallel_loop3A_52 : memref<1x16xf32, #tpu.memory_space<vmem>>) target_semaphore(%arg18 : memref<!tpu.dma_semaphore, #tpu.memory_space<semaphore_mem>>)
        %parallel_loop3A_55 = arith.constant 0 : i32
        %parallel_loop3A_56 = tpu.memref_slice %arg15[%parallel_loop3A_42, %parallel_loop3A_55] : memref<128x16xf32, #tpu.memory_space<vmem>> -> memref<1x16xf32, #tpu.memory_space<vmem>>
        %parallel_loop3A_57 = arith.constant 0 : i32
        %parallel_loop3A_58 = tpu.memref_slice %arg5[%parallel_loop3A_46, %parallel_loop3A_57] : memref<1000000x16xf32, #tpu.memory_space<hbm>> -> memref<1x16xf32, #tpu.memory_space<hbm>>
        %parallel_loop3A_59 = arith.constant 0 : i32
        %parallel_loop3A_60 = tpu.memref_slice %arg15[%parallel_loop3A_42, %parallel_loop3A_59] : memref<128x16xf32, #tpu.memory_space<vmem>> -> memref<1x16xf32, #tpu.memory_space<vmem>>
        %parallel_loop3A_61 = arith.constant 0 : i32
        %parallel_loop3A_62 = tpu.memref_slice %arg5[%parallel_loop3A_46, %parallel_loop3A_61] : memref<1000000x16xf32, #tpu.memory_space<hbm>> -> memref<1x16xf32, #tpu.memory_space<hbm>>
        tpu.enqueue_dma source(%parallel_loop3A_62 : memref<1x16xf32, #tpu.memory_space<hbm>>) target(%parallel_loop3A_60 : memref<1x16xf32, #tpu.memory_space<vmem>>) target_semaphore(%arg18 : memref<!tpu.dma_semaphore, #tpu.memory_space<semaphore_mem>>)
        %parallel_loop3A_63 = arith.constant 0 : i32
        %parallel_loop3A_64 = tpu.memref_slice %arg16[%parallel_loop3A_42, %parallel_loop3A_63] : memref<128x10xf32, #tpu.memory_space<vmem>> -> memref<1x10xf32, #tpu.memory_space<vmem>>
        %parallel_loop3A_65 = arith.constant 0 : i32
        %parallel_loop3A_66 = tpu.memref_slice %arg6[%parallel_loop3A_44, %parallel_loop3A_65] : memref<1000000x10xf32, #tpu.memory_space<hbm>> -> memref<1x10xf32, #tpu.memory_space<hbm>>
        %parallel_loop3A_67 = arith.constant 0 : i32
        %parallel_loop3A_68 = tpu.memref_slice %arg16[%parallel_loop3A_42, %parallel_loop3A_67] : memref<128x10xf32, #tpu.memory_space<vmem>> -> memref<1x10xf32, #tpu.memory_space<vmem>>
        %parallel_loop3A_69 = arith.constant 0 : i32
        %parallel_loop3A_70 = tpu.memref_slice %arg6[%parallel_loop3A_44, %parallel_loop3A_69] : memref<1000000x10xf32, #tpu.memory_space<hbm>> -> memref<1x10xf32, #tpu.memory_space<hbm>>
        tpu.enqueue_dma source(%parallel_loop3A_70 : memref<1x10xf32, #tpu.memory_space<hbm>>) target(%parallel_loop3A_68 : memref<1x10xf32, #tpu.memory_space<vmem>>) target_semaphore(%arg18 : memref<!tpu.dma_semaphore, #tpu.memory_space<semaphore_mem>>)
        %parallel_loop3A_71 = arith.constant 0 : i32
        %parallel_loop3A_72 = tpu.memref_slice %arg17[%parallel_loop3A_42, %parallel_loop3A_71] : memref<128x10xf32, #tpu.memory_space<vmem>> -> memref<1x10xf32, #tpu.memory_space<vmem>>
        %parallel_loop3A_73 = arith.constant 0 : i32
        %parallel_loop3A_74 = tpu.memref_slice %arg7[%parallel_loop3A_46, %parallel_loop3A_73] : memref<1000000x10xf32, #tpu.memory_space<hbm>> -> memref<1x10xf32, #tpu.memory_space<hbm>>
        %parallel_loop3A_75 = arith.constant 0 : i32
        %parallel_loop3A_76 = tpu.memref_slice %arg17[%parallel_loop3A_42, %parallel_loop3A_75] : memref<128x10xf32, #tpu.memory_space<vmem>> -> memref<1x10xf32, #tpu.memory_space<vmem>>
        %parallel_loop3A_77 = arith.constant 0 : i32
        %parallel_loop3A_78 = tpu.memref_slice %arg7[%parallel_loop3A_46, %parallel_loop3A_77] : memref<1000000x10xf32, #tpu.memory_space<hbm>> -> memref<1x10xf32, #tpu.memory_space<hbm>>
        tpu.enqueue_dma source(%parallel_loop3A_78 : memref<1x10xf32, #tpu.memory_space<hbm>>) target(%parallel_loop3A_76 : memref<1x10xf32, #tpu.memory_space<vmem>>) target_semaphore(%arg18 : memref<!tpu.dma_semaphore, #tpu.memory_space<semaphore_mem>>)
        %parallel_loop3A_79 = arith.constant 16 : i32
        %parallel_loop3A_80 = arith.muli %parallel_loop3A_29, %parallel_loop3A_79 : i32
        %parallel_loop3A_81 = arith.constant 1 : i32
        %parallel_loop3A_82 = arith.addi %parallel_loop3A_80, %parallel_loop3A_81 : i32
        %parallel_loop3A_83 = vector.extract_strided_slice %parallel_loop3A_35 {offsets = [1], sizes = [1], strides = [1]} : vector<16xi32> to vector<1xi32>
        %parallel_loop3A_84 = vector.extract %parallel_loop3A_83[0] : i32 from vector<1xi32>
        %parallel_loop3A_85 = vector.extract_strided_slice %parallel_loop3A_38 {offsets = [1], sizes = [1], strides = [1]} : vector<16xi32> to vector<1xi32>
        %parallel_loop3A_86 = vector.extract %parallel_loop3A_85[0] : i32 from vector<1xi32>
        %parallel_loop3A_87 = arith.constant 0 : i32
        %parallel_loop3A_88 = tpu.memref_slice %arg14[%parallel_loop3A_82, %parallel_loop3A_87] : memref<128x16xf32, #tpu.memory_space<vmem>> -> memref<1x16xf32, #tpu.memory_space<vmem>>
        %parallel_loop3A_89 = arith.constant 0 : i32
        %parallel_loop3A_90 = tpu.memref_slice %arg4[%parallel_loop3A_84, %parallel_loop3A_89] : memref<1000000x16xf32, #tpu.memory_space<hbm>> -> memref<1x16xf32, #tpu.memory_space<hbm>>
        %parallel_loop3A_91 = arith.constant 0 : i32
        %parallel_loop3A_92 = tpu.memref_slice %arg14[%parallel_loop3A_82, %parallel_loop3A_91] : memref<128x16xf32, #tpu.memory_space<vmem>> -> memref<1x16xf32, #tpu.memory_space<vmem>>
        %parallel_loop3A_93 = arith.constant 0 : i32
        %parallel_loop3A_94 = tpu.memref_slice %arg4[%parallel_loop3A_84, %parallel_loop3A_93] : memref<1000000x16xf32, #tpu.memory_space<hbm>> -> memref<1x16xf32, #tpu.memory_space<hbm>>
        tpu.enqueue_dma source(%parallel_loop3A_94 : memref<1x16xf32, #tpu.memory_space<hbm>>) target(%parallel_loop3A_92 : memref<1x16xf32, #tpu.memory_space<vmem>>) target_semaphore(%arg18 : memref<!tpu.dma_semaphore, #tpu.memory_space<semaphore_mem>>)
        %parallel_loop3A_95 = arith.constant 0 : i32
        %parallel_loop3A_96 = tpu.memref_slice %arg15[%parallel_loop3A_82, %parallel_loop3A_95] : memref<128x16xf32, #tpu.memory_space<vmem>> -> memref<1x16xf32, #tpu.memory_space<vmem>>
        %parallel_loop3A_97 = arith.constant 0 : i32
        %parallel_loop3A_98 = tpu.memref_slice %arg5[%parallel_loop3A_86, %parallel_loop3A_97] : memref<1000000x16xf32, #tpu.memory_space<hbm>> -> memref<1x16xf32, #tpu.memory_space<hbm>>
        %parallel_loop3A_99 = arith.constant 0 : i32
        %parallel_loop3A_100 = tpu.memref_slice %arg15[%parallel_loop3A_82, %parallel_loop3A_99] : memref<128x16xf32, #tpu.memory_space<vmem>> -> memref<1x16xf32, #tpu.memory_space<vmem>>
        %parallel_loop3A_101 = arith.constant 0 : i32
        %parallel_loop3A_102 = tpu.memref_slice %arg5[%parallel_loop3A_86, %parallel_loop3A_101] : memref<1000000x16xf32, #tpu.memory_space<hbm>> -> memref<1x16xf32, #tpu.memory_space<hbm>>
        tpu.enqueue_dma source(%parallel_loop3A_102 : memref<1x16xf32, #tpu.memory_space<hbm>>) target(%parallel_loop3A_100 : memref<1x16xf32, #tpu.memory_space<vmem>>) target_semaphore(%arg18 : memref<!tpu.dma_semaphore, #tpu.memory_space<semaphore_mem>>)
        %parallel_loop3A_103 = arith.constant 0 : i32
        %parallel_loop3A_104 = tpu.memref_slice %arg16[%parallel_loop3A_82, %parallel_loop3A_103] : memref<128x10xf32, #tpu.memory_space<vmem>> -> memref<1x10xf32, #tpu.memory_space<vmem>>
        %parallel_loop3A_105 = arith.constant 0 : i32
        %parallel_loop3A_106 = tpu.memref_slice %arg6[%parallel_loop3A_84, %parallel_loop3A_105] : memref<1000000x10xf32, #tpu.memory_space<hbm>> -> memref<1x10xf32, #tpu.memory_space<hbm>>
        %parallel_loop3A_107 = arith.constant 0 : i32
        %parallel_loop3A_108 = tpu.memref_slice %arg16[%parallel_loop3A_82, %parallel_loop3A_107] : memref<128x10xf32, #tpu.memory_space<vmem>> -> memref<1x10xf32, #tpu.memory_space<vmem>>
        %parallel_loop3A_109 = arith.constant 0 : i32
        %parallel_loop3A_110 = tpu.memref_slice %arg6[%parallel_loop3A_84, %parallel_loop3A_109] : memref<1000000x10xf32, #tpu.memory_space<hbm>> -> memref<1x10xf32, #tpu.memory_space<hbm>>
        tpu.enqueue_dma source(%parallel_loop3A_110 : memref<1x10xf32, #tpu.memory_space<hbm>>) target(%parallel_loop3A_108 : memref<1x10xf32, #tpu.memory_space<vmem>>) target_semaphore(%arg18 : memref<!tpu.dma_semaphore, #tpu.memory_space<semaphore_mem>>)
        %parallel_loop3A_111 = arith.constant 0 : i32
        %parallel_loop3A_112 = tpu.memref_slice %arg17[%parallel_loop3A_82, %parallel_loop3A_111] : memref<128x10xf32, #tpu.memory_space<vmem>> -> memref<1x10xf32, #tpu.memory_space<vmem>>
        %parallel_loop3A_113 = arith.constant 0 : i32
        %parallel_loop3A_114 = tpu.memref_slice %arg7[%parallel_loop3A_86, %parallel_loop3A_113] : memref<1000000x10xf32, #tpu.memory_space<hbm>> -> memref<1x10xf32, #tpu.memory_space<hbm>>
        %parallel_loop3A_115 = arith.constant 0 : i32
        %parallel_loop3A_116 = tpu.memref_slice %arg17[%parallel_loop3A_82, %parallel_loop3A_115] : memref<128x10xf32, #tpu.memory_space<vmem>> -> memref<1x10xf32, #tpu.memory_space<vmem>>
        %parallel_loop3A_117 = arith.constant 0 : i32
        %parallel_loop3A_118 = tpu.memref_slice %arg7[%parallel_loop3A_86, %parallel_loop3A_117] : memref<1000000x10xf32, #tpu.memory_space<hbm>> -> memref<1x10xf32, #tpu.memory_space<hbm>>
        tpu.enqueue_dma source(%parallel_loop3A_118 : memref<1x10xf32, #tpu.memory_space<hbm>>) target(%parallel_loop3A_116 : memref<1x10xf32, #tpu.memory_space<vmem>>) target_semaphore(%arg18 : memref<!tpu.dma_semaphore, #tpu.memory_space<semaphore_mem>>)
        %parallel_loop3A_119 = arith.constant 16 : i32
        %parallel_loop3A_120 = arith.muli %parallel_loop3A_29, %parallel_loop3A_119 : i32
        %parallel_loop3A_121 = arith.constant 2 : i32
        %parallel_loop3A_122 = arith.addi %parallel_loop3A_120, %parallel_loop3A_121 : i32
        %parallel_loop3A_123 = vector.extract_strided_slice %parallel_loop3A_35 {offsets = [2], sizes = [1], strides = [1]} : vector<16xi32> to vector<1xi32>
        %parallel_loop3A_124 = vector.extract %parallel_loop3A_123[0] : i32 from vector<1xi32>
        %parallel_loop3A_125 = vector.extract_strided_slice %parallel_loop3A_38 {offsets = [2], sizes = [1], strides = [1]} : vector<16xi32> to vector<1xi32>
        %parallel_loop3A_126 = vector.extract %parallel_loop3A_125[0] : i32 from vector<1xi32>
        %parallel_loop3A_127 = arith.constant 0 : i32
        %parallel_loop3A_128 = tpu.memref_slice %arg14[%parallel_loop3A_122, %parallel_loop3A_127] : memref<128x16xf32, #tpu.memory_space<vmem>> -> memref<1x16xf32, #tpu.memory_space<vmem>>
        %parallel_loop3A_129 = arith.constant 0 : i32
        %parallel_loop3A_130 = tpu.memref_slice %arg4[%parallel_loop3A_124, %parallel_loop3A_129] : memref<1000000x16xf32, #tpu.memory_space<hbm>> -> memref<1x16xf32, #tpu.memory_space<hbm>>
        %parallel_loop3A_131 = arith.constant 0 : i32
        %parallel_loop3A_132 = tpu.memref_slice %arg14[%parallel_loop3A_122, %parallel_loop3A_131] : memref<128x16xf32, #tpu.memory_space<vmem>> -> memref<1x16xf32, #tpu.memory_space<vmem>>
        %parallel_loop3A_133 = arith.constant 0 : i32
        %parallel_loop3A_134 = tpu.memref_slice %arg4[%parallel_loop3A_124, %parallel_loop3A_133] : memref<1000000x16xf32, #tpu.memory_space<hbm>> -> memref<1x16xf32, #tpu.memory_space<hbm>>
        tpu.enqueue_dma source(%parallel_loop3A_134 : memref<1x16xf32, #tpu.memory_space<hbm>>) target(%parallel_loop3A_132 : memref<1x16xf32, #tpu.memory_space<vmem>>) target_semaphore(%arg18 : memref<!tpu.dma_semaphore, #tpu.memory_space<semaphore_mem>>)
        %parallel_loop3A_135 = arith.constant 0 : i32
        %parallel_loop3A_136 = tpu.memref_slice %arg15[%parallel_loop3A_122, %parallel_loop3A_135] : memref<128x16xf32, #tpu.memory_space<vmem>> -> memref<1x16xf32, #tpu.memory_space<vmem>>
        %parallel_loop3A_137 = arith.constant 0 : i32
        %parallel_loop3A_138 = tpu.memref_slice %arg5[%parallel_loop3A_126, %parallel_loop3A_137] : memref<1000000x16xf32, #tpu.memory_space<hbm>> -> memref<1x16xf32, #tpu.memory_space<hbm>>
        %parallel_loop3A_139 = arith.constant 0 : i32
        %parallel_loop3A_140 = tpu.memref_slice %arg15[%parallel_loop3A_122, %parallel_loop3A_139] : memref<128x16xf32, #tpu.memory_space<vmem>> -> memref<1x16xf32, #tpu.memory_space<vmem>>
        %parallel_loop3A_141 = arith.constant 0 : i32
        %parallel_loop3A_142 = tpu.memref_slice %arg5[%parallel_loop3A_126, %parallel_loop3A_141] : memref<1000000x16xf32, #tpu.memory_space<hbm>> -> memref<1x16xf32, #tpu.memory_space<hbm>>
        tpu.enqueue_dma source(%parallel_loop3A_142 : memref<1x16xf32, #tpu.memory_space<hbm>>) target(%parallel_loop3A_140 : memref<1x16xf32, #tpu.memory_space<vmem>>) target_semaphore(%arg18 : memref<!tpu.dma_semaphore, #tpu.memory_space<semaphore_mem>>)
        %parallel_loop3A_143 = arith.constant 0 : i32
        %parallel_loop3A_144 = tpu.memref_slice %arg16[%parallel_loop3A_122, %parallel_loop3A_143] : memref<128x10xf32, #tpu.memory_space<vmem>> -> memref<1x10xf32, #tpu.memory_space<vmem>>
        %parallel_loop3A_145 = arith.constant 0 : i32
        %parallel_loop3A_146 = tpu.memref_slice %arg6[%parallel_loop3A_124, %parallel_loop3A_145] : memref<1000000x10xf32, #tpu.memory_space<hbm>> -> memref<1x10xf32, #tpu.memory_space<hbm>>
        %parallel_loop3A_147 = arith.constant 0 : i32
        %parallel_loop3A_148 = tpu.memref_slice %arg16[%parallel_loop3A_122, %parallel_loop3A_147] : memref<128x10xf32, #tpu.memory_space<vmem>> -> memref<1x10xf32, #tpu.memory_space<vmem>>
        %parallel_loop3A_149 = arith.constant 0 : i32
        %parallel_loop3A_150 = tpu.memref_slice %arg6[%parallel_loop3A_124, %parallel_loop3A_149] : memref<1000000x10xf32, #tpu.memory_space<hbm>> -> memref<1x10xf32, #tpu.memory_space<hbm>>
        tpu.enqueue_dma source(%parallel_loop3A_150 : memref<1x10xf32, #tpu.memory_space<hbm>>) target(%parallel_loop3A_148 : memref<1x10xf32, #tpu.memory_space<vmem>>) target_semaphore(%arg18 : memref<!tpu.dma_semaphore, #tpu.memory_space<semaphore_mem>>)
        %parallel_loop3A_151 = arith.constant 0 : i32
        %parallel_loop3A_152 = tpu.memref_slice %arg17[%parallel_loop3A_122, %parallel_loop3A_151] : memref<128x10xf32, #tpu.memory_space<vmem>> -> memref<1x10xf32, #tpu.memory_space<vmem>>
        %parallel_loop3A_153 = arith.constant 0 : i32
        %parallel_loop3A_154 = tpu.memref_slice %arg7[%parallel_loop3A_126, %parallel_loop3A_153] : memref<1000000x10xf32, #tpu.memory_space<hbm>> -> memref<1x10xf32, #tpu.memory_space<hbm>>
        %parallel_loop3A_155 = arith.constant 0 : i32
        %parallel_loop3A_156 = tpu.memref_slice %arg17[%parallel_loop3A_122, %parallel_loop3A_155] : memref<128x10xf32, #tpu.memory_space<vmem>> -> memref<1x10xf32, #tpu.memory_space<vmem>>
        %parallel_loop3A_157 = arith.constant 0 : i32
        %parallel_loop3A_158 = tpu.memref_slice %arg7[%parallel_loop3A_126, %parallel_loop3A_157] : memref<1000000x10xf32, #tpu.memory_space<hbm>> -> memref<1x10xf32, #tpu.memory_space<hbm>>
        tpu.enqueue_dma source(%parallel_loop3A_158 : memref<1x10xf32, #tpu.memory_space<hbm>>) target(%parallel_loop3A_156 : memref<1x10xf32, #tpu.memory_space<vmem>>) target_semaphore(%arg18 : memref<!tpu.dma_semaphore, #tpu.memory_space<semaphore_mem>>)
        %parallel_loop3A_159 = arith.constant 16 : i32
        %parallel_loop3A_160 = arith.muli %parallel_loop3A_29, %parallel_loop3A_159 : i32
        %parallel_loop3A_161 = arith.constant 3 : i32
        %parallel_loop3A_162 = arith.addi %parallel_loop3A_160, %parallel_loop3A_161 : i32
        %parallel_loop3A_163 = vector.extract_strided_slice %parallel_loop3A_35 {offsets = [3], sizes = [1], strides = [1]} : vector<16xi32> to vector<1xi32>
        %parallel_loop3A_164 = vector.extract %parallel_loop3A_163[0] : i32 from vector<1xi32>
        %parallel_loop3A_165 = vector.extract_strided_slice %parallel_loop3A_38 {offsets = [3], sizes = [1], strides = [1]} : vector<16xi32> to vector<1xi32>
        %parallel_loop3A_166 = vector.extract %parallel_loop3A_165[0] : i32 from vector<1xi32>
        %parallel_loop3A_167 = arith.constant 0 : i32
        %parallel_loop3A_168 = tpu.memref_slice %arg14[%parallel_loop3A_162, %parallel_loop3A_167] : memref<128x16xf32, #tpu.memory_space<vmem>> -> memref<1x16xf32, #tpu.memory_space<vmem>>
        %parallel_loop3A_169 = arith.constant 0 : i32
        %parallel_loop3A_170 = tpu.memref_slice %arg4[%parallel_loop3A_164, %parallel_loop3A_169] : memref<1000000x16xf32, #tpu.memory_space<hbm>> -> memref<1x16xf32, #tpu.memory_space<hbm>>
        %parallel_loop3A_171 = arith.constant 0 : i32
        %parallel_loop3A_172 = tpu.memref_slice %arg14[%parallel_loop3A_162, %parallel_loop3A_171] : memref<128x16xf32, #tpu.memory_space<vmem>> -> memref<1x16xf32, #tpu.memory_space<vmem>>
        %parallel_loop3A_173 = arith.constant 0 : i32
        %parallel_loop3A_174 = tpu.memref_slice %arg4[%parallel_loop3A_164, %parallel_loop3A_173] : memref<1000000x16xf32, #tpu.memory_space<hbm>> -> memref<1x16xf32, #tpu.memory_space<hbm>>
        tpu.enqueue_dma source(%parallel_loop3A_174 : memref<1x16xf32, #tpu.memory_space<hbm>>) target(%parallel_loop3A_172 : memref<1x16xf32, #tpu.memory_space<vmem>>) target_semaphore(%arg18 : memref<!tpu.dma_semaphore, #tpu.memory_space<semaphore_mem>>)
        %parallel_loop3A_175 = arith.constant 0 : i32
        %parallel_loop3A_176 = tpu.memref_slice %arg15[%parallel_loop3A_162, %parallel_loop3A_175] : memref<128x16xf32, #tpu.memory_space<vmem>> -> memref<1x16xf32, #tpu.memory_space<vmem>>
        %parallel_loop3A_177 = arith.constant 0 : i32
        %parallel_loop3A_178 = tpu.memref_slice %arg5[%parallel_loop3A_166, %parallel_loop3A_177] : memref<1000000x16xf32, #tpu.memory_space<hbm>> -> memref<1x16xf32, #tpu.memory_space<hbm>>
        %parallel_loop3A_179 = arith.constant 0 : i32
        %parallel_loop3A_180 = tpu.memref_slice %arg15[%parallel_loop3A_162, %parallel_loop3A_179] : memref<128x16xf32, #tpu.memory_space<vmem>> -> memref<1x16xf32, #tpu.memory_space<vmem>>
        %parallel_loop3A_181 = arith.constant 0 : i32
        %parallel_loop3A_182 = tpu.memref_slice %arg5[%parallel_loop3A_166, %parallel_loop3A_181] : memref<1000000x16xf32, #tpu.memory_space<hbm>> -> memref<1x16xf32, #tpu.memory_space<hbm>>
        tpu.enqueue_dma source(%parallel_loop3A_182 : memref<1x16xf32, #tpu.memory_space<hbm>>) target(%parallel_loop3A_180 : memref<1x16xf32, #tpu.memory_space<vmem>>) target_semaphore(%arg18 : memref<!tpu.dma_semaphore, #tpu.memory_space<semaphore_mem>>)
        %parallel_loop3A_183 = arith.constant 0 : i32
        %parallel_loop3A_184 = tpu.memref_slice %arg16[%parallel_loop3A_162, %parallel_loop3A_183] : memref<128x10xf32, #tpu.memory_space<vmem>> -> memref<1x10xf32, #tpu.memory_space<vmem>>
        %parallel_loop3A_185 = arith.constant 0 : i32
        %parallel_loop3A_186 = tpu.memref_slice %arg6[%parallel_loop3A_164, %parallel_loop3A_185] : memref<1000000x10xf32, #tpu.memory_space<hbm>> -> memref<1x10xf32, #tpu.memory_space<hbm>>
        %parallel_loop3A_187 = arith.constant 0 : i32
        %parallel_loop3A_188 = tpu.memref_slice %arg16[%parallel_loop3A_162, %parallel_loop3A_187] : memref<128x10xf32, #tpu.memory_space<vmem>> -> memref<1x10xf32, #tpu.memory_space<vmem>>
        %parallel_loop3A_189 = arith.constant 0 : i32
        %parallel_loop3A_190 = tpu.memref_slice %arg6[%parallel_loop3A_164, %parallel_loop3A_189] : memref<1000000x10xf32, #tpu.memory_space<hbm>> -> memref<1x10xf32, #tpu.memory_space<hbm>>
        tpu.enqueue_dma source(%parallel_loop3A_190 : memref<1x10xf32, #tpu.memory_space<hbm>>) target(%parallel_loop3A_188 : memref<1x10xf32, #tpu.memory_space<vmem>>) target_semaphore(%arg18 : memref<!tpu.dma_semaphore, #tpu.memory_space<semaphore_mem>>)
        %parallel_loop3A_191 = arith.constant 0 : i32
        %parallel_loop3A_192 = tpu.memref_slice %arg17[%parallel_loop3A_162, %parallel_loop3A_191] : memref<128x10xf32, #tpu.memory_space<vmem>> -> memref<1x10xf32, #tpu.memory_space<vmem>>
        %parallel_loop3A_193 = arith.constant 0 : i32
        %parallel_loop3A_194 = tpu.memref_slice %arg7[%parallel_loop3A_166, %parallel_loop3A_193] : memref<1000000x10xf32, #tpu.memory_space<hbm>> -> memref<1x10xf32, #tpu.memory_space<hbm>>
        %parallel_loop3A_195 = arith.constant 0 : i32
        %parallel_loop3A_196 = tpu.memref_slice %arg17[%parallel_loop3A_162, %parallel_loop3A_195] : memref<128x10xf32, #tpu.memory_space<vmem>> -> memref<1x10xf32, #tpu.memory_space<vmem>>
        %parallel_loop3A_197 = arith.constant 0 : i32
        %parallel_loop3A_198 = tpu.memref_slice %arg7[%parallel_loop3A_166, %parallel_loop3A_197] : memref<1000000x10xf32, #tpu.memory_space<hbm>> -> memref<1x10xf32, #tpu.memory_space<hbm>>
        tpu.enqueue_dma source(%parallel_loop3A_198 : memref<1x10xf32, #tpu.memory_space<hbm>>) target(%parallel_loop3A_196 : memref<1x10xf32, #tpu.memory_space<vmem>>) target_semaphore(%arg18 : memref<!tpu.dma_semaphore, #tpu.memory_space<semaphore_mem>>)
        %parallel_loop3A_199 = arith.constant 16 : i32
        %parallel_loop3A_200 = arith.muli %parallel_loop3A_29, %parallel_loop3A_199 : i32
        %parallel_loop3A_201 = arith.constant 4 : i32
        %parallel_loop3A_202 = arith.addi %parallel_loop3A_200, %parallel_loop3A_201 : i32
        %parallel_loop3A_203 = vector.extract_strided_slice %parallel_loop3A_35 {offsets = [4], sizes = [1], strides = [1]} : vector<16xi32> to vector<1xi32>
        %parallel_loop3A_204 = vector.extract %parallel_loop3A_203[0] : i32 from vector<1xi32>
        %parallel_loop3A_205 = vector.extract_strided_slice %parallel_loop3A_38 {offsets = [4], sizes = [1], strides = [1]} : vector<16xi32> to vector<1xi32>
        %parallel_loop3A_206 = vector.extract %parallel_loop3A_205[0] : i32 from vector<1xi32>
        %parallel_loop3A_207 = arith.constant 0 : i32
        %parallel_loop3A_208 = tpu.memref_slice %arg14[%parallel_loop3A_202, %parallel_loop3A_207] : memref<128x16xf32, #tpu.memory_space<vmem>> -> memref<1x16xf32, #tpu.memory_space<vmem>>
        %parallel_loop3A_209 = arith.constant 0 : i32
        %parallel_loop3A_210 = tpu.memref_slice %arg4[%parallel_loop3A_204, %parallel_loop3A_209] : memref<1000000x16xf32, #tpu.memory_space<hbm>> -> memref<1x16xf32, #tpu.memory_space<hbm>>
        %parallel_loop3A_211 = arith.constant 0 : i32
        %parallel_loop3A_212 = tpu.memref_slice %arg14[%parallel_loop3A_202, %parallel_loop3A_211] : memref<128x16xf32, #tpu.memory_space<vmem>> -> memref<1x16xf32, #tpu.memory_space<vmem>>
        %parallel_loop3A_213 = arith.constant 0 : i32
        %parallel_loop3A_214 = tpu.memref_slice %arg4[%parallel_loop3A_204, %parallel_loop3A_213] : memref<1000000x16xf32, #tpu.memory_space<hbm>> -> memref<1x16xf32, #tpu.memory_space<hbm>>
        tpu.enqueue_dma source(%parallel_loop3A_214 : memref<1x16xf32, #tpu.memory_space<hbm>>) target(%parallel_loop3A_212 : memref<1x16xf32, #tpu.memory_space<vmem>>) target_semaphore(%arg18 : memref<!tpu.dma_semaphore, #tpu.memory_space<semaphore_mem>>)
        %parallel_loop3A_215 = arith.constant 0 : i32
        %parallel_loop3A_216 = tpu.memref_slice %arg15[%parallel_loop3A_202, %parallel_loop3A_215] : memref<128x16xf32, #tpu.memory_space<vmem>> -> memref<1x16xf32, #tpu.memory_space<vmem>>
        %parallel_loop3A_217 = arith.constant 0 : i32
        %parallel_loop3A_218 = tpu.memref_slice %arg5[%parallel_loop3A_206, %parallel_loop3A_217] : memref<1000000x16xf32, #tpu.memory_space<hbm>> -> memref<1x16xf32, #tpu.memory_space<hbm>>
        %parallel_loop3A_219 = arith.constant 0 : i32
        %parallel_loop3A_220 = tpu.memref_slice %arg15[%parallel_loop3A_202, %parallel_loop3A_219] : memref<128x16xf32, #tpu.memory_space<vmem>> -> memref<1x16xf32, #tpu.memory_space<vmem>>
        %parallel_loop3A_221 = arith.constant 0 : i32
        %parallel_loop3A_222 = tpu.memref_slice %arg5[%parallel_loop3A_206, %parallel_loop3A_221] : memref<1000000x16xf32, #tpu.memory_space<hbm>> -> memref<1x16xf32, #tpu.memory_space<hbm>>
        tpu.enqueue_dma source(%parallel_loop3A_222 : memref<1x16xf32, #tpu.memory_space<hbm>>) target(%parallel_loop3A_220 : memref<1x16xf32, #tpu.memory_space<vmem>>) target_semaphore(%arg18 : memref<!tpu.dma_semaphore, #tpu.memory_space<semaphore_mem>>)
        %parallel_loop3A_223 = arith.constant 0 : i32
        %parallel_loop3A_224 = tpu.memref_slice %arg16[%parallel_loop3A_202, %parallel_loop3A_223] : memref<128x10xf32, #tpu.memory_space<vmem>> -> memref<1x10xf32, #tpu.memory_space<vmem>>
        %parallel_loop3A_225 = arith.constant 0 : i32
        %parallel_loop3A_226 = tpu.memref_slice %arg6[%parallel_loop3A_204, %parallel_loop3A_225] : memref<1000000x10xf32, #tpu.memory_space<hbm>> -> memref<1x10xf32, #tpu.memory_space<hbm>>
        %parallel_loop3A_227 = arith.constant 0 : i32
        %parallel_loop3A_228 = tpu.memref_slice %arg16[%parallel_loop3A_202, %parallel_loop3A_227] : memref<128x10xf32, #tpu.memory_space<vmem>> -> memref<1x10xf32, #tpu.memory_space<vmem>>
        %parallel_loop3A_229 = arith.constant 0 : i32
        %parallel_loop3A_230 = tpu.memref_slice %arg6[%parallel_loop3A_204, %parallel_loop3A_229] : memref<1000000x10xf32, #tpu.memory_space<hbm>> -> memref<1x10xf32, #tpu.memory_space<hbm>>
        tpu.enqueue_dma source(%parallel_loop3A_230 : memref<1x10xf32, #tpu.memory_space<hbm>>) target(%parallel_loop3A_228 : memref<1x10xf32, #tpu.memory_space<vmem>>) target_semaphore(%arg18 : memref<!tpu.dma_semaphore, #tpu.memory_space<semaphore_mem>>)
        %parallel_loop3A_231 = arith.constant 0 : i32
        %parallel_loop3A_232 = tpu.memref_slice %arg17[%parallel_loop3A_202, %parallel_loop3A_231] : memref<128x10xf32, #tpu.memory_space<vmem>> -> memref<1x10xf32, #tpu.memory_space<vmem>>
        %parallel_loop3A_233 = arith.constant 0 : i32
        %parallel_loop3A_234 = tpu.memref_slice %arg7[%parallel_loop3A_206, %parallel_loop3A_233] : memref<1000000x10xf32, #tpu.memory_space<hbm>> -> memref<1x10xf32, #tpu.memory_space<hbm>>
        %parallel_loop3A_235 = arith.constant 0 : i32
        %parallel_loop3A_236 = tpu.memref_slice %arg17[%parallel_loop3A_202, %parallel_loop3A_235] : memref<128x10xf32, #tpu.memory_space<vmem>> -> memref<1x10xf32, #tpu.memory_space<vmem>>
        %parallel_loop3A_237 = arith.constant 0 : i32
        %parallel_loop3A_238 = tpu.memref_slice %arg7[%parallel_loop3A_206, %parallel_loop3A_237] : memref<1000000x10xf32, #tpu.memory_space<hbm>> -> memref<1x10xf32, #tpu.memory_space<hbm>>
        tpu.enqueue_dma source(%parallel_loop3A_238 : memref<1x10xf32, #tpu.memory_space<hbm>>) target(%parallel_loop3A_236 : memref<1x10xf32, #tpu.memory_space<vmem>>) target_semaphore(%arg18 : memref<!tpu.dma_semaphore, #tpu.memory_space<semaphore_mem>>)
        %parallel_loop3A_239 = arith.constant 16 : i32
        %parallel_loop3A_240 = arith.muli %parallel_loop3A_29, %parallel_loop3A_239 : i32
        %parallel_loop3A_241 = arith.constant 5 : i32
        %parallel_loop3A_242 = arith.addi %parallel_loop3A_240, %parallel_loop3A_241 : i32
        %parallel_loop3A_243 = vector.extract_strided_slice %parallel_loop3A_35 {offsets = [5], sizes = [1], strides = [1]} : vector<16xi32> to vector<1xi32>
        %parallel_loop3A_244 = vector.extract %parallel_loop3A_243[0] : i32 from vector<1xi32>
        %parallel_loop3A_245 = vector.extract_strided_slice %parallel_loop3A_38 {offsets = [5], sizes = [1], strides = [1]} : vector<16xi32> to vector<1xi32>
        %parallel_loop3A_246 = vector.extract %parallel_loop3A_245[0] : i32 from vector<1xi32>
        %parallel_loop3A_247 = arith.constant 0 : i32
        %parallel_loop3A_248 = tpu.memref_slice %arg14[%parallel_loop3A_242, %parallel_loop3A_247] : memref<128x16xf32, #tpu.memory_space<vmem>> -> memref<1x16xf32, #tpu.memory_space<vmem>>
        %parallel_loop3A_249 = arith.constant 0 : i32
        %parallel_loop3A_250 = tpu.memref_slice %arg4[%parallel_loop3A_244, %parallel_loop3A_249] : memref<1000000x16xf32, #tpu.memory_space<hbm>> -> memref<1x16xf32, #tpu.memory_space<hbm>>
        %parallel_loop3A_251 = arith.constant 0 : i32
        %parallel_loop3A_252 = tpu.memref_slice %arg14[%parallel_loop3A_242, %parallel_loop3A_251] : memref<128x16xf32, #tpu.memory_space<vmem>> -> memref<1x16xf32, #tpu.memory_space<vmem>>
        %parallel_loop3A_253 = arith.constant 0 : i32
        %parallel_loop3A_254 = tpu.memref_slice %arg4[%parallel_loop3A_244, %parallel_loop3A_253] : memref<1000000x16xf32, #tpu.memory_space<hbm>> -> memref<1x16xf32, #tpu.memory_space<hbm>>
        tpu.enqueue_dma source(%parallel_loop3A_254 : memref<1x16xf32, #tpu.memory_space<hbm>>) target(%parallel_loop3A_252 : memref<1x16xf32, #tpu.memory_space<vmem>>) target_semaphore(%arg18 : memref<!tpu.dma_semaphore, #tpu.memory_space<semaphore_mem>>)
        %parallel_loop3A_255 = arith.constant 0 : i32
        %parallel_loop3A_256 = tpu.memref_slice %arg15[%parallel_loop3A_242, %parallel_loop3A_255] : memref<128x16xf32, #tpu.memory_space<vmem>> -> memref<1x16xf32, #tpu.memory_space<vmem>>
        %parallel_loop3A_257 = arith.constant 0 : i32
        %parallel_loop3A_258 = tpu.memref_slice %arg5[%parallel_loop3A_246, %parallel_loop3A_257] : memref<1000000x16xf32, #tpu.memory_space<hbm>> -> memref<1x16xf32, #tpu.memory_space<hbm>>
        %parallel_loop3A_259 = arith.constant 0 : i32
        %parallel_loop3A_260 = tpu.memref_slice %arg15[%parallel_loop3A_242, %parallel_loop3A_259] : memref<128x16xf32, #tpu.memory_space<vmem>> -> memref<1x16xf32, #tpu.memory_space<vmem>>
        %parallel_loop3A_261 = arith.constant 0 : i32
        %parallel_loop3A_262 = tpu.memref_slice %arg5[%parallel_loop3A_246, %parallel_loop3A_261] : memref<1000000x16xf32, #tpu.memory_space<hbm>> -> memref<1x16xf32, #tpu.memory_space<hbm>>
        tpu.enqueue_dma source(%parallel_loop3A_262 : memref<1x16xf32, #tpu.memory_space<hbm>>) target(%parallel_loop3A_260 : memref<1x16xf32, #tpu.memory_space<vmem>>) target_semaphore(%arg18 : memref<!tpu.dma_semaphore, #tpu.memory_space<semaphore_mem>>)
        %parallel_loop3A_263 = arith.constant 0 : i32
        %parallel_loop3A_264 = tpu.memref_slice %arg16[%parallel_loop3A_242, %parallel_loop3A_263] : memref<128x10xf32, #tpu.memory_space<vmem>> -> memref<1x10xf32, #tpu.memory_space<vmem>>
        %parallel_loop3A_265 = arith.constant 0 : i32
        %parallel_loop3A_266 = tpu.memref_slice %arg6[%parallel_loop3A_244, %parallel_loop3A_265] : memref<1000000x10xf32, #tpu.memory_space<hbm>> -> memref<1x10xf32, #tpu.memory_space<hbm>>
        %parallel_loop3A_267 = arith.constant 0 : i32
        %parallel_loop3A_268 = tpu.memref_slice %arg16[%parallel_loop3A_242, %parallel_loop3A_267] : memref<128x10xf32, #tpu.memory_space<vmem>> -> memref<1x10xf32, #tpu.memory_space<vmem>>
        %parallel_loop3A_269 = arith.constant 0 : i32
        %parallel_loop3A_270 = tpu.memref_slice %arg6[%parallel_loop3A_244, %parallel_loop3A_269] : memref<1000000x10xf32, #tpu.memory_space<hbm>> -> memref<1x10xf32, #tpu.memory_space<hbm>>
        tpu.enqueue_dma source(%parallel_loop3A_270 : memref<1x10xf32, #tpu.memory_space<hbm>>) target(%parallel_loop3A_268 : memref<1x10xf32, #tpu.memory_space<vmem>>) target_semaphore(%arg18 : memref<!tpu.dma_semaphore, #tpu.memory_space<semaphore_mem>>)
        %parallel_loop3A_271 = arith.constant 0 : i32
        %parallel_loop3A_272 = tpu.memref_slice %arg17[%parallel_loop3A_242, %parallel_loop3A_271] : memref<128x10xf32, #tpu.memory_space<vmem>> -> memref<1x10xf32, #tpu.memory_space<vmem>>
        %parallel_loop3A_273 = arith.constant 0 : i32
        %parallel_loop3A_274 = tpu.memref_slice %arg7[%parallel_loop3A_246, %parallel_loop3A_273] : memref<1000000x10xf32, #tpu.memory_space<hbm>> -> memref<1x10xf32, #tpu.memory_space<hbm>>
        %parallel_loop3A_275 = arith.constant 0 : i32
        %parallel_loop3A_276 = tpu.memref_slice %arg17[%parallel_loop3A_242, %parallel_loop3A_275] : memref<128x10xf32, #tpu.memory_space<vmem>> -> memref<1x10xf32, #tpu.memory_space<vmem>>
        %parallel_loop3A_277 = arith.constant 0 : i32
        %parallel_loop3A_278 = tpu.memref_slice %arg7[%parallel_loop3A_246, %parallel_loop3A_277] : memref<1000000x10xf32, #tpu.memory_space<hbm>> -> memref<1x10xf32, #tpu.memory_space<hbm>>
        tpu.enqueue_dma source(%parallel_loop3A_278 : memref<1x10xf32, #tpu.memory_space<hbm>>) target(%parallel_loop3A_276 : memref<1x10xf32, #tpu.memory_space<vmem>>) target_semaphore(%arg18 : memref<!tpu.dma_semaphore, #tpu.memory_space<semaphore_mem>>)
        %parallel_loop3A_279 = arith.constant 16 : i32
        %parallel_loop3A_280 = arith.muli %parallel_loop3A_29, %parallel_loop3A_279 : i32
        %parallel_loop3A_281 = arith.constant 6 : i32
        %parallel_loop3A_282 = arith.addi %parallel_loop3A_280, %parallel_loop3A_281 : i32
        %parallel_loop3A_283 = vector.extract_strided_slice %parallel_loop3A_35 {offsets = [6], sizes = [1], strides = [1]} : vector<16xi32> to vector<1xi32>
        %parallel_loop3A_284 = vector.extract %parallel_loop3A_283[0] : i32 from vector<1xi32>
        %parallel_loop3A_285 = vector.extract_strided_slice %parallel_loop3A_38 {offsets = [6], sizes = [1], strides = [1]} : vector<16xi32> to vector<1xi32>
        %parallel_loop3A_286 = vector.extract %parallel_loop3A_285[0] : i32 from vector<1xi32>
        %parallel_loop3A_287 = arith.constant 0 : i32
        %parallel_loop3A_288 = tpu.memref_slice %arg14[%parallel_loop3A_282, %parallel_loop3A_287] : memref<128x16xf32, #tpu.memory_space<vmem>> -> memref<1x16xf32, #tpu.memory_space<vmem>>
        %parallel_loop3A_289 = arith.constant 0 : i32
        %parallel_loop3A_290 = tpu.memref_slice %arg4[%parallel_loop3A_284, %parallel_loop3A_289] : memref<1000000x16xf32, #tpu.memory_space<hbm>> -> memref<1x16xf32, #tpu.memory_space<hbm>>
        %parallel_loop3A_291 = arith.constant 0 : i32
        %parallel_loop3A_292 = tpu.memref_slice %arg14[%parallel_loop3A_282, %parallel_loop3A_291] : memref<128x16xf32, #tpu.memory_space<vmem>> -> memref<1x16xf32, #tpu.memory_space<vmem>>
        %parallel_loop3A_293 = arith.constant 0 : i32
        %parallel_loop3A_294 = tpu.memref_slice %arg4[%parallel_loop3A_284, %parallel_loop3A_293] : memref<1000000x16xf32, #tpu.memory_space<hbm>> -> memref<1x16xf32, #tpu.memory_space<hbm>>
        tpu.enqueue_dma source(%parallel_loop3A_294 : memref<1x16xf32, #tpu.memory_space<hbm>>) target(%parallel_loop3A_292 : memref<1x16xf32, #tpu.memory_space<vmem>>) target_semaphore(%arg18 : memref<!tpu.dma_semaphore, #tpu.memory_space<semaphore_mem>>)
        %parallel_loop3A_295 = arith.constant 0 : i32
        %parallel_loop3A_296 = tpu.memref_slice %arg15[%parallel_loop3A_282, %parallel_loop3A_295] : memref<128x16xf32, #tpu.memory_space<vmem>> -> memref<1x16xf32, #tpu.memory_space<vmem>>
        %parallel_loop3A_297 = arith.constant 0 : i32
        %parallel_loop3A_298 = tpu.memref_slice %arg5[%parallel_loop3A_286, %parallel_loop3A_297] : memref<1000000x16xf32, #tpu.memory_space<hbm>> -> memref<1x16xf32, #tpu.memory_space<hbm>>
        %parallel_loop3A_299 = arith.constant 0 : i32
        %parallel_loop3A_300 = tpu.memref_slice %arg15[%parallel_loop3A_282, %parallel_loop3A_299] : memref<128x16xf32, #tpu.memory_space<vmem>> -> memref<1x16xf32, #tpu.memory_space<vmem>>
        %parallel_loop3A_301 = arith.constant 0 : i32
        %parallel_loop3A_302 = tpu.memref_slice %arg5[%parallel_loop3A_286, %parallel_loop3A_301] : memref<1000000x16xf32, #tpu.memory_space<hbm>> -> memref<1x16xf32, #tpu.memory_space<hbm>>
        tpu.enqueue_dma source(%parallel_loop3A_302 : memref<1x16xf32, #tpu.memory_space<hbm>>) target(%parallel_loop3A_300 : memref<1x16xf32, #tpu.memory_space<vmem>>) target_semaphore(%arg18 : memref<!tpu.dma_semaphore, #tpu.memory_space<semaphore_mem>>)
        %parallel_loop3A_303 = arith.constant 0 : i32
        %parallel_loop3A_304 = tpu.memref_slice %arg16[%parallel_loop3A_282, %parallel_loop3A_303] : memref<128x10xf32, #tpu.memory_space<vmem>> -> memref<1x10xf32, #tpu.memory_space<vmem>>
        %parallel_loop3A_305 = arith.constant 0 : i32
        %parallel_loop3A_306 = tpu.memref_slice %arg6[%parallel_loop3A_284, %parallel_loop3A_305] : memref<1000000x10xf32, #tpu.memory_space<hbm>> -> memref<1x10xf32, #tpu.memory_space<hbm>>
        %parallel_loop3A_307 = arith.constant 0 : i32
        %parallel_loop3A_308 = tpu.memref_slice %arg16[%parallel_loop3A_282, %parallel_loop3A_307] : memref<128x10xf32, #tpu.memory_space<vmem>> -> memref<1x10xf32, #tpu.memory_space<vmem>>
        %parallel_loop3A_309 = arith.constant 0 : i32
        %parallel_loop3A_310 = tpu.memref_slice %arg6[%parallel_loop3A_284, %parallel_loop3A_309] : memref<1000000x10xf32, #tpu.memory_space<hbm>> -> memref<1x10xf32, #tpu.memory_space<hbm>>
        tpu.enqueue_dma source(%parallel_loop3A_310 : memref<1x10xf32, #tpu.memory_space<hbm>>) target(%parallel_loop3A_308 : memref<1x10xf32, #tpu.memory_space<vmem>>) target_semaphore(%arg18 : memref<!tpu.dma_semaphore, #tpu.memory_space<semaphore_mem>>)
        %parallel_loop3A_311 = arith.constant 0 : i32
        %parallel_loop3A_312 = tpu.memref_slice %arg17[%parallel_loop3A_282, %parallel_loop3A_311] : memref<128x10xf32, #tpu.memory_space<vmem>> -> memref<1x10xf32, #tpu.memory_space<vmem>>
        %parallel_loop3A_313 = arith.constant 0 : i32
        %parallel_loop3A_314 = tpu.memref_slice %arg7[%parallel_loop3A_286, %parallel_loop3A_313] : memref<1000000x10xf32, #tpu.memory_space<hbm>> -> memref<1x10xf32, #tpu.memory_space<hbm>>
        %parallel_loop3A_315 = arith.constant 0 : i32
        %parallel_loop3A_316 = tpu.memref_slice %arg17[%parallel_loop3A_282, %parallel_loop3A_315] : memref<128x10xf32, #tpu.memory_space<vmem>> -> memref<1x10xf32, #tpu.memory_space<vmem>>
        %parallel_loop3A_317 = arith.constant 0 : i32
        %parallel_loop3A_318 = tpu.memref_slice %arg7[%parallel_loop3A_286, %parallel_loop3A_317] : memref<1000000x10xf32, #tpu.memory_space<hbm>> -> memref<1x10xf32, #tpu.memory_space<hbm>>
        tpu.enqueue_dma source(%parallel_loop3A_318 : memref<1x10xf32, #tpu.memory_space<hbm>>) target(%parallel_loop3A_316 : memref<1x10xf32, #tpu.memory_space<vmem>>) target_semaphore(%arg18 : memref<!tpu.dma_semaphore, #tpu.memory_space<semaphore_mem>>)
        %parallel_loop3A_319 = arith.constant 16 : i32
        %parallel_loop3A_320 = arith.muli %parallel_loop3A_29, %parallel_loop3A_319 : i32
        %parallel_loop3A_321 = arith.constant 7 : i32
        %parallel_loop3A_322 = arith.addi %parallel_loop3A_320, %parallel_loop3A_321 : i32
        %parallel_loop3A_323 = vector.extract_strided_slice %parallel_loop3A_35 {offsets = [7], sizes = [1], strides = [1]} : vector<16xi32> to vector<1xi32>
        %parallel_loop3A_324 = vector.extract %parallel_loop3A_323[0] : i32 from vector<1xi32>
        %parallel_loop3A_325 = vector.extract_strided_slice %parallel_loop3A_38 {offsets = [7], sizes = [1], strides = [1]} : vector<16xi32> to vector<1xi32>
        %parallel_loop3A_326 = vector.extract %parallel_loop3A_325[0] : i32 from vector<1xi32>
        %parallel_loop3A_327 = arith.constant 0 : i32
        %parallel_loop3A_328 = tpu.memref_slice %arg14[%parallel_loop3A_322, %parallel_loop3A_327] : memref<128x16xf32, #tpu.memory_space<vmem>> -> memref<1x16xf32, #tpu.memory_space<vmem>>
        %parallel_loop3A_329 = arith.constant 0 : i32
        %parallel_loop3A_330 = tpu.memref_slice %arg4[%parallel_loop3A_324, %parallel_loop3A_329] : memref<1000000x16xf32, #tpu.memory_space<hbm>> -> memref<1x16xf32, #tpu.memory_space<hbm>>
        %parallel_loop3A_331 = arith.constant 0 : i32
        %parallel_loop3A_332 = tpu.memref_slice %arg14[%parallel_loop3A_322, %parallel_loop3A_331] : memref<128x16xf32, #tpu.memory_space<vmem>> -> memref<1x16xf32, #tpu.memory_space<vmem>>
        %parallel_loop3A_333 = arith.constant 0 : i32
        %parallel_loop3A_334 = tpu.memref_slice %arg4[%parallel_loop3A_324, %parallel_loop3A_333] : memref<1000000x16xf32, #tpu.memory_space<hbm>> -> memref<1x16xf32, #tpu.memory_space<hbm>>
        tpu.enqueue_dma source(%parallel_loop3A_334 : memref<1x16xf32, #tpu.memory_space<hbm>>) target(%parallel_loop3A_332 : memref<1x16xf32, #tpu.memory_space<vmem>>) target_semaphore(%arg18 : memref<!tpu.dma_semaphore, #tpu.memory_space<semaphore_mem>>)
        %parallel_loop3A_335 = arith.constant 0 : i32
        %parallel_loop3A_336 = tpu.memref_slice %arg15[%parallel_loop3A_322, %parallel_loop3A_335] : memref<128x16xf32, #tpu.memory_space<vmem>> -> memref<1x16xf32, #tpu.memory_space<vmem>>
        %parallel_loop3A_337 = arith.constant 0 : i32
        %parallel_loop3A_338 = tpu.memref_slice %arg5[%parallel_loop3A_326, %parallel_loop3A_337] : memref<1000000x16xf32, #tpu.memory_space<hbm>> -> memref<1x16xf32, #tpu.memory_space<hbm>>
        %parallel_loop3A_339 = arith.constant 0 : i32
        %parallel_loop3A_340 = tpu.memref_slice %arg15[%parallel_loop3A_322, %parallel_loop3A_339] : memref<128x16xf32, #tpu.memory_space<vmem>> -> memref<1x16xf32, #tpu.memory_space<vmem>>
        %parallel_loop3A_341 = arith.constant 0 : i32
        %parallel_loop3A_342 = tpu.memref_slice %arg5[%parallel_loop3A_326, %parallel_loop3A_341] : memref<1000000x16xf32, #tpu.memory_space<hbm>> -> memref<1x16xf32, #tpu.memory_space<hbm>>
        tpu.enqueue_dma source(%parallel_loop3A_342 : memref<1x16xf32, #tpu.memory_space<hbm>>) target(%parallel_loop3A_340 : memref<1x16xf32, #tpu.memory_space<vmem>>) target_semaphore(%arg18 : memref<!tpu.dma_semaphore, #tpu.memory_space<semaphore_mem>>)
        %parallel_loop3A_343 = arith.constant 0 : i32
        %parallel_loop3A_344 = tpu.memref_slice %arg16[%parallel_loop3A_322, %parallel_loop3A_343] : memref<128x10xf32, #tpu.memory_space<vmem>> -> memref<1x10xf32, #tpu.memory_space<vmem>>
        %parallel_loop3A_345 = arith.constant 0 : i32
        %parallel_loop3A_346 = tpu.memref_slice %arg6[%parallel_loop3A_324, %parallel_loop3A_345] : memref<1000000x10xf32, #tpu.memory_space<hbm>> -> memref<1x10xf32, #tpu.memory_space<hbm>>
        %parallel_loop3A_347 = arith.constant 0 : i32
        %parallel_loop3A_348 = tpu.memref_slice %arg16[%parallel_loop3A_322, %parallel_loop3A_347] : memref<128x10xf32, #tpu.memory_space<vmem>> -> memref<1x10xf32, #tpu.memory_space<vmem>>
        %parallel_loop3A_349 = arith.constant 0 : i32
        %parallel_loop3A_350 = tpu.memref_slice %arg6[%parallel_loop3A_324, %parallel_loop3A_349] : memref<1000000x10xf32, #tpu.memory_space<hbm>> -> memref<1x10xf32, #tpu.memory_space<hbm>>
        tpu.enqueue_dma source(%parallel_loop3A_350 : memref<1x10xf32, #tpu.memory_space<hbm>>) target(%parallel_loop3A_348 : memref<1x10xf32, #tpu.memory_space<vmem>>) target_semaphore(%arg18 : memref<!tpu.dma_semaphore, #tpu.memory_space<semaphore_mem>>)
        %parallel_loop3A_351 = arith.constant 0 : i32
        %parallel_loop3A_352 = tpu.memref_slice %arg17[%parallel_loop3A_322, %parallel_loop3A_351] : memref<128x10xf32, #tpu.memory_space<vmem>> -> memref<1x10xf32, #tpu.memory_space<vmem>>
        %parallel_loop3A_353 = arith.constant 0 : i32
        %parallel_loop3A_354 = tpu.memref_slice %arg7[%parallel_loop3A_326, %parallel_loop3A_353] : memref<1000000x10xf32, #tpu.memory_space<hbm>> -> memref<1x10xf32, #tpu.memory_space<hbm>>
        %parallel_loop3A_355 = arith.constant 0 : i32
        %parallel_loop3A_356 = tpu.memref_slice %arg17[%parallel_loop3A_322, %parallel_loop3A_355] : memref<128x10xf32, #tpu.memory_space<vmem>> -> memref<1x10xf32, #tpu.memory_space<vmem>>
        %parallel_loop3A_357 = arith.constant 0 : i32
        %parallel_loop3A_358 = tpu.memref_slice %arg7[%parallel_loop3A_326, %parallel_loop3A_357] : memref<1000000x10xf32, #tpu.memory_space<hbm>> -> memref<1x10xf32, #tpu.memory_space<hbm>>
        tpu.enqueue_dma source(%parallel_loop3A_358 : memref<1x10xf32, #tpu.memory_space<hbm>>) target(%parallel_loop3A_356 : memref<1x10xf32, #tpu.memory_space<vmem>>) target_semaphore(%arg18 : memref<!tpu.dma_semaphore, #tpu.memory_space<semaphore_mem>>)
        %parallel_loop3A_359 = arith.constant 16 : i32
        %parallel_loop3A_360 = arith.muli %parallel_loop3A_29, %parallel_loop3A_359 : i32
        %parallel_loop3A_361 = arith.constant 8 : i32
        %parallel_loop3A_362 = arith.addi %parallel_loop3A_360, %parallel_loop3A_361 : i32
        %parallel_loop3A_363 = vector.extract_strided_slice %parallel_loop3A_35 {offsets = [8], sizes = [1], strides = [1]} : vector<16xi32> to vector<1xi32>
        %parallel_loop3A_364 = vector.extract %parallel_loop3A_363[0] : i32 from vector<1xi32>
        %parallel_loop3A_365 = vector.extract_strided_slice %parallel_loop3A_38 {offsets = [8], sizes = [1], strides = [1]} : vector<16xi32> to vector<1xi32>
        %parallel_loop3A_366 = vector.extract %parallel_loop3A_365[0] : i32 from vector<1xi32>
        %parallel_loop3A_367 = arith.constant 0 : i32
        %parallel_loop3A_368 = tpu.memref_slice %arg14[%parallel_loop3A_362, %parallel_loop3A_367] : memref<128x16xf32, #tpu.memory_space<vmem>> -> memref<1x16xf32, #tpu.memory_space<vmem>>
        %parallel_loop3A_369 = arith.constant 0 : i32
        %parallel_loop3A_370 = tpu.memref_slice %arg4[%parallel_loop3A_364, %parallel_loop3A_369] : memref<1000000x16xf32, #tpu.memory_space<hbm>> -> memref<1x16xf32, #tpu.memory_space<hbm>>
        %parallel_loop3A_371 = arith.constant 0 : i32
        %parallel_loop3A_372 = tpu.memref_slice %arg14[%parallel_loop3A_362, %parallel_loop3A_371] : memref<128x16xf32, #tpu.memory_space<vmem>> -> memref<1x16xf32, #tpu.memory_space<vmem>>
        %parallel_loop3A_373 = arith.constant 0 : i32
        %parallel_loop3A_374 = tpu.memref_slice %arg4[%parallel_loop3A_364, %parallel_loop3A_373] : memref<1000000x16xf32, #tpu.memory_space<hbm>> -> memref<1x16xf32, #tpu.memory_space<hbm>>
        tpu.enqueue_dma source(%parallel_loop3A_374 : memref<1x16xf32, #tpu.memory_space<hbm>>) target(%parallel_loop3A_372 : memref<1x16xf32, #tpu.memory_space<vmem>>) target_semaphore(%arg18 : memref<!tpu.dma_semaphore, #tpu.memory_space<semaphore_mem>>)
        %parallel_loop3A_375 = arith.constant 0 : i32
        %parallel_loop3A_376 = tpu.memref_slice %arg15[%parallel_loop3A_362, %parallel_loop3A_375] : memref<128x16xf32, #tpu.memory_space<vmem>> -> memref<1x16xf32, #tpu.memory_space<vmem>>
        %parallel_loop3A_377 = arith.constant 0 : i32
        %parallel_loop3A_378 = tpu.memref_slice %arg5[%parallel_loop3A_366, %parallel_loop3A_377] : memref<1000000x16xf32, #tpu.memory_space<hbm>> -> memref<1x16xf32, #tpu.memory_space<hbm>>
        %parallel_loop3A_379 = arith.constant 0 : i32
        %parallel_loop3A_380 = tpu.memref_slice %arg15[%parallel_loop3A_362, %parallel_loop3A_379] : memref<128x16xf32, #tpu.memory_space<vmem>> -> memref<1x16xf32, #tpu.memory_space<vmem>>
        %parallel_loop3A_381 = arith.constant 0 : i32
        %parallel_loop3A_382 = tpu.memref_slice %arg5[%parallel_loop3A_366, %parallel_loop3A_381] : memref<1000000x16xf32, #tpu.memory_space<hbm>> -> memref<1x16xf32, #tpu.memory_space<hbm>>
        tpu.enqueue_dma source(%parallel_loop3A_382 : memref<1x16xf32, #tpu.memory_space<hbm>>) target(%parallel_loop3A_380 : memref<1x16xf32, #tpu.memory_space<vmem>>) target_semaphore(%arg18 : memref<!tpu.dma_semaphore, #tpu.memory_space<semaphore_mem>>)
        %parallel_loop3A_383 = arith.constant 0 : i32
        %parallel_loop3A_384 = tpu.memref_slice %arg16[%parallel_loop3A_362, %parallel_loop3A_383] : memref<128x10xf32, #tpu.memory_space<vmem>> -> memref<1x10xf32, #tpu.memory_space<vmem>>
        %parallel_loop3A_385 = arith.constant 0 : i32
        %parallel_loop3A_386 = tpu.memref_slice %arg6[%parallel_loop3A_364, %parallel_loop3A_385] : memref<1000000x10xf32, #tpu.memory_space<hbm>> -> memref<1x10xf32, #tpu.memory_space<hbm>>
        %parallel_loop3A_387 = arith.constant 0 : i32
        %parallel_loop3A_388 = tpu.memref_slice %arg16[%parallel_loop3A_362, %parallel_loop3A_387] : memref<128x10xf32, #tpu.memory_space<vmem>> -> memref<1x10xf32, #tpu.memory_space<vmem>>
        %parallel_loop3A_389 = arith.constant 0 : i32
        %parallel_loop3A_390 = tpu.memref_slice %arg6[%parallel_loop3A_364, %parallel_loop3A_389] : memref<1000000x10xf32, #tpu.memory_space<hbm>> -> memref<1x10xf32, #tpu.memory_space<hbm>>
        tpu.enqueue_dma source(%parallel_loop3A_390 : memref<1x10xf32, #tpu.memory_space<hbm>>) target(%parallel_loop3A_388 : memref<1x10xf32, #tpu.memory_space<vmem>>) target_semaphore(%arg18 : memref<!tpu.dma_semaphore, #tpu.memory_space<semaphore_mem>>)
        %parallel_loop3A_391 = arith.constant 0 : i32
        %parallel_loop3A_392 = tpu.memref_slice %arg17[%parallel_loop3A_362, %parallel_loop3A_391] : memref<128x10xf32, #tpu.memory_space<vmem>> -> memref<1x10xf32, #tpu.memory_space<vmem>>
        %parallel_loop3A_393 = arith.constant 0 : i32
        %parallel_loop3A_394 = tpu.memref_slice %arg7[%parallel_loop3A_366, %parallel_loop3A_393] : memref<1000000x10xf32, #tpu.memory_space<hbm>> -> memref<1x10xf32, #tpu.memory_space<hbm>>
        %parallel_loop3A_395 = arith.constant 0 : i32
        %parallel_loop3A_396 = tpu.memref_slice %arg17[%parallel_loop3A_362, %parallel_loop3A_395] : memref<128x10xf32, #tpu.memory_space<vmem>> -> memref<1x10xf32, #tpu.memory_space<vmem>>
        %parallel_loop3A_397 = arith.constant 0 : i32
        %parallel_loop3A_398 = tpu.memref_slice %arg7[%parallel_loop3A_366, %parallel_loop3A_397] : memref<1000000x10xf32, #tpu.memory_space<hbm>> -> memref<1x10xf32, #tpu.memory_space<hbm>>
        tpu.enqueue_dma source(%parallel_loop3A_398 : memref<1x10xf32, #tpu.memory_space<hbm>>) target(%parallel_loop3A_396 : memref<1x10xf32, #tpu.memory_space<vmem>>) target_semaphore(%arg18 : memref<!tpu.dma_semaphore, #tpu.memory_space<semaphore_mem>>)
        %parallel_loop3A_399 = arith.constant 16 : i32
        %parallel_loop3A_400 = arith.muli %parallel_loop3A_29, %parallel_loop3A_399 : i32
        %parallel_loop3A_401 = arith.constant 9 : i32
        %parallel_loop3A_402 = arith.addi %parallel_loop3A_400, %parallel_loop3A_401 : i32
        %parallel_loop3A_403 = vector.extract_strided_slice %parallel_loop3A_35 {offsets = [9], sizes = [1], strides = [1]} : vector<16xi32> to vector<1xi32>
        %parallel_loop3A_404 = vector.extract %parallel_loop3A_403[0] : i32 from vector<1xi32>
        %parallel_loop3A_405 = vector.extract_strided_slice %parallel_loop3A_38 {offsets = [9], sizes = [1], strides = [1]} : vector<16xi32> to vector<1xi32>
        %parallel_loop3A_406 = vector.extract %parallel_loop3A_405[0] : i32 from vector<1xi32>
        %parallel_loop3A_407 = arith.constant 0 : i32
        %parallel_loop3A_408 = tpu.memref_slice %arg14[%parallel_loop3A_402, %parallel_loop3A_407] : memref<128x16xf32, #tpu.memory_space<vmem>> -> memref<1x16xf32, #tpu.memory_space<vmem>>
        %parallel_loop3A_409 = arith.constant 0 : i32
        %parallel_loop3A_410 = tpu.memref_slice %arg4[%parallel_loop3A_404, %parallel_loop3A_409] : memref<1000000x16xf32, #tpu.memory_space<hbm>> -> memref<1x16xf32, #tpu.memory_space<hbm>>
        %parallel_loop3A_411 = arith.constant 0 : i32
        %parallel_loop3A_412 = tpu.memref_slice %arg14[%parallel_loop3A_402, %parallel_loop3A_411] : memref<128x16xf32, #tpu.memory_space<vmem>> -> memref<1x16xf32, #tpu.memory_space<vmem>>
        %parallel_loop3A_413 = arith.constant 0 : i32
        %parallel_loop3A_414 = tpu.memref_slice %arg4[%parallel_loop3A_404, %parallel_loop3A_413] : memref<1000000x16xf32, #tpu.memory_space<hbm>> -> memref<1x16xf32, #tpu.memory_space<hbm>>
        tpu.enqueue_dma source(%parallel_loop3A_414 : memref<1x16xf32, #tpu.memory_space<hbm>>) target(%parallel_loop3A_412 : memref<1x16xf32, #tpu.memory_space<vmem>>) target_semaphore(%arg18 : memref<!tpu.dma_semaphore, #tpu.memory_space<semaphore_mem>>)
        %parallel_loop3A_415 = arith.constant 0 : i32
        %parallel_loop3A_416 = tpu.memref_slice %arg15[%parallel_loop3A_402, %parallel_loop3A_415] : memref<128x16xf32, #tpu.memory_space<vmem>> -> memref<1x16xf32, #tpu.memory_space<vmem>>
        %parallel_loop3A_417 = arith.constant 0 : i32
        %parallel_loop3A_418 = tpu.memref_slice %arg5[%parallel_loop3A_406, %parallel_loop3A_417] : memref<1000000x16xf32, #tpu.memory_space<hbm>> -> memref<1x16xf32, #tpu.memory_space<hbm>>
        %parallel_loop3A_419 = arith.constant 0 : i32
        %parallel_loop3A_420 = tpu.memref_slice %arg15[%parallel_loop3A_402, %parallel_loop3A_419] : memref<128x16xf32, #tpu.memory_space<vmem>> -> memref<1x16xf32, #tpu.memory_space<vmem>>
        %parallel_loop3A_421 = arith.constant 0 : i32
        %parallel_loop3A_422 = tpu.memref_slice %arg5[%parallel_loop3A_406, %parallel_loop3A_421] : memref<1000000x16xf32, #tpu.memory_space<hbm>> -> memref<1x16xf32, #tpu.memory_space<hbm>>
        tpu.enqueue_dma source(%parallel_loop3A_422 : memref<1x16xf32, #tpu.memory_space<hbm>>) target(%parallel_loop3A_420 : memref<1x16xf32, #tpu.memory_space<vmem>>) target_semaphore(%arg18 : memref<!tpu.dma_semaphore, #tpu.memory_space<semaphore_mem>>)
        %parallel_loop3A_423 = arith.constant 0 : i32
        %parallel_loop3A_424 = tpu.memref_slice %arg16[%parallel_loop3A_402, %parallel_loop3A_423] : memref<128x10xf32, #tpu.memory_space<vmem>> -> memref<1x10xf32, #tpu.memory_space<vmem>>
        %parallel_loop3A_425 = arith.constant 0 : i32
        %parallel_loop3A_426 = tpu.memref_slice %arg6[%parallel_loop3A_404, %parallel_loop3A_425] : memref<1000000x10xf32, #tpu.memory_space<hbm>> -> memref<1x10xf32, #tpu.memory_space<hbm>>
        %parallel_loop3A_427 = arith.constant 0 : i32
        %parallel_loop3A_428 = tpu.memref_slice %arg16[%parallel_loop3A_402, %parallel_loop3A_427] : memref<128x10xf32, #tpu.memory_space<vmem>> -> memref<1x10xf32, #tpu.memory_space<vmem>>
        %parallel_loop3A_429 = arith.constant 0 : i32
        %parallel_loop3A_430 = tpu.memref_slice %arg6[%parallel_loop3A_404, %parallel_loop3A_429] : memref<1000000x10xf32, #tpu.memory_space<hbm>> -> memref<1x10xf32, #tpu.memory_space<hbm>>
        tpu.enqueue_dma source(%parallel_loop3A_430 : memref<1x10xf32, #tpu.memory_space<hbm>>) target(%parallel_loop3A_428 : memref<1x10xf32, #tpu.memory_space<vmem>>) target_semaphore(%arg18 : memref<!tpu.dma_semaphore, #tpu.memory_space<semaphore_mem>>)
        %parallel_loop3A_431 = arith.constant 0 : i32
        %parallel_loop3A_432 = tpu.memref_slice %arg17[%parallel_loop3A_402, %parallel_loop3A_431] : memref<128x10xf32, #tpu.memory_space<vmem>> -> memref<1x10xf32, #tpu.memory_space<vmem>>
        %parallel_loop3A_433 = arith.constant 0 : i32
        %parallel_loop3A_434 = tpu.memref_slice %arg7[%parallel_loop3A_406, %parallel_loop3A_433] : memref<1000000x10xf32, #tpu.memory_space<hbm>> -> memref<1x10xf32, #tpu.memory_space<hbm>>
        %parallel_loop3A_435 = arith.constant 0 : i32
        %parallel_loop3A_436 = tpu.memref_slice %arg17[%parallel_loop3A_402, %parallel_loop3A_435] : memref<128x10xf32, #tpu.memory_space<vmem>> -> memref<1x10xf32, #tpu.memory_space<vmem>>
        %parallel_loop3A_437 = arith.constant 0 : i32
        %parallel_loop3A_438 = tpu.memref_slice %arg7[%parallel_loop3A_406, %parallel_loop3A_437] : memref<1000000x10xf32, #tpu.memory_space<hbm>> -> memref<1x10xf32, #tpu.memory_space<hbm>>
        tpu.enqueue_dma source(%parallel_loop3A_438 : memref<1x10xf32, #tpu.memory_space<hbm>>) target(%parallel_loop3A_436 : memref<1x10xf32, #tpu.memory_space<vmem>>) target_semaphore(%arg18 : memref<!tpu.dma_semaphore, #tpu.memory_space<semaphore_mem>>)
        %parallel_loop3A_439 = arith.constant 16 : i32
        %parallel_loop3A_440 = arith.muli %parallel_loop3A_29, %parallel_loop3A_439 : i32
        %parallel_loop3A_441 = arith.constant 10 : i32
        %parallel_loop3A_442 = arith.addi %parallel_loop3A_440, %parallel_loop3A_441 : i32
        %parallel_loop3A_443 = vector.extract_strided_slice %parallel_loop3A_35 {offsets = [10], sizes = [1], strides = [1]} : vector<16xi32> to vector<1xi32>
        %parallel_loop3A_444 = vector.extract %parallel_loop3A_443[0] : i32 from vector<1xi32>
        %parallel_loop3A_445 = vector.extract_strided_slice %parallel_loop3A_38 {offsets = [10], sizes = [1], strides = [1]} : vector<16xi32> to vector<1xi32>
        %parallel_loop3A_446 = vector.extract %parallel_loop3A_445[0] : i32 from vector<1xi32>
        %parallel_loop3A_447 = arith.constant 0 : i32
        %parallel_loop3A_448 = tpu.memref_slice %arg14[%parallel_loop3A_442, %parallel_loop3A_447] : memref<128x16xf32, #tpu.memory_space<vmem>> -> memref<1x16xf32, #tpu.memory_space<vmem>>
        %parallel_loop3A_449 = arith.constant 0 : i32
        %parallel_loop3A_450 = tpu.memref_slice %arg4[%parallel_loop3A_444, %parallel_loop3A_449] : memref<1000000x16xf32, #tpu.memory_space<hbm>> -> memref<1x16xf32, #tpu.memory_space<hbm>>
        %parallel_loop3A_451 = arith.constant 0 : i32
        %parallel_loop3A_452 = tpu.memref_slice %arg14[%parallel_loop3A_442, %parallel_loop3A_451] : memref<128x16xf32, #tpu.memory_space<vmem>> -> memref<1x16xf32, #tpu.memory_space<vmem>>
        %parallel_loop3A_453 = arith.constant 0 : i32
        %parallel_loop3A_454 = tpu.memref_slice %arg4[%parallel_loop3A_444, %parallel_loop3A_453] : memref<1000000x16xf32, #tpu.memory_space<hbm>> -> memref<1x16xf32, #tpu.memory_space<hbm>>
        tpu.enqueue_dma source(%parallel_loop3A_454 : memref<1x16xf32, #tpu.memory_space<hbm>>) target(%parallel_loop3A_452 : memref<1x16xf32, #tpu.memory_space<vmem>>) target_semaphore(%arg18 : memref<!tpu.dma_semaphore, #tpu.memory_space<semaphore_mem>>)
        %parallel_loop3A_455 = arith.constant 0 : i32
        %parallel_loop3A_456 = tpu.memref_slice %arg15[%parallel_loop3A_442, %parallel_loop3A_455] : memref<128x16xf32, #tpu.memory_space<vmem>> -> memref<1x16xf32, #tpu.memory_space<vmem>>
        %parallel_loop3A_457 = arith.constant 0 : i32
        %parallel_loop3A_458 = tpu.memref_slice %arg5[%parallel_loop3A_446, %parallel_loop3A_457] : memref<1000000x16xf32, #tpu.memory_space<hbm>> -> memref<1x16xf32, #tpu.memory_space<hbm>>
        %parallel_loop3A_459 = arith.constant 0 : i32
        %parallel_loop3A_460 = tpu.memref_slice %arg15[%parallel_loop3A_442, %parallel_loop3A_459] : memref<128x16xf32, #tpu.memory_space<vmem>> -> memref<1x16xf32, #tpu.memory_space<vmem>>
        %parallel_loop3A_461 = arith.constant 0 : i32
        %parallel_loop3A_462 = tpu.memref_slice %arg5[%parallel_loop3A_446, %parallel_loop3A_461] : memref<1000000x16xf32, #tpu.memory_space<hbm>> -> memref<1x16xf32, #tpu.memory_space<hbm>>
        tpu.enqueue_dma source(%parallel_loop3A_462 : memref<1x16xf32, #tpu.memory_space<hbm>>) target(%parallel_loop3A_460 : memref<1x16xf32, #tpu.memory_space<vmem>>) target_semaphore(%arg18 : memref<!tpu.dma_semaphore, #tpu.memory_space<semaphore_mem>>)
        %parallel_loop3A_463 = arith.constant 0 : i32
        %parallel_loop3A_464 = tpu.memref_slice %arg16[%parallel_loop3A_442, %parallel_loop3A_463] : memref<128x10xf32, #tpu.memory_space<vmem>> -> memref<1x10xf32, #tpu.memory_space<vmem>>
        %parallel_loop3A_465 = arith.constant 0 : i32
        %parallel_loop3A_466 = tpu.memref_slice %arg6[%parallel_loop3A_444, %parallel_loop3A_465] : memref<1000000x10xf32, #tpu.memory_space<hbm>> -> memref<1x10xf32, #tpu.memory_space<hbm>>
        %parallel_loop3A_467 = arith.constant 0 : i32
        %parallel_loop3A_468 = tpu.memref_slice %arg16[%parallel_loop3A_442, %parallel_loop3A_467] : memref<128x10xf32, #tpu.memory_space<vmem>> -> memref<1x10xf32, #tpu.memory_space<vmem>>
        %parallel_loop3A_469 = arith.constant 0 : i32
        %parallel_loop3A_470 = tpu.memref_slice %arg6[%parallel_loop3A_444, %parallel_loop3A_469] : memref<1000000x10xf32, #tpu.memory_space<hbm>> -> memref<1x10xf32, #tpu.memory_space<hbm>>
        tpu.enqueue_dma source(%parallel_loop3A_470 : memref<1x10xf32, #tpu.memory_space<hbm>>) target(%parallel_loop3A_468 : memref<1x10xf32, #tpu.memory_space<vmem>>) target_semaphore(%arg18 : memref<!tpu.dma_semaphore, #tpu.memory_space<semaphore_mem>>)
        %parallel_loop3A_471 = arith.constant 0 : i32
        %parallel_loop3A_472 = tpu.memref_slice %arg17[%parallel_loop3A_442, %parallel_loop3A_471] : memref<128x10xf32, #tpu.memory_space<vmem>> -> memref<1x10xf32, #tpu.memory_space<vmem>>
        %parallel_loop3A_473 = arith.constant 0 : i32
        %parallel_loop3A_474 = tpu.memref_slice %arg7[%parallel_loop3A_446, %parallel_loop3A_473] : memref<1000000x10xf32, #tpu.memory_space<hbm>> -> memref<1x10xf32, #tpu.memory_space<hbm>>
        %parallel_loop3A_475 = arith.constant 0 : i32
        %parallel_loop3A_476 = tpu.memref_slice %arg17[%parallel_loop3A_442, %parallel_loop3A_475] : memref<128x10xf32, #tpu.memory_space<vmem>> -> memref<1x10xf32, #tpu.memory_space<vmem>>
        %parallel_loop3A_477 = arith.constant 0 : i32
        %parallel_loop3A_478 = tpu.memref_slice %arg7[%parallel_loop3A_446, %parallel_loop3A_477] : memref<1000000x10xf32, #tpu.memory_space<hbm>> -> memref<1x10xf32, #tpu.memory_space<hbm>>
        tpu.enqueue_dma source(%parallel_loop3A_478 : memref<1x10xf32, #tpu.memory_space<hbm>>) target(%parallel_loop3A_476 : memref<1x10xf32, #tpu.memory_space<vmem>>) target_semaphore(%arg18 : memref<!tpu.dma_semaphore, #tpu.memory_space<semaphore_mem>>)
        %parallel_loop3A_479 = arith.constant 16 : i32
        %parallel_loop3A_480 = arith.muli %parallel_loop3A_29, %parallel_loop3A_479 : i32
        %parallel_loop3A_481 = arith.constant 11 : i32
        %parallel_loop3A_482 = arith.addi %parallel_loop3A_480, %parallel_loop3A_481 : i32
        %parallel_loop3A_483 = vector.extract_strided_slice %parallel_loop3A_35 {offsets = [11], sizes = [1], strides = [1]} : vector<16xi32> to vector<1xi32>
        %parallel_loop3A_484 = vector.extract %parallel_loop3A_483[0] : i32 from vector<1xi32>
        %parallel_loop3A_485 = vector.extract_strided_slice %parallel_loop3A_38 {offsets = [11], sizes = [1], strides = [1]} : vector<16xi32> to vector<1xi32>
        %parallel_loop3A_486 = vector.extract %parallel_loop3A_485[0] : i32 from vector<1xi32>
        %parallel_loop3A_487 = arith.constant 0 : i32
        %parallel_loop3A_488 = tpu.memref_slice %arg14[%parallel_loop3A_482, %parallel_loop3A_487] : memref<128x16xf32, #tpu.memory_space<vmem>> -> memref<1x16xf32, #tpu.memory_space<vmem>>
        %parallel_loop3A_489 = arith.constant 0 : i32
        %parallel_loop3A_490 = tpu.memref_slice %arg4[%parallel_loop3A_484, %parallel_loop3A_489] : memref<1000000x16xf32, #tpu.memory_space<hbm>> -> memref<1x16xf32, #tpu.memory_space<hbm>>
        %parallel_loop3A_491 = arith.constant 0 : i32
        %parallel_loop3A_492 = tpu.memref_slice %arg14[%parallel_loop3A_482, %parallel_loop3A_491] : memref<128x16xf32, #tpu.memory_space<vmem>> -> memref<1x16xf32, #tpu.memory_space<vmem>>
        %parallel_loop3A_493 = arith.constant 0 : i32
        %parallel_loop3A_494 = tpu.memref_slice %arg4[%parallel_loop3A_484, %parallel_loop3A_493] : memref<1000000x16xf32, #tpu.memory_space<hbm>> -> memref<1x16xf32, #tpu.memory_space<hbm>>
        tpu.enqueue_dma source(%parallel_loop3A_494 : memref<1x16xf32, #tpu.memory_space<hbm>>) target(%parallel_loop3A_492 : memref<1x16xf32, #tpu.memory_space<vmem>>) target_semaphore(%arg18 : memref<!tpu.dma_semaphore, #tpu.memory_space<semaphore_mem>>)
        %parallel_loop3A_495 = arith.constant 0 : i32
        %parallel_loop3A_496 = tpu.memref_slice %arg15[%parallel_loop3A_482, %parallel_loop3A_495] : memref<128x16xf32, #tpu.memory_space<vmem>> -> memref<1x16xf32, #tpu.memory_space<vmem>>
        %parallel_loop3A_497 = arith.constant 0 : i32
        %parallel_loop3A_498 = tpu.memref_slice %arg5[%parallel_loop3A_486, %parallel_loop3A_497] : memref<1000000x16xf32, #tpu.memory_space<hbm>> -> memref<1x16xf32, #tpu.memory_space<hbm>>
        %parallel_loop3A_499 = arith.constant 0 : i32
        %parallel_loop3A_500 = tpu.memref_slice %arg15[%parallel_loop3A_482, %parallel_loop3A_499] : memref<128x16xf32, #tpu.memory_space<vmem>> -> memref<1x16xf32, #tpu.memory_space<vmem>>
        %parallel_loop3A_501 = arith.constant 0 : i32
        %parallel_loop3A_502 = tpu.memref_slice %arg5[%parallel_loop3A_486, %parallel_loop3A_501] : memref<1000000x16xf32, #tpu.memory_space<hbm>> -> memref<1x16xf32, #tpu.memory_space<hbm>>
        tpu.enqueue_dma source(%parallel_loop3A_502 : memref<1x16xf32, #tpu.memory_space<hbm>>) target(%parallel_loop3A_500 : memref<1x16xf32, #tpu.memory_space<vmem>>) target_semaphore(%arg18 : memref<!tpu.dma_semaphore, #tpu.memory_space<semaphore_mem>>)
        %parallel_loop3A_503 = arith.constant 0 : i32
        %parallel_loop3A_504 = tpu.memref_slice %arg16[%parallel_loop3A_482, %parallel_loop3A_503] : memref<128x10xf32, #tpu.memory_space<vmem>> -> memref<1x10xf32, #tpu.memory_space<vmem>>
        %parallel_loop3A_505 = arith.constant 0 : i32
        %parallel_loop3A_506 = tpu.memref_slice %arg6[%parallel_loop3A_484, %parallel_loop3A_505] : memref<1000000x10xf32, #tpu.memory_space<hbm>> -> memref<1x10xf32, #tpu.memory_space<hbm>>
        %parallel_loop3A_507 = arith.constant 0 : i32
        %parallel_loop3A_508 = tpu.memref_slice %arg16[%parallel_loop3A_482, %parallel_loop3A_507] : memref<128x10xf32, #tpu.memory_space<vmem>> -> memref<1x10xf32, #tpu.memory_space<vmem>>
        %parallel_loop3A_509 = arith.constant 0 : i32
        %parallel_loop3A_510 = tpu.memref_slice %arg6[%parallel_loop3A_484, %parallel_loop3A_509] : memref<1000000x10xf32, #tpu.memory_space<hbm>> -> memref<1x10xf32, #tpu.memory_space<hbm>>
        tpu.enqueue_dma source(%parallel_loop3A_510 : memref<1x10xf32, #tpu.memory_space<hbm>>) target(%parallel_loop3A_508 : memref<1x10xf32, #tpu.memory_space<vmem>>) target_semaphore(%arg18 : memref<!tpu.dma_semaphore, #tpu.memory_space<semaphore_mem>>)
        %parallel_loop3A_511 = arith.constant 0 : i32
        %parallel_loop3A_512 = tpu.memref_slice %arg17[%parallel_loop3A_482, %parallel_loop3A_511] : memref<128x10xf32, #tpu.memory_space<vmem>> -> memref<1x10xf32, #tpu.memory_space<vmem>>
        %parallel_loop3A_513 = arith.constant 0 : i32
        %parallel_loop3A_514 = tpu.memref_slice %arg7[%parallel_loop3A_486, %parallel_loop3A_513] : memref<1000000x10xf32, #tpu.memory_space<hbm>> -> memref<1x10xf32, #tpu.memory_space<hbm>>
        %parallel_loop3A_515 = arith.constant 0 : i32
        %parallel_loop3A_516 = tpu.memref_slice %arg17[%parallel_loop3A_482, %parallel_loop3A_515] : memref<128x10xf32, #tpu.memory_space<vmem>> -> memref<1x10xf32, #tpu.memory_space<vmem>>
        %parallel_loop3A_517 = arith.constant 0 : i32
        %parallel_loop3A_518 = tpu.memref_slice %arg7[%parallel_loop3A_486, %parallel_loop3A_517] : memref<1000000x10xf32, #tpu.memory_space<hbm>> -> memref<1x10xf32, #tpu.memory_space<hbm>>
        tpu.enqueue_dma source(%parallel_loop3A_518 : memref<1x10xf32, #tpu.memory_space<hbm>>) target(%parallel_loop3A_516 : memref<1x10xf32, #tpu.memory_space<vmem>>) target_semaphore(%arg18 : memref<!tpu.dma_semaphore, #tpu.memory_space<semaphore_mem>>)
        %parallel_loop3A_519 = arith.constant 16 : i32
        %parallel_loop3A_520 = arith.muli %parallel_loop3A_29, %parallel_loop3A_519 : i32
        %parallel_loop3A_521 = arith.constant 12 : i32
        %parallel_loop3A_522 = arith.addi %parallel_loop3A_520, %parallel_loop3A_521 : i32
        %parallel_loop3A_523 = vector.extract_strided_slice %parallel_loop3A_35 {offsets = [12], sizes = [1], strides = [1]} : vector<16xi32> to vector<1xi32>
        %parallel_loop3A_524 = vector.extract %parallel_loop3A_523[0] : i32 from vector<1xi32>
        %parallel_loop3A_525 = vector.extract_strided_slice %parallel_loop3A_38 {offsets = [12], sizes = [1], strides = [1]} : vector<16xi32> to vector<1xi32>
        %parallel_loop3A_526 = vector.extract %parallel_loop3A_525[0] : i32 from vector<1xi32>
        %parallel_loop3A_527 = arith.constant 0 : i32
        %parallel_loop3A_528 = tpu.memref_slice %arg14[%parallel_loop3A_522, %parallel_loop3A_527] : memref<128x16xf32, #tpu.memory_space<vmem>> -> memref<1x16xf32, #tpu.memory_space<vmem>>
        %parallel_loop3A_529 = arith.constant 0 : i32
        %parallel_loop3A_530 = tpu.memref_slice %arg4[%parallel_loop3A_524, %parallel_loop3A_529] : memref<1000000x16xf32, #tpu.memory_space<hbm>> -> memref<1x16xf32, #tpu.memory_space<hbm>>
        %parallel_loop3A_531 = arith.constant 0 : i32
        %parallel_loop3A_532 = tpu.memref_slice %arg14[%parallel_loop3A_522, %parallel_loop3A_531] : memref<128x16xf32, #tpu.memory_space<vmem>> -> memref<1x16xf32, #tpu.memory_space<vmem>>
        %parallel_loop3A_533 = arith.constant 0 : i32
        %parallel_loop3A_534 = tpu.memref_slice %arg4[%parallel_loop3A_524, %parallel_loop3A_533] : memref<1000000x16xf32, #tpu.memory_space<hbm>> -> memref<1x16xf32, #tpu.memory_space<hbm>>
        tpu.enqueue_dma source(%parallel_loop3A_534 : memref<1x16xf32, #tpu.memory_space<hbm>>) target(%parallel_loop3A_532 : memref<1x16xf32, #tpu.memory_space<vmem>>) target_semaphore(%arg18 : memref<!tpu.dma_semaphore, #tpu.memory_space<semaphore_mem>>)
        %parallel_loop3A_535 = arith.constant 0 : i32
        %parallel_loop3A_536 = tpu.memref_slice %arg15[%parallel_loop3A_522, %parallel_loop3A_535] : memref<128x16xf32, #tpu.memory_space<vmem>> -> memref<1x16xf32, #tpu.memory_space<vmem>>
        %parallel_loop3A_537 = arith.constant 0 : i32
        %parallel_loop3A_538 = tpu.memref_slice %arg5[%parallel_loop3A_526, %parallel_loop3A_537] : memref<1000000x16xf32, #tpu.memory_space<hbm>> -> memref<1x16xf32, #tpu.memory_space<hbm>>
        %parallel_loop3A_539 = arith.constant 0 : i32
        %parallel_loop3A_540 = tpu.memref_slice %arg15[%parallel_loop3A_522, %parallel_loop3A_539] : memref<128x16xf32, #tpu.memory_space<vmem>> -> memref<1x16xf32, #tpu.memory_space<vmem>>
        %parallel_loop3A_541 = arith.constant 0 : i32
        %parallel_loop3A_542 = tpu.memref_slice %arg5[%parallel_loop3A_526, %parallel_loop3A_541] : memref<1000000x16xf32, #tpu.memory_space<hbm>> -> memref<1x16xf32, #tpu.memory_space<hbm>>
        tpu.enqueue_dma source(%parallel_loop3A_542 : memref<1x16xf32, #tpu.memory_space<hbm>>) target(%parallel_loop3A_540 : memref<1x16xf32, #tpu.memory_space<vmem>>) target_semaphore(%arg18 : memref<!tpu.dma_semaphore, #tpu.memory_space<semaphore_mem>>)
        %parallel_loop3A_543 = arith.constant 0 : i32
        %parallel_loop3A_544 = tpu.memref_slice %arg16[%parallel_loop3A_522, %parallel_loop3A_543] : memref<128x10xf32, #tpu.memory_space<vmem>> -> memref<1x10xf32, #tpu.memory_space<vmem>>
        %parallel_loop3A_545 = arith.constant 0 : i32
        %parallel_loop3A_546 = tpu.memref_slice %arg6[%parallel_loop3A_524, %parallel_loop3A_545] : memref<1000000x10xf32, #tpu.memory_space<hbm>> -> memref<1x10xf32, #tpu.memory_space<hbm>>
        %parallel_loop3A_547 = arith.constant 0 : i32
        %parallel_loop3A_548 = tpu.memref_slice %arg16[%parallel_loop3A_522, %parallel_loop3A_547] : memref<128x10xf32, #tpu.memory_space<vmem>> -> memref<1x10xf32, #tpu.memory_space<vmem>>
        %parallel_loop3A_549 = arith.constant 0 : i32
        %parallel_loop3A_550 = tpu.memref_slice %arg6[%parallel_loop3A_524, %parallel_loop3A_549] : memref<1000000x10xf32, #tpu.memory_space<hbm>> -> memref<1x10xf32, #tpu.memory_space<hbm>>
        tpu.enqueue_dma source(%parallel_loop3A_550 : memref<1x10xf32, #tpu.memory_space<hbm>>) target(%parallel_loop3A_548 : memref<1x10xf32, #tpu.memory_space<vmem>>) target_semaphore(%arg18 : memref<!tpu.dma_semaphore, #tpu.memory_space<semaphore_mem>>)
        %parallel_loop3A_551 = arith.constant 0 : i32
        %parallel_loop3A_552 = tpu.memref_slice %arg17[%parallel_loop3A_522, %parallel_loop3A_551] : memref<128x10xf32, #tpu.memory_space<vmem>> -> memref<1x10xf32, #tpu.memory_space<vmem>>
        %parallel_loop3A_553 = arith.constant 0 : i32
        %parallel_loop3A_554 = tpu.memref_slice %arg7[%parallel_loop3A_526, %parallel_loop3A_553] : memref<1000000x10xf32, #tpu.memory_space<hbm>> -> memref<1x10xf32, #tpu.memory_space<hbm>>
        %parallel_loop3A_555 = arith.constant 0 : i32
        %parallel_loop3A_556 = tpu.memref_slice %arg17[%parallel_loop3A_522, %parallel_loop3A_555] : memref<128x10xf32, #tpu.memory_space<vmem>> -> memref<1x10xf32, #tpu.memory_space<vmem>>
        %parallel_loop3A_557 = arith.constant 0 : i32
        %parallel_loop3A_558 = tpu.memref_slice %arg7[%parallel_loop3A_526, %parallel_loop3A_557] : memref<1000000x10xf32, #tpu.memory_space<hbm>> -> memref<1x10xf32, #tpu.memory_space<hbm>>
        tpu.enqueue_dma source(%parallel_loop3A_558 : memref<1x10xf32, #tpu.memory_space<hbm>>) target(%parallel_loop3A_556 : memref<1x10xf32, #tpu.memory_space<vmem>>) target_semaphore(%arg18 : memref<!tpu.dma_semaphore, #tpu.memory_space<semaphore_mem>>)
        %parallel_loop3A_559 = arith.constant 16 : i32
        %parallel_loop3A_560 = arith.muli %parallel_loop3A_29, %parallel_loop3A_559 : i32
        %parallel_loop3A_561 = arith.constant 13 : i32
        %parallel_loop3A_562 = arith.addi %parallel_loop3A_560, %parallel_loop3A_561 : i32
        %parallel_loop3A_563 = vector.extract_strided_slice %parallel_loop3A_35 {offsets = [13], sizes = [1], strides = [1]} : vector<16xi32> to vector<1xi32>
        %parallel_loop3A_564 = vector.extract %parallel_loop3A_563[0] : i32 from vector<1xi32>
        %parallel_loop3A_565 = vector.extract_strided_slice %parallel_loop3A_38 {offsets = [13], sizes = [1], strides = [1]} : vector<16xi32> to vector<1xi32>
        %parallel_loop3A_566 = vector.extract %parallel_loop3A_565[0] : i32 from vector<1xi32>
        %parallel_loop3A_567 = arith.constant 0 : i32
        %parallel_loop3A_568 = tpu.memref_slice %arg14[%parallel_loop3A_562, %parallel_loop3A_567] : memref<128x16xf32, #tpu.memory_space<vmem>> -> memref<1x16xf32, #tpu.memory_space<vmem>>
        %parallel_loop3A_569 = arith.constant 0 : i32
        %parallel_loop3A_570 = tpu.memref_slice %arg4[%parallel_loop3A_564, %parallel_loop3A_569] : memref<1000000x16xf32, #tpu.memory_space<hbm>> -> memref<1x16xf32, #tpu.memory_space<hbm>>
        %parallel_loop3A_571 = arith.constant 0 : i32
        %parallel_loop3A_572 = tpu.memref_slice %arg14[%parallel_loop3A_562, %parallel_loop3A_571] : memref<128x16xf32, #tpu.memory_space<vmem>> -> memref<1x16xf32, #tpu.memory_space<vmem>>
        %parallel_loop3A_573 = arith.constant 0 : i32
        %parallel_loop3A_574 = tpu.memref_slice %arg4[%parallel_loop3A_564, %parallel_loop3A_573] : memref<1000000x16xf32, #tpu.memory_space<hbm>> -> memref<1x16xf32, #tpu.memory_space<hbm>>
        tpu.enqueue_dma source(%parallel_loop3A_574 : memref<1x16xf32, #tpu.memory_space<hbm>>) target(%parallel_loop3A_572 : memref<1x16xf32, #tpu.memory_space<vmem>>) target_semaphore(%arg18 : memref<!tpu.dma_semaphore, #tpu.memory_space<semaphore_mem>>)
        %parallel_loop3A_575 = arith.constant 0 : i32
        %parallel_loop3A_576 = tpu.memref_slice %arg15[%parallel_loop3A_562, %parallel_loop3A_575] : memref<128x16xf32, #tpu.memory_space<vmem>> -> memref<1x16xf32, #tpu.memory_space<vmem>>
        %parallel_loop3A_577 = arith.constant 0 : i32
        %parallel_loop3A_578 = tpu.memref_slice %arg5[%parallel_loop3A_566, %parallel_loop3A_577] : memref<1000000x16xf32, #tpu.memory_space<hbm>> -> memref<1x16xf32, #tpu.memory_space<hbm>>
        %parallel_loop3A_579 = arith.constant 0 : i32
        %parallel_loop3A_580 = tpu.memref_slice %arg15[%parallel_loop3A_562, %parallel_loop3A_579] : memref<128x16xf32, #tpu.memory_space<vmem>> -> memref<1x16xf32, #tpu.memory_space<vmem>>
        %parallel_loop3A_581 = arith.constant 0 : i32
        %parallel_loop3A_582 = tpu.memref_slice %arg5[%parallel_loop3A_566, %parallel_loop3A_581] : memref<1000000x16xf32, #tpu.memory_space<hbm>> -> memref<1x16xf32, #tpu.memory_space<hbm>>
        tpu.enqueue_dma source(%parallel_loop3A_582 : memref<1x16xf32, #tpu.memory_space<hbm>>) target(%parallel_loop3A_580 : memref<1x16xf32, #tpu.memory_space<vmem>>) target_semaphore(%arg18 : memref<!tpu.dma_semaphore, #tpu.memory_space<semaphore_mem>>)
        %parallel_loop3A_583 = arith.constant 0 : i32
        %parallel_loop3A_584 = tpu.memref_slice %arg16[%parallel_loop3A_562, %parallel_loop3A_583] : memref<128x10xf32, #tpu.memory_space<vmem>> -> memref<1x10xf32, #tpu.memory_space<vmem>>
        %parallel_loop3A_585 = arith.constant 0 : i32
        %parallel_loop3A_586 = tpu.memref_slice %arg6[%parallel_loop3A_564, %parallel_loop3A_585] : memref<1000000x10xf32, #tpu.memory_space<hbm>> -> memref<1x10xf32, #tpu.memory_space<hbm>>
        %parallel_loop3A_587 = arith.constant 0 : i32
        %parallel_loop3A_588 = tpu.memref_slice %arg16[%parallel_loop3A_562, %parallel_loop3A_587] : memref<128x10xf32, #tpu.memory_space<vmem>> -> memref<1x10xf32, #tpu.memory_space<vmem>>
        %parallel_loop3A_589 = arith.constant 0 : i32
        %parallel_loop3A_590 = tpu.memref_slice %arg6[%parallel_loop3A_564, %parallel_loop3A_589] : memref<1000000x10xf32, #tpu.memory_space<hbm>> -> memref<1x10xf32, #tpu.memory_space<hbm>>
        tpu.enqueue_dma source(%parallel_loop3A_590 : memref<1x10xf32, #tpu.memory_space<hbm>>) target(%parallel_loop3A_588 : memref<1x10xf32, #tpu.memory_space<vmem>>) target_semaphore(%arg18 : memref<!tpu.dma_semaphore, #tpu.memory_space<semaphore_mem>>)
        %parallel_loop3A_591 = arith.constant 0 : i32
        %parallel_loop3A_592 = tpu.memref_slice %arg17[%parallel_loop3A_562, %parallel_loop3A_591] : memref<128x10xf32, #tpu.memory_space<vmem>> -> memref<1x10xf32, #tpu.memory_space<vmem>>
        %parallel_loop3A_593 = arith.constant 0 : i32
        %parallel_loop3A_594 = tpu.memref_slice %arg7[%parallel_loop3A_566, %parallel_loop3A_593] : memref<1000000x10xf32, #tpu.memory_space<hbm>> -> memref<1x10xf32, #tpu.memory_space<hbm>>
        %parallel_loop3A_595 = arith.constant 0 : i32
        %parallel_loop3A_596 = tpu.memref_slice %arg17[%parallel_loop3A_562, %parallel_loop3A_595] : memref<128x10xf32, #tpu.memory_space<vmem>> -> memref<1x10xf32, #tpu.memory_space<vmem>>
        %parallel_loop3A_597 = arith.constant 0 : i32
        %parallel_loop3A_598 = tpu.memref_slice %arg7[%parallel_loop3A_566, %parallel_loop3A_597] : memref<1000000x10xf32, #tpu.memory_space<hbm>> -> memref<1x10xf32, #tpu.memory_space<hbm>>
        tpu.enqueue_dma source(%parallel_loop3A_598 : memref<1x10xf32, #tpu.memory_space<hbm>>) target(%parallel_loop3A_596 : memref<1x10xf32, #tpu.memory_space<vmem>>) target_semaphore(%arg18 : memref<!tpu.dma_semaphore, #tpu.memory_space<semaphore_mem>>)
        %parallel_loop3A_599 = arith.constant 16 : i32
        %parallel_loop3A_600 = arith.muli %parallel_loop3A_29, %parallel_loop3A_599 : i32
        %parallel_loop3A_601 = arith.constant 14 : i32
        %parallel_loop3A_602 = arith.addi %parallel_loop3A_600, %parallel_loop3A_601 : i32
        %parallel_loop3A_603 = vector.extract_strided_slice %parallel_loop3A_35 {offsets = [14], sizes = [1], strides = [1]} : vector<16xi32> to vector<1xi32>
        %parallel_loop3A_604 = vector.extract %parallel_loop3A_603[0] : i32 from vector<1xi32>
        %parallel_loop3A_605 = vector.extract_strided_slice %parallel_loop3A_38 {offsets = [14], sizes = [1], strides = [1]} : vector<16xi32> to vector<1xi32>
        %parallel_loop3A_606 = vector.extract %parallel_loop3A_605[0] : i32 from vector<1xi32>
        %parallel_loop3A_607 = arith.constant 0 : i32
        %parallel_loop3A_608 = tpu.memref_slice %arg14[%parallel_loop3A_602, %parallel_loop3A_607] : memref<128x16xf32, #tpu.memory_space<vmem>> -> memref<1x16xf32, #tpu.memory_space<vmem>>
        %parallel_loop3A_609 = arith.constant 0 : i32
        %parallel_loop3A_610 = tpu.memref_slice %arg4[%parallel_loop3A_604, %parallel_loop3A_609] : memref<1000000x16xf32, #tpu.memory_space<hbm>> -> memref<1x16xf32, #tpu.memory_space<hbm>>
        %parallel_loop3A_611 = arith.constant 0 : i32
        %parallel_loop3A_612 = tpu.memref_slice %arg14[%parallel_loop3A_602, %parallel_loop3A_611] : memref<128x16xf32, #tpu.memory_space<vmem>> -> memref<1x16xf32, #tpu.memory_space<vmem>>
        %parallel_loop3A_613 = arith.constant 0 : i32
        %parallel_loop3A_614 = tpu.memref_slice %arg4[%parallel_loop3A_604, %parallel_loop3A_613] : memref<1000000x16xf32, #tpu.memory_space<hbm>> -> memref<1x16xf32, #tpu.memory_space<hbm>>
        tpu.enqueue_dma source(%parallel_loop3A_614 : memref<1x16xf32, #tpu.memory_space<hbm>>) target(%parallel_loop3A_612 : memref<1x16xf32, #tpu.memory_space<vmem>>) target_semaphore(%arg18 : memref<!tpu.dma_semaphore, #tpu.memory_space<semaphore_mem>>)
        %parallel_loop3A_615 = arith.constant 0 : i32
        %parallel_loop3A_616 = tpu.memref_slice %arg15[%parallel_loop3A_602, %parallel_loop3A_615] : memref<128x16xf32, #tpu.memory_space<vmem>> -> memref<1x16xf32, #tpu.memory_space<vmem>>
        %parallel_loop3A_617 = arith.constant 0 : i32
        %parallel_loop3A_618 = tpu.memref_slice %arg5[%parallel_loop3A_606, %parallel_loop3A_617] : memref<1000000x16xf32, #tpu.memory_space<hbm>> -> memref<1x16xf32, #tpu.memory_space<hbm>>
        %parallel_loop3A_619 = arith.constant 0 : i32
        %parallel_loop3A_620 = tpu.memref_slice %arg15[%parallel_loop3A_602, %parallel_loop3A_619] : memref<128x16xf32, #tpu.memory_space<vmem>> -> memref<1x16xf32, #tpu.memory_space<vmem>>
        %parallel_loop3A_621 = arith.constant 0 : i32
        %parallel_loop3A_622 = tpu.memref_slice %arg5[%parallel_loop3A_606, %parallel_loop3A_621] : memref<1000000x16xf32, #tpu.memory_space<hbm>> -> memref<1x16xf32, #tpu.memory_space<hbm>>
        tpu.enqueue_dma source(%parallel_loop3A_622 : memref<1x16xf32, #tpu.memory_space<hbm>>) target(%parallel_loop3A_620 : memref<1x16xf32, #tpu.memory_space<vmem>>) target_semaphore(%arg18 : memref<!tpu.dma_semaphore, #tpu.memory_space<semaphore_mem>>)
        %parallel_loop3A_623 = arith.constant 0 : i32
        %parallel_loop3A_624 = tpu.memref_slice %arg16[%parallel_loop3A_602, %parallel_loop3A_623] : memref<128x10xf32, #tpu.memory_space<vmem>> -> memref<1x10xf32, #tpu.memory_space<vmem>>
        %parallel_loop3A_625 = arith.constant 0 : i32
        %parallel_loop3A_626 = tpu.memref_slice %arg6[%parallel_loop3A_604, %parallel_loop3A_625] : memref<1000000x10xf32, #tpu.memory_space<hbm>> -> memref<1x10xf32, #tpu.memory_space<hbm>>
        %parallel_loop3A_627 = arith.constant 0 : i32
        %parallel_loop3A_628 = tpu.memref_slice %arg16[%parallel_loop3A_602, %parallel_loop3A_627] : memref<128x10xf32, #tpu.memory_space<vmem>> -> memref<1x10xf32, #tpu.memory_space<vmem>>
        %parallel_loop3A_629 = arith.constant 0 : i32
        %parallel_loop3A_630 = tpu.memref_slice %arg6[%parallel_loop3A_604, %parallel_loop3A_629] : memref<1000000x10xf32, #tpu.memory_space<hbm>> -> memref<1x10xf32, #tpu.memory_space<hbm>>
        tpu.enqueue_dma source(%parallel_loop3A_630 : memref<1x10xf32, #tpu.memory_space<hbm>>) target(%parallel_loop3A_628 : memref<1x10xf32, #tpu.memory_space<vmem>>) target_semaphore(%arg18 : memref<!tpu.dma_semaphore, #tpu.memory_space<semaphore_mem>>)
        %parallel_loop3A_631 = arith.constant 0 : i32
        %parallel_loop3A_632 = tpu.memref_slice %arg17[%parallel_loop3A_602, %parallel_loop3A_631] : memref<128x10xf32, #tpu.memory_space<vmem>> -> memref<1x10xf32, #tpu.memory_space<vmem>>
        %parallel_loop3A_633 = arith.constant 0 : i32
        %parallel_loop3A_634 = tpu.memref_slice %arg7[%parallel_loop3A_606, %parallel_loop3A_633] : memref<1000000x10xf32, #tpu.memory_space<hbm>> -> memref<1x10xf32, #tpu.memory_space<hbm>>
        %parallel_loop3A_635 = arith.constant 0 : i32
        %parallel_loop3A_636 = tpu.memref_slice %arg17[%parallel_loop3A_602, %parallel_loop3A_635] : memref<128x10xf32, #tpu.memory_space<vmem>> -> memref<1x10xf32, #tpu.memory_space<vmem>>
        %parallel_loop3A_637 = arith.constant 0 : i32
        %parallel_loop3A_638 = tpu.memref_slice %arg7[%parallel_loop3A_606, %parallel_loop3A_637] : memref<1000000x10xf32, #tpu.memory_space<hbm>> -> memref<1x10xf32, #tpu.memory_space<hbm>>
        tpu.enqueue_dma source(%parallel_loop3A_638 : memref<1x10xf32, #tpu.memory_space<hbm>>) target(%parallel_loop3A_636 : memref<1x10xf32, #tpu.memory_space<vmem>>) target_semaphore(%arg18 : memref<!tpu.dma_semaphore, #tpu.memory_space<semaphore_mem>>)
        %parallel_loop3A_639 = arith.constant 16 : i32
        %parallel_loop3A_640 = arith.muli %parallel_loop3A_29, %parallel_loop3A_639 : i32
        %parallel_loop3A_641 = arith.constant 15 : i32
        %parallel_loop3A_642 = arith.addi %parallel_loop3A_640, %parallel_loop3A_641 : i32
        %parallel_loop3A_643 = vector.extract_strided_slice %parallel_loop3A_35 {offsets = [15], sizes = [1], strides = [1]} : vector<16xi32> to vector<1xi32>
        %parallel_loop3A_644 = vector.extract %parallel_loop3A_643[0] : i32 from vector<1xi32>
        %parallel_loop3A_645 = vector.extract_strided_slice %parallel_loop3A_38 {offsets = [15], sizes = [1], strides = [1]} : vector<16xi32> to vector<1xi32>
        %parallel_loop3A_646 = vector.extract %parallel_loop3A_645[0] : i32 from vector<1xi32>
        %parallel_loop3A_647 = arith.constant 0 : i32
        %parallel_loop3A_648 = tpu.memref_slice %arg14[%parallel_loop3A_642, %parallel_loop3A_647] : memref<128x16xf32, #tpu.memory_space<vmem>> -> memref<1x16xf32, #tpu.memory_space<vmem>>
        %parallel_loop3A_649 = arith.constant 0 : i32
        %parallel_loop3A_650 = tpu.memref_slice %arg4[%parallel_loop3A_644, %parallel_loop3A_649] : memref<1000000x16xf32, #tpu.memory_space<hbm>> -> memref<1x16xf32, #tpu.memory_space<hbm>>
        %parallel_loop3A_651 = arith.constant 0 : i32
        %parallel_loop3A_652 = tpu.memref_slice %arg14[%parallel_loop3A_642, %parallel_loop3A_651] : memref<128x16xf32, #tpu.memory_space<vmem>> -> memref<1x16xf32, #tpu.memory_space<vmem>>
        %parallel_loop3A_653 = arith.constant 0 : i32
        %parallel_loop3A_654 = tpu.memref_slice %arg4[%parallel_loop3A_644, %parallel_loop3A_653] : memref<1000000x16xf32, #tpu.memory_space<hbm>> -> memref<1x16xf32, #tpu.memory_space<hbm>>
        tpu.enqueue_dma source(%parallel_loop3A_654 : memref<1x16xf32, #tpu.memory_space<hbm>>) target(%parallel_loop3A_652 : memref<1x16xf32, #tpu.memory_space<vmem>>) target_semaphore(%arg18 : memref<!tpu.dma_semaphore, #tpu.memory_space<semaphore_mem>>)
        %parallel_loop3A_655 = arith.constant 0 : i32
        %parallel_loop3A_656 = tpu.memref_slice %arg15[%parallel_loop3A_642, %parallel_loop3A_655] : memref<128x16xf32, #tpu.memory_space<vmem>> -> memref<1x16xf32, #tpu.memory_space<vmem>>
        %parallel_loop3A_657 = arith.constant 0 : i32
        %parallel_loop3A_658 = tpu.memref_slice %arg5[%parallel_loop3A_646, %parallel_loop3A_657] : memref<1000000x16xf32, #tpu.memory_space<hbm>> -> memref<1x16xf32, #tpu.memory_space<hbm>>
        %parallel_loop3A_659 = arith.constant 0 : i32
        %parallel_loop3A_660 = tpu.memref_slice %arg15[%parallel_loop3A_642, %parallel_loop3A_659] : memref<128x16xf32, #tpu.memory_space<vmem>> -> memref<1x16xf32, #tpu.memory_space<vmem>>
        %parallel_loop3A_661 = arith.constant 0 : i32
        %parallel_loop3A_662 = tpu.memref_slice %arg5[%parallel_loop3A_646, %parallel_loop3A_661] : memref<1000000x16xf32, #tpu.memory_space<hbm>> -> memref<1x16xf32, #tpu.memory_space<hbm>>
        tpu.enqueue_dma source(%parallel_loop3A_662 : memref<1x16xf32, #tpu.memory_space<hbm>>) target(%parallel_loop3A_660 : memref<1x16xf32, #tpu.memory_space<vmem>>) target_semaphore(%arg18 : memref<!tpu.dma_semaphore, #tpu.memory_space<semaphore_mem>>)
        %parallel_loop3A_663 = arith.constant 0 : i32
        %parallel_loop3A_664 = tpu.memref_slice %arg16[%parallel_loop3A_642, %parallel_loop3A_663] : memref<128x10xf32, #tpu.memory_space<vmem>> -> memref<1x10xf32, #tpu.memory_space<vmem>>
        %parallel_loop3A_665 = arith.constant 0 : i32
        %parallel_loop3A_666 = tpu.memref_slice %arg6[%parallel_loop3A_644, %parallel_loop3A_665] : memref<1000000x10xf32, #tpu.memory_space<hbm>> -> memref<1x10xf32, #tpu.memory_space<hbm>>
        %parallel_loop3A_667 = arith.constant 0 : i32
        %parallel_loop3A_668 = tpu.memref_slice %arg16[%parallel_loop3A_642, %parallel_loop3A_667] : memref<128x10xf32, #tpu.memory_space<vmem>> -> memref<1x10xf32, #tpu.memory_space<vmem>>
        %parallel_loop3A_669 = arith.constant 0 : i32
        %parallel_loop3A_670 = tpu.memref_slice %arg6[%parallel_loop3A_644, %parallel_loop3A_669] : memref<1000000x10xf32, #tpu.memory_space<hbm>> -> memref<1x10xf32, #tpu.memory_space<hbm>>
        tpu.enqueue_dma source(%parallel_loop3A_670 : memref<1x10xf32, #tpu.memory_space<hbm>>) target(%parallel_loop3A_668 : memref<1x10xf32, #tpu.memory_space<vmem>>) target_semaphore(%arg18 : memref<!tpu.dma_semaphore, #tpu.memory_space<semaphore_mem>>)
        %parallel_loop3A_671 = arith.constant 0 : i32
        %parallel_loop3A_672 = tpu.memref_slice %arg17[%parallel_loop3A_642, %parallel_loop3A_671] : memref<128x10xf32, #tpu.memory_space<vmem>> -> memref<1x10xf32, #tpu.memory_space<vmem>>
        %parallel_loop3A_673 = arith.constant 0 : i32
        %parallel_loop3A_674 = tpu.memref_slice %arg7[%parallel_loop3A_646, %parallel_loop3A_673] : memref<1000000x10xf32, #tpu.memory_space<hbm>> -> memref<1x10xf32, #tpu.memory_space<hbm>>
        %parallel_loop3A_675 = arith.constant 0 : i32
        %parallel_loop3A_676 = tpu.memref_slice %arg17[%parallel_loop3A_642, %parallel_loop3A_675] : memref<128x10xf32, #tpu.memory_space<vmem>> -> memref<1x10xf32, #tpu.memory_space<vmem>>
        %parallel_loop3A_677 = arith.constant 0 : i32
        %parallel_loop3A_678 = tpu.memref_slice %arg7[%parallel_loop3A_646, %parallel_loop3A_677] : memref<1000000x10xf32, #tpu.memory_space<hbm>> -> memref<1x10xf32, #tpu.memory_space<hbm>>
        tpu.enqueue_dma source(%parallel_loop3A_678 : memref<1x10xf32, #tpu.memory_space<hbm>>) target(%parallel_loop3A_676 : memref<1x10xf32, #tpu.memory_space<vmem>>) target_semaphore(%arg18 : memref<!tpu.dma_semaphore, #tpu.memory_space<semaphore_mem>>)
      } {sc.loop_unroll_factor = 2 : i64, sc.parallel_access}
      %add3A_13 = arith.addi %mul3A_2, %mul3A_10 : i32
      %dma_wait3A = arith.constant 0 : i32
      %dma_wait3A_14 = tpu.memref_slice %arg8[%add3A_13, %dma_wait3A] : memref<16384x16xf32, #tpu.memory_space<hbm>> -> memref<128x16xf32, #tpu.memory_space<hbm>>
      %dma_wait3A_15 = arith.constant 0 : i32
      %dma_wait3A_16 = tpu.memref_slice %arg8[%add3A_13, %dma_wait3A_15] : memref<16384x16xf32, #tpu.memory_space<hbm>> -> memref<128x16xf32, #tpu.memory_space<hbm>>
      tpu.wait_dma2 semaphore(%arg18 : memref<!tpu.dma_semaphore, #tpu.memory_space<semaphore_mem>>) src(%dma_wait3A_16 : memref<128x16xf32, #tpu.memory_space<hbm>>) dst(%arg14 : memref<128x16xf32, #tpu.memory_space<vmem>>)
      %dma_wait3A_17 = arith.constant 0 : i32
      %dma_wait3A_18 = tpu.memref_slice %arg9[%add3A_13, %dma_wait3A_17] : memref<16384x16xf32, #tpu.memory_space<hbm>> -> memref<128x16xf32, #tpu.memory_space<hbm>>
      %dma_wait3A_19 = arith.constant 0 : i32
      %dma_wait3A_20 = tpu.memref_slice %arg9[%add3A_13, %dma_wait3A_19] : memref<16384x16xf32, #tpu.memory_space<hbm>> -> memref<128x16xf32, #tpu.memory_space<hbm>>
      tpu.wait_dma2 semaphore(%arg18 : memref<!tpu.dma_semaphore, #tpu.memory_space<semaphore_mem>>) src(%dma_wait3A_20 : memref<128x16xf32, #tpu.memory_space<hbm>>) dst(%arg15 : memref<128x16xf32, #tpu.memory_space<vmem>>)
      %dma_wait3A_21 = arith.constant 0 : i32
      %dma_wait3A_22 = tpu.memref_slice %arg10[%add3A_13, %dma_wait3A_21] : memref<16384x10xf32, #tpu.memory_space<hbm>> -> memref<128x10xf32, #tpu.memory_space<hbm>>
      %dma_wait3A_23 = arith.constant 0 : i32
      %dma_wait3A_24 = tpu.memref_slice %arg10[%add3A_13, %dma_wait3A_23] : memref<16384x10xf32, #tpu.memory_space<hbm>> -> memref<128x10xf32, #tpu.memory_space<hbm>>
      tpu.wait_dma2 semaphore(%arg18 : memref<!tpu.dma_semaphore, #tpu.memory_space<semaphore_mem>>) src(%dma_wait3A_24 : memref<128x10xf32, #tpu.memory_space<hbm>>) dst(%arg16 : memref<128x10xf32, #tpu.memory_space<vmem>>)
      %dma_wait3A_25 = arith.constant 0 : i32
      %dma_wait3A_26 = tpu.memref_slice %arg11[%add3A_13, %dma_wait3A_25] : memref<16384x10xf32, #tpu.memory_space<hbm>> -> memref<128x10xf32, #tpu.memory_space<hbm>>
      %dma_wait3A_27 = arith.constant 0 : i32
      %dma_wait3A_28 = tpu.memref_slice %arg11[%add3A_13, %dma_wait3A_27] : memref<16384x10xf32, #tpu.memory_space<hbm>> -> memref<128x10xf32, #tpu.memory_space<hbm>>
      tpu.wait_dma2 semaphore(%arg18 : memref<!tpu.dma_semaphore, #tpu.memory_space<semaphore_mem>>) src(%dma_wait3A_28 : memref<128x10xf32, #tpu.memory_space<hbm>>) dst(%arg17 : memref<128x10xf32, #tpu.memory_space<vmem>>)
      "tpu.region"() ({
        %run_scoped3A = tpu.sem_alloc : memref<!tpu.dma_semaphore, #tpu.memory_space<semaphore_mem>>
        %dma_start3A = arith.constant 0 : i32
        %dma_start3A_29 = tpu.memref_slice %arg8[%add3A_13, %dma_start3A] : memref<16384x16xf32, #tpu.memory_space<hbm>> -> memref<128x16xf32, #tpu.memory_space<hbm>>
        %dma_start3A_30 = arith.constant 0 : i32
        %dma_start3A_31 = tpu.memref_slice %arg8[%add3A_13, %dma_start3A_30] : memref<16384x16xf32, #tpu.memory_space<hbm>> -> memref<128x16xf32, #tpu.memory_space<hbm>>
        tpu.enqueue_dma source(%arg14 : memref<128x16xf32, #tpu.memory_space<vmem>>) target(%dma_start3A_31 : memref<128x16xf32, #tpu.memory_space<hbm>>) target_semaphore(%run_scoped3A : memref<!tpu.dma_semaphore, #tpu.memory_space<semaphore_mem>>)
        %dma_wait3A_32 = arith.constant 0 : i32
        %dma_wait3A_33 = tpu.memref_slice %arg8[%add3A_13, %dma_wait3A_32] : memref<16384x16xf32, #tpu.memory_space<hbm>> -> memref<128x16xf32, #tpu.memory_space<hbm>>
        %dma_wait3A_34 = arith.constant 0 : i32
        %dma_wait3A_35 = tpu.memref_slice %arg8[%add3A_13, %dma_wait3A_34] : memref<16384x16xf32, #tpu.memory_space<hbm>> -> memref<128x16xf32, #tpu.memory_space<hbm>>
        tpu.wait_dma2 semaphore(%run_scoped3A : memref<!tpu.dma_semaphore, #tpu.memory_space<semaphore_mem>>) src(%arg14 : memref<128x16xf32, #tpu.memory_space<vmem>>) dst(%dma_wait3A_35 : memref<128x16xf32, #tpu.memory_space<hbm>>)
        tpu.yield
      }) : () -> ()
      "tpu.region"() ({
        %run_scoped3A = tpu.sem_alloc : memref<!tpu.dma_semaphore, #tpu.memory_space<semaphore_mem>>
        %dma_start3A = arith.constant 0 : i32
        %dma_start3A_29 = tpu.memref_slice %arg9[%add3A_13, %dma_start3A] : memref<16384x16xf32, #tpu.memory_space<hbm>> -> memref<128x16xf32, #tpu.memory_space<hbm>>
        %dma_start3A_30 = arith.constant 0 : i32
        %dma_start3A_31 = tpu.memref_slice %arg9[%add3A_13, %dma_start3A_30] : memref<16384x16xf32, #tpu.memory_space<hbm>> -> memref<128x16xf32, #tpu.memory_space<hbm>>
        tpu.enqueue_dma source(%arg15 : memref<128x16xf32, #tpu.memory_space<vmem>>) target(%dma_start3A_31 : memref<128x16xf32, #tpu.memory_space<hbm>>) target_semaphore(%run_scoped3A : memref<!tpu.dma_semaphore, #tpu.memory_space<semaphore_mem>>)
        %dma_wait3A_32 = arith.constant 0 : i32
        %dma_wait3A_33 = tpu.memref_slice %arg9[%add3A_13, %dma_wait3A_32] : memref<16384x16xf32, #tpu.memory_space<hbm>> -> memref<128x16xf32, #tpu.memory_space<hbm>>
        %dma_wait3A_34 = arith.constant 0 : i32
        %dma_wait3A_35 = tpu.memref_slice %arg9[%add3A_13, %dma_wait3A_34] : memref<16384x16xf32, #tpu.memory_space<hbm>> -> memref<128x16xf32, #tpu.memory_space<hbm>>
        tpu.wait_dma2 semaphore(%run_scoped3A : memref<!tpu.dma_semaphore, #tpu.memory_space<semaphore_mem>>) src(%arg15 : memref<128x16xf32, #tpu.memory_space<vmem>>) dst(%dma_wait3A_35 : memref<128x16xf32, #tpu.memory_space<hbm>>)
        tpu.yield
      }) : () -> ()
      "tpu.region"() ({
        %run_scoped3A = tpu.sem_alloc : memref<!tpu.dma_semaphore, #tpu.memory_space<semaphore_mem>>
        %dma_start3A = arith.constant 0 : i32
        %dma_start3A_29 = tpu.memref_slice %arg10[%add3A_13, %dma_start3A] : memref<16384x10xf32, #tpu.memory_space<hbm>> -> memref<128x10xf32, #tpu.memory_space<hbm>>
        %dma_start3A_30 = arith.constant 0 : i32
        %dma_start3A_31 = tpu.memref_slice %arg10[%add3A_13, %dma_start3A_30] : memref<16384x10xf32, #tpu.memory_space<hbm>> -> memref<128x10xf32, #tpu.memory_space<hbm>>
        tpu.enqueue_dma source(%arg16 : memref<128x10xf32, #tpu.memory_space<vmem>>) target(%dma_start3A_31 : memref<128x10xf32, #tpu.memory_space<hbm>>) target_semaphore(%run_scoped3A : memref<!tpu.dma_semaphore, #tpu.memory_space<semaphore_mem>>)
        %dma_wait3A_32 = arith.constant 0 : i32
        %dma_wait3A_33 = tpu.memref_slice %arg10[%add3A_13, %dma_wait3A_32] : memref<16384x10xf32, #tpu.memory_space<hbm>> -> memref<128x10xf32, #tpu.memory_space<hbm>>
        %dma_wait3A_34 = arith.constant 0 : i32
        %dma_wait3A_35 = tpu.memref_slice %arg10[%add3A_13, %dma_wait3A_34] : memref<16384x10xf32, #tpu.memory_space<hbm>> -> memref<128x10xf32, #tpu.memory_space<hbm>>
        tpu.wait_dma2 semaphore(%run_scoped3A : memref<!tpu.dma_semaphore, #tpu.memory_space<semaphore_mem>>) src(%arg16 : memref<128x10xf32, #tpu.memory_space<vmem>>) dst(%dma_wait3A_35 : memref<128x10xf32, #tpu.memory_space<hbm>>)
        tpu.yield
      }) : () -> ()
      "tpu.region"() ({
        %run_scoped3A = tpu.sem_alloc : memref<!tpu.dma_semaphore, #tpu.memory_space<semaphore_mem>>
        %dma_start3A = arith.constant 0 : i32
        %dma_start3A_29 = tpu.memref_slice %arg11[%add3A_13, %dma_start3A] : memref<16384x10xf32, #tpu.memory_space<hbm>> -> memref<128x10xf32, #tpu.memory_space<hbm>>
        %dma_start3A_30 = arith.constant 0 : i32
        %dma_start3A_31 = tpu.memref_slice %arg11[%add3A_13, %dma_start3A_30] : memref<16384x10xf32, #tpu.memory_space<hbm>> -> memref<128x10xf32, #tpu.memory_space<hbm>>
        tpu.enqueue_dma source(%arg17 : memref<128x10xf32, #tpu.memory_space<vmem>>) target(%dma_start3A_31 : memref<128x10xf32, #tpu.memory_space<hbm>>) target_semaphore(%run_scoped3A : memref<!tpu.dma_semaphore, #tpu.memory_space<semaphore_mem>>)
        %dma_wait3A_32 = arith.constant 0 : i32
        %dma_wait3A_33 = tpu.memref_slice %arg11[%add3A_13, %dma_wait3A_32] : memref<16384x10xf32, #tpu.memory_space<hbm>> -> memref<128x10xf32, #tpu.memory_space<hbm>>
        %dma_wait3A_34 = arith.constant 0 : i32
        %dma_wait3A_35 = tpu.memref_slice %arg11[%add3A_13, %dma_wait3A_34] : memref<16384x10xf32, #tpu.memory_space<hbm>> -> memref<128x10xf32, #tpu.memory_space<hbm>>
        tpu.wait_dma2 semaphore(%run_scoped3A : memref<!tpu.dma_semaphore, #tpu.memory_space<semaphore_mem>>) src(%arg17 : memref<128x10xf32, #tpu.memory_space<vmem>>) dst(%dma_wait3A_35 : memref<128x10xf32, #tpu.memory_space<hbm>>)
        tpu.yield
      }) : () -> ()
    }
    %scan3A_7 = arith.constant 4 : i32
    return
  }
}

module attributes {stable_mosaic.version = 14 : i64} {
  func.func @_tc_mlp_body(%arg0: i32, %arg1: memref<2048x16xf32, #tpu.memory_space<vmem>>, %arg2: memref<2048x16xf32, #tpu.memory_space<vmem>>, %arg3: memref<2048x10xf32, #tpu.memory_space<vmem>>, %arg4: memref<2048x10xf32, #tpu.memory_space<vmem>>, %arg5: memref<10x64xf32, #tpu.memory_space<vmem>>, %arg6: memref<10x64xf32, #tpu.memory_space<vmem>>, %arg7: memref<1x64xf32, #tpu.memory_space<vmem>>, %arg8: memref<64x32xf32, #tpu.memory_space<vmem>>, %arg9: memref<1x32xf32, #tpu.memory_space<vmem>>, %arg10: memref<32x16xf32, #tpu.memory_space<vmem>>, %arg11: memref<1x16xf32, #tpu.memory_space<vmem>>, %arg12: memref<16x16xf32, #tpu.memory_space<vmem>>, %arg13: memref<1x16xf32, #tpu.memory_space<vmem>>, %arg14: memref<16x1xf32, #tpu.memory_space<vmem>>, %arg15: memref<16x1xf32, #tpu.memory_space<vmem>>, %arg16: memref<1x1xf32, #tpu.memory_space<vmem>>, %arg17: memref<2048x1xf32, #tpu.memory_space<vmem>>) attributes {dimension_semantics = [#tpu.dimension_semantics<arbitrary>], iteration_bounds = array<i64: 8>, scalar_prefetch = 0 : i64, scratch_operands = 0 : i64, tpu.core_type = #tpu.core_type<tc>, window_params = [{transform_indices = @transform_0, window_bounds = array<i64: 2048, 16>}, {transform_indices = @transform_1, window_bounds = array<i64: 2048, 16>}, {transform_indices = @transform_2, window_bounds = array<i64: 2048, 10>}, {transform_indices = @transform_3, window_bounds = array<i64: 2048, 10>}, {pipeline_mode = #tpu.pipeline_mode<synchronous>, transform_indices = @transform_4, window_bounds = array<i64: 10, 64>}, {pipeline_mode = #tpu.pipeline_mode<synchronous>, transform_indices = @transform_5, window_bounds = array<i64: 10, 64>}, {pipeline_mode = #tpu.pipeline_mode<synchronous>, transform_indices = @transform_6, window_bounds = array<i64: 1, 64>}, {pipeline_mode = #tpu.pipeline_mode<synchronous>, transform_indices = @transform_7, window_bounds = array<i64: 64, 32>}, {pipeline_mode = #tpu.pipeline_mode<synchronous>, transform_indices = @transform_8, window_bounds = array<i64: 1, 32>}, {pipeline_mode = #tpu.pipeline_mode<synchronous>, transform_indices = @transform_9, window_bounds = array<i64: 32, 16>}, {pipeline_mode = #tpu.pipeline_mode<synchronous>, transform_indices = @transform_10, window_bounds = array<i64: 1, 16>}, {pipeline_mode = #tpu.pipeline_mode<synchronous>, transform_indices = @transform_11, window_bounds = array<i64: 16, 16>}, {pipeline_mode = #tpu.pipeline_mode<synchronous>, transform_indices = @transform_12, window_bounds = array<i64: 1, 16>}, {pipeline_mode = #tpu.pipeline_mode<synchronous>, transform_indices = @transform_13, window_bounds = array<i64: 16, 1>}, {pipeline_mode = #tpu.pipeline_mode<synchronous>, transform_indices = @transform_14, window_bounds = array<i64: 16, 1>}, {pipeline_mode = #tpu.pipeline_mode<synchronous>, transform_indices = @transform_15, window_bounds = array<i64: 1, 1>}, {transform_indices = @transform_16, window_bounds = array<i64: 2048, 1>}]} {
    %get3A = arith.constant 0 : index
    %get3A_0 = arith.constant 0 : index
    %get3A_1 = vector.load %arg3[%get3A, %get3A_0] : memref<2048x10xf32, #tpu.memory_space<vmem>>, vector<2048x10xf32>
    %get3A_2 = arith.constant 0 : index
    %get3A_3 = arith.constant 0 : index
    %get3A_4 = vector.load %arg5[%get3A_2, %get3A_3] : memref<10x64xf32, #tpu.memory_space<vmem>>, vector<10x64xf32>
    %dot_general3A = arith.constant dense<0.000000e+00> : vector<2048x64xf32>
    %dot_general3A_5 = tpu.matmul %get3A_1, %get3A_4, %dot_general3A {dimension_numbers = #tpu.dot_dimension_numbers<[1], [0], [0], [1], [0, 0, 1, 1], [], []>, transpose_lhs_hint = false} : vector<2048x10xf32>, vector<10x64xf32>, vector<2048x64xf32> -> vector<2048x64xf32>
    %get3A_6 = arith.constant 0 : index
    %get3A_7 = arith.constant 0 : index
    %get3A_8 = vector.load %arg4[%get3A_6, %get3A_7] : memref<2048x10xf32, #tpu.memory_space<vmem>>, vector<2048x10xf32>
    %get3A_9 = arith.constant 0 : index
    %get3A_10 = arith.constant 0 : index
    %get3A_11 = vector.load %arg6[%get3A_9, %get3A_10] : memref<10x64xf32, #tpu.memory_space<vmem>>, vector<10x64xf32>
    %dot_general3A_12 = arith.constant dense<0.000000e+00> : vector<2048x64xf32>
    %dot_general3A_13 = tpu.matmul %get3A_8, %get3A_11, %dot_general3A_12 {dimension_numbers = #tpu.dot_dimension_numbers<[1], [0], [0], [1], [0, 0, 1, 1], [], []>, transpose_lhs_hint = false} : vector<2048x10xf32>, vector<10x64xf32>, vector<2048x64xf32> -> vector<2048x64xf32>
    %add3A = arith.addf %dot_general3A_5, %dot_general3A_13 : vector<2048x64xf32>
    %get3A_14 = arith.constant 0 : index
    %get3A_15 = arith.constant 0 : index
    %get3A_16 = vector.load %arg7[%get3A_14, %get3A_15] : memref<1x64xf32, #tpu.memory_space<vmem>>, vector<1x64xf32>
    %add3A_17 = vector.broadcast %get3A_16 : vector<1x64xf32> to vector<2048x64xf32>
    %add3A_18 = arith.addf %add3A, %add3A_17 : vector<2048x64xf32>
    %max3A = arith.constant 0.000000e+00 : f32
    %max3A_19 = vector.broadcast %max3A : f32 to vector<2048x64xf32>
    %max3A_20 = arith.maximumf %add3A_18, %max3A_19 : vector<2048x64xf32>
    %get3A_21 = arith.constant 0 : index
    %get3A_22 = arith.constant 0 : index
    %get3A_23 = vector.load %arg8[%get3A_21, %get3A_22] : memref<64x32xf32, #tpu.memory_space<vmem>>, vector<64x32xf32>
    %dot_general3A_24 = arith.constant dense<0.000000e+00> : vector<2048x32xf32>
    %dot_general3A_25 = tpu.matmul %max3A_20, %get3A_23, %dot_general3A_24 {dimension_numbers = #tpu.dot_dimension_numbers<[1], [0], [0], [1], [0, 0, 1, 1], [], []>, transpose_lhs_hint = false} : vector<2048x64xf32>, vector<64x32xf32>, vector<2048x32xf32> -> vector<2048x32xf32>
    %get3A_26 = arith.constant 0 : index
    %get3A_27 = arith.constant 0 : index
    %get3A_28 = vector.load %arg9[%get3A_26, %get3A_27] : memref<1x32xf32, #tpu.memory_space<vmem>>, vector<1x32xf32>
    %add3A_29 = vector.broadcast %get3A_28 : vector<1x32xf32> to vector<2048x32xf32>
    %add3A_30 = arith.addf %dot_general3A_25, %add3A_29 : vector<2048x32xf32>
    %max3A_31 = arith.constant 0.000000e+00 : f32
    %max3A_32 = vector.broadcast %max3A_31 : f32 to vector<2048x32xf32>
    %max3A_33 = arith.maximumf %add3A_30, %max3A_32 : vector<2048x32xf32>
    %get3A_34 = arith.constant 0 : index
    %get3A_35 = arith.constant 0 : index
    %get3A_36 = vector.load %arg10[%get3A_34, %get3A_35] : memref<32x16xf32, #tpu.memory_space<vmem>>, vector<32x16xf32>
    %dot_general3A_37 = arith.constant dense<0.000000e+00> : vector<2048x16xf32>
    %dot_general3A_38 = tpu.matmul %max3A_33, %get3A_36, %dot_general3A_37 {dimension_numbers = #tpu.dot_dimension_numbers<[1], [0], [0], [1], [0, 0, 1, 1], [], []>, transpose_lhs_hint = false} : vector<2048x32xf32>, vector<32x16xf32>, vector<2048x16xf32> -> vector<2048x16xf32>
    %get3A_39 = arith.constant 0 : index
    %get3A_40 = arith.constant 0 : index
    %get3A_41 = vector.load %arg11[%get3A_39, %get3A_40] : memref<1x16xf32, #tpu.memory_space<vmem>>, vector<1x16xf32>
    %add3A_42 = vector.broadcast %get3A_41 : vector<1x16xf32> to vector<2048x16xf32>
    %add3A_43 = arith.addf %dot_general3A_38, %add3A_42 : vector<2048x16xf32>
    %max3A_44 = arith.constant 0.000000e+00 : f32
    %max3A_45 = vector.broadcast %max3A_44 : f32 to vector<2048x16xf32>
    %max3A_46 = arith.maximumf %add3A_43, %max3A_45 : vector<2048x16xf32>
    %get3A_47 = arith.constant 0 : index
    %get3A_48 = arith.constant 0 : index
    %get3A_49 = vector.load %arg12[%get3A_47, %get3A_48] : memref<16x16xf32, #tpu.memory_space<vmem>>, vector<16x16xf32>
    %dot_general3A_50 = arith.constant dense<0.000000e+00> : vector<2048x16xf32>
    %dot_general3A_51 = tpu.matmul %max3A_46, %get3A_49, %dot_general3A_50 {dimension_numbers = #tpu.dot_dimension_numbers<[1], [0], [0], [1], [0, 0, 1, 1], [], []>, transpose_lhs_hint = false} : vector<2048x16xf32>, vector<16x16xf32>, vector<2048x16xf32> -> vector<2048x16xf32>
    %get3A_52 = arith.constant 0 : index
    %get3A_53 = arith.constant 0 : index
    %get3A_54 = vector.load %arg13[%get3A_52, %get3A_53] : memref<1x16xf32, #tpu.memory_space<vmem>>, vector<1x16xf32>
    %add3A_55 = vector.broadcast %get3A_54 : vector<1x16xf32> to vector<2048x16xf32>
    %add3A_56 = arith.addf %dot_general3A_51, %add3A_55 : vector<2048x16xf32>
    %get3A_57 = arith.constant 0 : index
    %get3A_58 = arith.constant 0 : index
    %get3A_59 = vector.load %arg1[%get3A_57, %get3A_58] : memref<2048x16xf32, #tpu.memory_space<vmem>>, vector<2048x16xf32>
    %get3A_60 = arith.constant 0 : index
    %get3A_61 = arith.constant 0 : index
    %get3A_62 = vector.load %arg2[%get3A_60, %get3A_61] : memref<2048x16xf32, #tpu.memory_space<vmem>>, vector<2048x16xf32>
    %mul3A = arith.mulf %get3A_59, %get3A_62 : vector<2048x16xf32>
    %get3A_63 = arith.constant 0 : index
    %get3A_64 = arith.constant 0 : index
    %get3A_65 = vector.load %arg14[%get3A_63, %get3A_64] : memref<16x1xf32, #tpu.memory_space<vmem>>, vector<16x1xf32>
    %dot_general3A_66 = arith.constant dense<0.000000e+00> : vector<2048x1xf32>
    %dot_general3A_67 = tpu.matmul %mul3A, %get3A_65, %dot_general3A_66 {dimension_numbers = #tpu.dot_dimension_numbers<[1], [0], [0], [1], [0, 0, 1, 1], [], []>, transpose_lhs_hint = false} : vector<2048x16xf32>, vector<16x1xf32>, vector<2048x1xf32> -> vector<2048x1xf32>
    %get3A_68 = arith.constant 0 : index
    %get3A_69 = arith.constant 0 : index
    %get3A_70 = vector.load %arg15[%get3A_68, %get3A_69] : memref<16x1xf32, #tpu.memory_space<vmem>>, vector<16x1xf32>
    %dot_general3A_71 = arith.constant dense<0.000000e+00> : vector<2048x1xf32>
    %dot_general3A_72 = tpu.matmul %add3A_56, %get3A_70, %dot_general3A_71 {dimension_numbers = #tpu.dot_dimension_numbers<[1], [0], [0], [1], [0, 0, 1, 1], [], []>, transpose_lhs_hint = false} : vector<2048x16xf32>, vector<16x1xf32>, vector<2048x1xf32> -> vector<2048x1xf32>
    %add3A_73 = arith.addf %dot_general3A_67, %dot_general3A_72 : vector<2048x1xf32>
    %get3A_74 = arith.constant 0 : index
    %get3A_75 = arith.constant 0 : index
    %get3A_76 = vector.load %arg16[%get3A_74, %get3A_75] : memref<1x1xf32, #tpu.memory_space<vmem>>, vector<1x1xf32>
    %add3A_77 = vector.broadcast %get3A_76 : vector<1x1xf32> to vector<2048x1xf32>
    %add3A_78 = arith.addf %add3A_73, %add3A_77 : vector<2048x1xf32>
    %logistic3A = arith.negf %add3A_78 : vector<2048x1xf32>
    %logistic3A_79 = math.exp %logistic3A : vector<2048x1xf32>
    %logistic3A_80 = arith.constant 1.000000e+00 : f32
    %logistic3A_81 = vector.broadcast %logistic3A_80 : f32 to vector<2048x1xf32>
    %logistic3A_82 = arith.addf %logistic3A_81, %logistic3A_79 : vector<2048x1xf32>
    %logistic3A_83 = arith.divf %logistic3A_81, %logistic3A_82 : vector<2048x1xf32>
    %swap3A = arith.constant 0 : index
    %swap3A_84 = arith.constant 0 : index
    %swap3A_85 = vector.load %arg17[%swap3A, %swap3A_84] : memref<2048x1xf32, #tpu.memory_space<vmem>>, vector<2048x1xf32>
    tpu.vector_store %arg17[%swap3A, %swap3A_84], %logistic3A_83 {strides = array<i32>} : memref<2048x1xf32, #tpu.memory_space<vmem>>, vector<2048x1xf32>,
    return
  }
  func.func @transform_0(%arg0: i32) -> (i32, i32) {
    %c0_i32 = arith.constant 0 : i32
    %c0_i32_0 = arith.constant 0 : i32
    return %arg0, %c0_i32 : i32, i32
  }
  func.func @transform_1(%arg0: i32) -> (i32, i32) {
    %c0_i32 = arith.constant 0 : i32
    %c0_i32_0 = arith.constant 0 : i32
    return %arg0, %c0_i32 : i32, i32
  }
  func.func @transform_2(%arg0: i32) -> (i32, i32) {
    %c0_i32 = arith.constant 0 : i32
    %c0_i32_0 = arith.constant 0 : i32
    return %arg0, %c0_i32 : i32, i32
  }
  func.func @transform_3(%arg0: i32) -> (i32, i32) {
    %c0_i32 = arith.constant 0 : i32
    %c0_i32_0 = arith.constant 0 : i32
    return %arg0, %c0_i32 : i32, i32
  }
  func.func @transform_4(%arg0: i32) -> (i32, i32) {
    %c0_i32 = arith.constant 0 : i32
    %c0_i32_0 = arith.constant 0 : i32
    %c0_i32_1 = arith.constant 0 : i32
    return %c0_i32, %c0_i32_0 : i32, i32
  }
  func.func @transform_5(%arg0: i32) -> (i32, i32) {
    %c0_i32 = arith.constant 0 : i32
    %c0_i32_0 = arith.constant 0 : i32
    %c0_i32_1 = arith.constant 0 : i32
    return %c0_i32, %c0_i32_0 : i32, i32
  }
  func.func @transform_6(%arg0: i32) -> (i32, i32) {
    %c0_i32 = arith.constant 0 : i32
    %c0_i32_0 = arith.constant 0 : i32
    %c0_i32_1 = arith.constant 0 : i32
    return %c0_i32, %c0_i32_0 : i32, i32
  }
  func.func @transform_7(%arg0: i32) -> (i32, i32) {
    %c0_i32 = arith.constant 0 : i32
    %c0_i32_0 = arith.constant 0 : i32
    %c0_i32_1 = arith.constant 0 : i32
    return %c0_i32, %c0_i32_0 : i32, i32
  }
  func.func @transform_8(%arg0: i32) -> (i32, i32) {
    %c0_i32 = arith.constant 0 : i32
    %c0_i32_0 = arith.constant 0 : i32
    %c0_i32_1 = arith.constant 0 : i32
    return %c0_i32, %c0_i32_0 : i32, i32
  }
  func.func @transform_9(%arg0: i32) -> (i32, i32) {
    %c0_i32 = arith.constant 0 : i32
    %c0_i32_0 = arith.constant 0 : i32
    %c0_i32_1 = arith.constant 0 : i32
    return %c0_i32, %c0_i32_0 : i32, i32
  }
  func.func @transform_10(%arg0: i32) -> (i32, i32) {
    %c0_i32 = arith.constant 0 : i32
    %c0_i32_0 = arith.constant 0 : i32
    %c0_i32_1 = arith.constant 0 : i32
    return %c0_i32, %c0_i32_0 : i32, i32
  }
  func.func @transform_11(%arg0: i32) -> (i32, i32) {
    %c0_i32 = arith.constant 0 : i32
    %c0_i32_0 = arith.constant 0 : i32
    %c0_i32_1 = arith.constant 0 : i32
    return %c0_i32, %c0_i32_0 : i32, i32
  }
  func.func @transform_12(%arg0: i32) -> (i32, i32) {
    %c0_i32 = arith.constant 0 : i32
    %c0_i32_0 = arith.constant 0 : i32
    %c0_i32_1 = arith.constant 0 : i32
    return %c0_i32, %c0_i32_0 : i32, i32
  }
  func.func @transform_13(%arg0: i32) -> (i32, i32) {
    %c0_i32 = arith.constant 0 : i32
    %c0_i32_0 = arith.constant 0 : i32
    %c0_i32_1 = arith.constant 0 : i32
    return %c0_i32, %c0_i32_0 : i32, i32
  }
  func.func @transform_14(%arg0: i32) -> (i32, i32) {
    %c0_i32 = arith.constant 0 : i32
    %c0_i32_0 = arith.constant 0 : i32
    %c0_i32_1 = arith.constant 0 : i32
    return %c0_i32, %c0_i32_0 : i32, i32
  }
  func.func @transform_15(%arg0: i32) -> (i32, i32) {
    %c0_i32 = arith.constant 0 : i32
    %c0_i32_0 = arith.constant 0 : i32
    %c0_i32_1 = arith.constant 0 : i32
    return %c0_i32, %c0_i32_0 : i32, i32
  }
  func.func @transform_16(%arg0: i32) -> (i32, i32) {
    %c0_i32 = arith.constant 0 : i32
    %c0_i32_0 = arith.constant 0 : i32
    return %arg0, %c0_i32 : i32, i32
  }
}

</mosaic_0001>

<sc_bundles>
// kernel: kernel.4.cloned.1.call-start
scs
__scs_entry_jumppad:
0x0: {  	(pc) =	sbr.rel $0x88, $3  }
0x1: {  	(tag) =	ssettag $0x0;
	lr =	simm.s32 $0x1  }
0x2: {  	[smem:$0x3F92] =	sst lr;
	_ =	strace $0xD0000000  }
0x3: {  	_ = 	snop  }
0x4: {  	_ = 	snop  }
0x5: {  	_ = 	snop  }
0x6: {  	_ = 	snop  }
0x7: {  	_ = 	snop  }
__scs_overlays_trampoline_lowered:
0x8: {  	[smem:$0x3FA1] =	sst s0  }
0x9: {  	[smem:$0x3FA2] =	sst s1  }
0xa: {  	[smem:$0x3FA3] =	sst s2  }
0xb: {  	[smem:$0x3FA4] =	sst s3  }
0xc: {  	[smem:$0x3FA5] =	sst s4  }
0xd: {  	[smem:$0x3FA6] =	sst s5  }
0xe: {  	[smem:$0x3FA7] =	sst s6  }
0xf: {  	[smem:$0x3FA8] =	sst s7  }
0x10: {  	[smem:$0x3FA9] =	sst s8  }
0x11: {  	[smem:$0x3FAA] =	sst s9;
	s0 =	simm.s32 @!p0 $0x0  }
0x12: {  	s1 =	sld [smem:$0x3F90];
	s0 =	simm.s32 @p0 $0x1  }
0x13: {  	[smem:$0x3FAB] =	sst s0;
	s0 =	simm.s32 @!p1 $0x0  }
0x14: {  	s2 =	sld [smem:$0x3F8F];
	s0 =	simm.s32 @p1 $0x1  }
0x15: {  	[smem:$0x3FAC] =	sst s0;
	s0 =	simm.s32 @!p2 $0x0  }
0x16: {  	s3 =	sld [smem:$0x3FDB];
	s0 =	simm.s32 @p2 $0x1  }
0x17: {  	s4 =	simm.s32 $0x1BF5;
	[smem:$0x3FAE] =	sst s0  }
0x18: {  	s0 =	sld [smem:$0x3F91];
	_ =	swait.ge [sflag:s4], $0x0  }
0x19: {  	s7 =	sld [smem:$0x3F92]  }
0x1a: {  	s8 =	sadd.s32 $0xFFFFE003, lr  }
0x1b: {  	s9 =	sadd.s32 $0xFFFFFEF7, lr;
	s5 =	simm.s32 $0xFFFFFFFF;
	p2 =	slt.u32 s8, $0xFFFFF086  }
0x1c: {  	p1 =	slt.u32 s9, $0xF7A;
	s5 =	simm.s32 @!p2 $0x0  }
0x1d: {  	s5 =	simm.s32 @p1 $0x1;
	p0 =	seq.s32 s7, s2  }
0x1e: {  	s7 =	smul.u32 @!p0 $0xF7A, s2;
	p2 =	seq.s32 @!p0 s5, $0x0  }
0x1f: {  	s9 =	smul.u32 $0xF7A, s1;
	s8 =	simm.s32 @!p0 $0x1BF5;
	p2 =	por !p2, p0  }
0x20: {  	[sflag:s8] =	ssyncset.s32 @!p0 $0xFFFFF086;
	s6 =	sadd.s32 @!p0 s3, s7;
	s7 =	simm.s32 @!p0 $0x108  }
0x21: {  	s3 =	sadd.s32 s3, s9;
	s6 =	sadd.s32 @!p0 $0x88, s6;
	s7 =	simm.s32 @p2 $0x1082  }
0x22: {  	[simem:s7], [sflag:s8] =	dma.local @!p0 [hbm:s6], $0xF7A  }
0x23: {  	s9 =	sor.u32 $0xD0000000, s2;
	s6 =	simm.s32 $0x108;
	_ =	swait.ge @!p0 [sflag:s8], $0x0  }
0x24: {  	s3 =	sadd.s32 $0x88, s3;
	s6 =	simm.s32 @!p1 $0x1082;
	[sflag:s4] =	ssyncset.s32 $0xFFFFF086  }
0x25: {  	[simem:s6], [sflag:s4] =	dma.local [hbm:s3], $0xF7A  }
0x26: {  	[smem:$0x3F92] =	sst s1;
	(tag) =	ssettag s2;
	_ =	strace s9  }
0x27: {  	s1 =	sld [smem:$0x3FA2]  }
0x28: {  	s2 =	sld [smem:$0x3FA3]  }
0x29: {  	s4 =	sld [smem:$0x3FA5]  }
0x2a: {  	p0 =	seq.s32 s5, $0x0;
	s5 =	sld [smem:$0x3FA6]  }
0x2b: {  	s6 =	sld [smem:$0x3FA7]  }
0x2c: {  	s7 =	sld [smem:$0x3FA8]  }
0x2d: {  	s3 =	simm.s32 $0x108;
	s8 =	sld [smem:$0x3FA9]  }
0x2e: {  	s3 =	simm.s32 @!p0 $0x1082;
	s9 =	sld [smem:$0x3FAA]  }
0x2f: {  	lr =	sadd.s32 s0, s3;
	s0 =	sld [smem:$0x3FA1]  }
0x30: {  	s3 =	sld [smem:$0x3FA4]  }
0x31: {  	[smem:$0x3FAD] =	sst s10  }
0x32: {  	s10 =	sld [smem:$0x3FAB];
	_ =	sdelay $0x3  }
0x33: {  	p0 =	seq.s32 s10, $0x1;
	s10 =	sld [smem:$0x3FAD];
	_ =	sdelay $0x3  }
0x34: {  	[smem:$0x3FAD] =	sst s10  }
0x35: {  	s10 =	sld [smem:$0x3FAC];
	_ =	sdelay $0x3  }
0x36: {  	p1 =	seq.s32 s10, $0x1;
	s10 =	sld [smem:$0x3FAD];
	_ =	sdelay $0x3  }
0x37: {  	[smem:$0x3FAD] =	sst s10  }
0x38: {  	s10 =	sld [smem:$0x3FAE]  }
0x39: {  	_ = 	snop;
	(pc) =	sbr.ind lr, $3  }
0x3a: {  	_ = 	snop  }
0x3b: {  	_ = 	snop  }
0x3c: {  	p2 =	seq.s32 s10, $0x1;
	s10 =	sld [smem:$0x3FAD]  }
0x3d: {  	_ =	shalt  }
0x3e: {  	_ =	shalt  }
0x3f: {  	_ =	shalt  }
0x40: {  	_ =	shalt  }
0x41: {  	_ =	shalt  }
0x42: {  	_ =	shalt  }
0x43: {  	_ =	shalt  }
0x44: {  	_ =	shalt  }
0x45: {  	_ =	shalt  }
0x46: {  	_ =	shalt  }
0x47: {  	_ =	shalt  }
0x48: {  	_ =	shalt  }
0x49: {  	_ =	shalt  }
0x4a: {  	_ =	shalt  }
0x4b: {  	_ =	shalt  }
0x4c: {  	_ =	shalt  }
0x4d: {  	_ =	shalt  }
0x4e: {  	_ =	shalt  }
0x4f: {  	_ =	shalt  }
0x50: {  	_ =	shalt  }
0x51: {  	_ =	shalt  }
0x52: {  	_ =	shalt  }
0x53: {  	_ =	shalt  }
0x54: {  	_ =	shalt  }
0x55: {  	_ =	shalt  }
0x56: {  	_ =	shalt  }
0x57: {  	_ =	shalt  }
0x58: {  	_ =	shalt  }
0x59: {  	_ =	shalt  }
0x5a: {  	_ =	shalt  }
0x5b: {  	_ =	shalt  }
0x5c: {  	_ =	shalt  }
0x5d: {  	_ =	shalt  }
0x5e: {  	_ =	shalt  }
0x5f: {  	_ =	shalt  }
0x60: {  	_ =	shalt  }
0x61: {  	_ =	shalt  }
0x62: {  	_ =	shalt  }
0x63: {  	_ =	shalt  }
0x64: {  	_ =	shalt  }
0x65: {  	_ =	shalt  }
0x66: {  	_ =	shalt  }
0x67: {  	_ =	shalt  }
0x68: {  	_ =	shalt  }
0x69: {  	_ =	shalt  }
0x6a: {  	_ =	shalt  }
0x6b: {  	_ =	shalt  }
0x6c: {  	_ =	shalt  }
0x6d: {  	_ =	shalt  }
0x6e: {  	_ =	shalt  }
0x6f: {  	_ =	shalt  }
0x70: {  	_ =	shalt  }
0x71: {  	_ =	shalt  }
0x72: {  	_ =	shalt  }
0x73: {  	_ =	shalt  }
0x74: {  	_ =	shalt  }
0x75: {  	_ =	shalt  }
0x76: {  	_ =	shalt  }
0x77: {  	_ =	shalt  }
0x78: {  	_ =	shalt  }
0x79: {  	_ =	shalt  }
0x7a: {  	_ =	shalt  }
0x7b: {  	_ =	shalt  }
0x7c: {  	_ =	shalt  }
0x7d: {  	_ =	shalt  }
0x7e: {  	_ =	shalt  }
0x7f: {  	_ =	shalt  }
0x80: {  	_ =	shalt  }
0x81: {  	_ =	shalt  }
0x82: {  	_ =	shalt  }
0x83: {  	_ =	shalt  }
0x84: {  	_ =	shalt  }
0x85: {  	_ =	shalt  }
0x86: {  	_ =	shalt  }
0x87: {  	_ =	shalt  }
.Lfunc_end0:
.L_simem_size_0:
called_computation_lowered:
.L_overlay_start_0:
0x88: {  	s2 =	sld [smem:$0x3FD9]  }
0x89: {  	s3 =	sld [smem:$0x3FFE];
	_ =	sdelay $0x1  }
0x8a: {  	s1 =	srdreg.scid  }
0x8b: {  	s0 =	sand.u32 $0x1, s1  }
0x8c: {  	s17 =	sshll.u32 s0, $0xA;
	s2 =	sadd.s32 s3, s2  }
0x8d: {  	s2 =	sadd.s32 s2, s17  }
0x8e: {  	[smem:$0x3FB9] =	sst s2  }
0x8f: {  	_ = 	snop  }
0x90: {  	s2 =	sld [smem:$0x3FD0];
	(tm) =	ssettm $0x1  }
0x91: {  	s18 =	sld [smem:$0x3FFB];
	_ =	sdelay $0x3  }
0x92: {  	_ =	strace s18  }
0x93: {  	s3 =	sld [smem:$0x3FFC];
	_ =	sdelay $0x3  }
0x94: {  	_ =	strace s3  }
0x95: {  	s3 =	sld [smem:$0x3FFD];
	_ =	sdelay $0x3  }
0x96: {  	_ =	strace s3  }
0x97: {  	_ =	strace $0x8FFFFFFF  }
0x98: {  	s19 =	sld [smem:$0x3FDB];
	_ =	sdelay $0x1  }
0x99: {  	s4 =	simm.s32 $_scs_section_size  }
0x9a: {  	s5 =	simm.s32 $_size__tile_overlayer_lowered;
	s6 =	simm.s32 $_tile_overlayer_lowered  }
0x9b: {  	s22 =	simm.s32 $0x1BFF;
	s21 =	sshll.u32 s6, $0x1;
	s3 =	sadd.s32 s4, s19  }
0x9c: {  	s7 =	simm.s32 $0x0;
	s20 =	sshll.u32 s5, $0x1;
	s5 =	sadd.s32 s21, s3  }
0x9d: {  	[timem:s7], [sflag:s22] =	dma.local [hbm:s5], s20  }
0x9e: {  	_ =	swait.ge [sflag:s22], s20  }
0x9f: {  	s4 =	ssub.s32 $0x0, s20;
	[sflag:s22] =	ssyncset.done $0x0  }
0xa0: {  	[sflag:s22] =	ssyncadd.s32 s4;
	_ =	sdelay $0x1  }
0xa1: {  	s23 =	simm.s32 $0x1B8B  }
0xa2: {  	_ =	swait.ge [sflag:s23], $0x1  }
0xa3: {  	[sflag:s23] =	ssyncset.done $0x0  }
0xa4: {  	s25 =	simm.s32 $0x1B8E;
	s24 =	sld [smem:$0x3FFE];
	[sflag:s23] =	ssyncadd.s32 $0xFFFFFFFF  }
0xa5: {  	s26 =	simm.s32 $execute0_lowered;
	[smem:$0x3FD2] =	sst s25  }
0xa6: {  	s5 =	sshll.u32 s26, $0x1;
	_ =	strace $0x80000046;
	[dreg:$0x1] =	wrdreg $0xFFFFFFFF  }
0xa7: {  	s28 =	simm.s32 $_size_execute0_lowered;
	s3 =	sadd.s32 s3, s5;
	[dreg:$0x0] =	wrdreg $0x0  }
0xa8: {  	s5 =	sshll.u32 s28, $0x1;
	[dreg:$0x2] =	wrdreg s3  }
0xa9: {  	[dreg:$0x3] =	wrdreg s5  }
0xaa: {  	[dreg:$0x4] =	wrdreg $0xC0  }
0xab: {  	_ =	task [dreg:s7], $0x5FFFF  }
0xac: {  	[dreg:$0x1] =	wrdreg $0xFFFFFFFF  }
0xad: {  	[dreg:$0x0] =	wrdreg $0x60  }
0xae: {  	[dreg:$0x2] =	wrdreg s24  }
0xaf: {  	[dreg:$0x3] =	wrdreg s2  }
0xb0: {  	[dreg:$0x4] =	wrdreg $0x9  }
0xb1: {  	_ =	task.clear_ibuf [dreg:s7], $0x5FFFF;
	_ =	strace $0x90000046  }
0xb2: {  	s29 =	simm.s32 $0x9;
	_ =	strace $0x80000048  }
0xb3: {  	_ =	swait.ge [sflag:s29], $0x1  }
0xb4: {  	[sflag:s29] =	ssyncadd.s32 $0xFFFFFFFF  }
0xb5: {  	_ =	strace $0x90000048  }
0xb6: {  	_ =	sfence  }
0xb7: {  	s30 =	sld [smem:$0x0];
	_ =	sdelay $0x2  }
0xb8: {  	s31 =	sshll.u32 s1, $0xD;
	s1 =	sshrl.u32 s1, $0x2  }
0xb9: {  	s3 =	sand.u32 $0x4000, s31;
	s1 =	sadd.s32 s1, s30  }
0xba: {  	s0 =	sor.u32 s3, s0;
	s1 =	sshll.u32 s1, $0x11  }
0xbb: {  	s0 =	sor.u32 s1, s0  }
0xbc: {  	s0 =	sadd.s32 $0x8F2B, s0  }
0xbd: {  	[sflag:s0] =	ssyncadd.remote.s32 $0x1  }
0xbe: {  	_ =	sfence.sel $0xFFFF  }
0xbf: {  	[dreg:$0x0] =	wrdreg $0xFFFFFFFF;
	(pc) =	sbr.abs _section_cstart, $3  }
0xc0: {  	[dreg:$0x1] =	wrdreg $0xFFFFFFFF  }
0xc1: {  	_ =	task.clear_ibuf [dreg:s7], $0x2FFFF;
	_ =	strace $0x9FFFFFFF  }
0xc2: {  	(tm) =	ssettm $0x7FFFFFFF  }
0xc3: {  	_ =	shalt  }
tec
execute0_lowered:
.L_overlay_start_1:
0x0: {  	(tag) =	ssettag $0x1  }
0x1: {  	s0 =	rddreg [dreg:$0x0]  }
0x2: {  	s1 =	rddreg [dreg:$0x1];
	s2 =	simm.s32 $0x0;
	s4 =	stileid.u32  }
0x3: {  	[smem:$0x7FF] =	sst s2;
	s29 =	sshll.u32 s4, $0xA  }
0x4: {  	s3 =	srdreg.scid;
	s5 =	sadd.s32 $0xF44E00, s0;
	s6 =	sadd.s32 $0x1E87200, s0  }
0x5: {  	s10 =	sand.u32 $0x1, s3;
	s7 =	sadd.s32 $0x2DC9600, s0;
	s8 =	sadd.s32 $0x3D0BA00, s0  }
0x6: {  	s4 =	sadd.s32 $0x2A00, s0;
	s9 =	sadd.s32 $0x3D4BA00, s0;
	s30 =	sshll.u32 s10, $0x9  }
0x7: {  	s11 =	sadd.s32 $0x3DCBA00, s0;
	_ =	strace $0x80000047;
	s3 =	sor.u32 s30, s29  }
0x8: {  	s14 =	ssub.s32 $0x2, s10;
	s10 =	sadd.s32 $0x3D8BA00, s0;
	s12 =	sshrl.u32 s3, $0x3  }
0x9: {  	s31 =	sshrl.u32 s14, $0x1;
	s13 =	sadd.s32 s12, s0;
	s1 =	sadd.s32 s1, s12  }
0xa: {  	s0 =	ssub.s32 s14, s31;
	s13 =	sadd.s32 $0x2200, s13;
	[dreg:$0x4] =	wrdreg s1  }
0xb: {  	s15 =	simm.s32 $0x2;
	s0 =	smax.u32 s0, $0x1;
	[dreg:$0x3] =	wrdreg s13  }
0xc: {  	s17 =	simm.s32 $0x1;
	s1 =	simm.s32 $0x0;
	[dreg:$0x5] =	wrdreg s0  }
.LBB2_1:
0xd: {  	[dreg:$0x6] =	wrdreg s1  }
0xe: {  	s0 =	rddreg [dreg:$0x3]  }
0xf: {  	[tilespmem:s2], [sflag:$0x2] =	stream.linear.gather [hbm4b:s0+s2], $0x200, $0x38;
	[tilespmem:$0x10400] =	vst v63  }
0x10: {  	_ =	swait.ge [sflag:s15], $0x200  }
0x11: {  	[sflag:s15] =	ssyncset.done $0x0  }
0x12: {  	s31 =	simm.s32 $0x200;
	s30 =	rddreg [dreg:$0x4];
	[sflag:s15] =	ssyncadd.s32 $0xFFFFFE00  }
0x13: {  	[tilespmem:s31], [sflag:$0x2] =	stream.linear.gather [hbm4b:s30+s2], $0x200, $0x38;
	[tilespmem:$0x10400] =	vst v63  }
0x14: {  	_ =	swait.ge [sflag:s15], $0x200  }
0x15: {  	s1 =	simm.s32 $0x10;
	[sflag:s15] =	ssyncset.done $0x0  }
0x16: {  	s16 =	simm.s32 $0x210;
	s25 =	simm.s32 $0x0;
	[sflag:s15] =	ssyncadd.s32 $0xFFFFFE00  }
.LBB2_2:
0x17: {  	v0 =	vld [tilespmem:s1+$0xFFFFFFF0]  }
0x18: {  	v2 =	vld [tilespmem:s16+$0xFFFFFFF0];
	_ =	sdelay $0x3  }
0x19: {  	v1 =	vshll.u32 v0, $0x4  }
0x1a: {  	v63 =	vshll.u32 v2, $0x4;
	(v2sf) =	vpush v1, $0x0  }
0x1b: {  	(v2sf) =	vpush v63, $0x0;
	_ =	sdelay $0x4  }
0x1c: {  	(v2sf) =	vpush v1, $0x1;
	_ =	sdelay $0x1  }
0x1d: {  	(v2sf) =	vpush v63, $0x1;
	_ =	sdelay $0x5  }
0x1e: {  	(v2sf) =	vpush v1, $0x2  }
0x1f: {  	s13 =	simm.s32 $0x400;
	s0 =	spop (v2sf)  }
0x20: {  	s24 =	simm.s32 $0x4400;
	(v2sf) =	vpush v63, $0x2;
	s0 =	sand.u32 $0x1FFFFFF0, s0;
	s12 =	spop (v2sf)  }
0x21: {  	s22 =	simm.s32 $0xC400;
	s14 =	sadd.s32 s4, s0;
	s12 =	sand.u32 $0x1FFFFFF0, s12  }
0x22: {  	[tilespmem:s13], [sflag:$0x1] =	stream.linear.gather [hbm4b:s14+s2], $0x80, $0x38;
	[tilespmem:$0x10400] =	vst v63  }
0x23: {  	s23 =	simm.s32 $0x4480;
	s29 =	simm.s32 $0x0;
	s26 =	sadd.s32 s5, s12  }
0x24: {  	[tilespmem:s24], [sflag:$0x1] =	stream.linear.gather [hbm4b:s26+s2], $0x80, $0x38;
	[tilespmem:$0x10400] =	vst v63  }
0x25: {  	s0 =	sadd.s32 s6, s0;
	s18 =	spop (v2sf);
	s14 =	simm.s32 $0x8400  }
0x26: {  	[tilespmem:s14], [sflag:$0x1] =	stream.linear.gather [hbm4b:s0+s2], $0x80, $0x38;
	[tilespmem:$0x10400] =	vst v63  }
0x27: {  	(v2sf) =	vpush v1, $0x3;
	s19 =	sadd.s32 s7, s12;
	s20 =	sand.u32 $0x1FFFFFF0, s18;
	s21 =	spop (v2sf)  }
0x28: {  	[tilespmem:s22], [sflag:$0x1] =	stream.linear.gather [hbm4b:s19+s2], $0x80, $0x38;
	[tilespmem:$0x10400] =	vst v63  }
0x29: {  	(v2sf) =	vpush v63, $0x3;
	s13 =	sand.u32 $0x1FFFFFF0, s21;
	s14 =	sadd.s32 s4, s20;
	s22 =	simm.s32 $0x480  }
0x2a: {  	[tilespmem:s22], [sflag:$0x1] =	stream.linear.gather [hbm4b:s14+s2], $0x80, $0x38;
	[tilespmem:$0x10400] =	vst v63  }
0x2b: {  	s28 =	simm.s32 $0x0;
	s30 =	simm.s32 $0x0;
	s24 =	sadd.s32 s5, s13  }
0x2c: {  	[tilespmem:s23], [sflag:$0x1] =	stream.linear.gather [hbm4b:s24+s2], $0x80, $0x38;
	[tilespmem:$0x10400] =	vst v63  }
0x2d: {  	s12 =	sadd.s32 s6, s20;
	s18 =	spop (v2sf);
	s14 =	simm.s32 $0x8480  }
0x2e: {  	[tilespmem:s14], [sflag:$0x1] =	stream.linear.gather [hbm4b:s12+s2], $0x80, $0x38;
	[tilespmem:$0x10400] =	vst v63  }
0x2f: {  	s31 =	sadd.s32 $0x20, s1;
	s26 =	simm.s32 $0xC480;
	s21 =	spop (v2sf);
	(v2sf) =	vpush v1, $0x4  }
0x30: {  	s20 =	sand.u32 $0x1FFFFFF0, s18;
	s18 =	simm.s32 $0xC500;
	s19 =	sadd.s32 s7, s13  }
0x31: {  	(v2sf) =	vpush v63, $0x4;
	[tilespmem:s26], [sflag:$0x1] =	stream.linear.gather [hbm4b:s19+s2], $0x80, $0x38;
	[tilespmem:$0x10400] =	vst v63  }
0x32: {  	s22 =	simm.s32 $0x500;
	s14 =	sadd.s32 s4, s20;
	s13 =	sand.u32 $0x1FFFFFF0, s21  }
0x33: {  	[tilespmem:s22], [sflag:$0x1] =	stream.linear.gather [hbm4b:s14+s2], $0x80, $0x38;
	[tilespmem:$0x10400] =	vst v63  }
0x34: {  	s0 =	sadd.s32 $0x20, s16;
	s23 =	simm.s32 $0x4500;
	s24 =	sadd.s32 s5, s13  }
0x35: {  	[tilespmem:s23], [sflag:$0x1] =	stream.linear.gather [hbm4b:s24+s2], $0x80, $0x38;
	[tilespmem:$0x10400] =	vst v63  }
0x36: {  	s12 =	sadd.s32 s6, s20;
	s20 =	spop (v2sf);
	s19 =	simm.s32 $0x8500  }
0x37: {  	(v2sf) =	vpush v1, $0x5;
	[tilespmem:s19], [sflag:$0x1] =	stream.linear.gather [hbm4b:s12+s2], $0x80, $0x38;
	[tilespmem:$0x10400] =	vst v63  }
0x38: {  	s21 =	sadd.s32 s7, s13;
	s13 =	sand.u32 $0x1FFFFFF0, s20;
	s22 =	spop (v2sf)  }
0x39: {  	(v2sf) =	vpush v63, $0x5;
	[tilespmem:s18], [sflag:$0x1] =	stream.linear.gather [hbm4b:s21+s2], $0x80, $0x38;
	[tilespmem:$0x10400] =	vst v63  }
0x3a: {  	s14 =	sand.u32 $0x1FFFFFF0, s22;
	s23 =	simm.s32 $0x580;
	s24 =	sadd.s32 s4, s13  }
0x3b: {  	[tilespmem:s23], [sflag:$0x1] =	stream.linear.gather [hbm4b:s24+s2], $0x80, $0x38;
	[tilespmem:$0x10400] =	vst v63  }
0x3c: {  	s20 =	simm.s32 $0xC580;
	s19 =	sadd.s32 s5, s14;
	s18 =	simm.s32 $0x4580  }
0x3d: {  	[tilespmem:s18], [sflag:$0x1] =	stream.linear.gather [hbm4b:s19+s2], $0x80, $0x38;
	[tilespmem:$0x10400] =	vst v63  }
0x3e: {  	s21 =	simm.s32 $0x8580;
	s23 =	sadd.s32 s6, s13;
	s24 =	spop (v2sf)  }
0x3f: {  	(v2sf) =	vpush v1, $0x6;
	[tilespmem:s21], [sflag:$0x1] =	stream.linear.gather [hbm4b:s23+s2], $0x80, $0x38;
	[tilespmem:$0x10400] =	vst v63  }
0x40: {  	s18 =	sadd.s32 s7, s14;
	s12 =	sand.u32 $0x1FFFFFF0, s24;
	s19 =	spop (v2sf);
	(v2sf) =	vpush v63, $0x6  }
0x41: {  	[tilespmem:s20], [sflag:$0x1] =	stream.linear.gather [hbm4b:s18+s2], $0x80, $0x38;
	[tilespmem:$0x10400] =	vst v63  }
0x42: {  	s21 =	sadd.s32 s4, s12;
	s13 =	sand.u32 $0x1FFFFFF0, s19;
	s20 =	simm.s32 $0x600  }
0x43: {  	[tilespmem:s20], [sflag:$0x1] =	stream.linear.gather [hbm4b:s21+s2], $0x80, $0x38;
	[tilespmem:$0x10400] =	vst v63  }
0x44: {  	s22 =	simm.s32 $0x4600;
	s24 =	simm.s32 $0xC600;
	s23 =	sadd.s32 s5, s13  }
0x45: {  	[tilespmem:s22], [sflag:$0x1] =	stream.linear.gather [hbm4b:s23+s2], $0x80, $0x38;
	[tilespmem:$0x10400] =	vst v63  }
0x46: {  	s12 =	sadd.s32 s6, s12;
	s19 =	spop (v2sf);
	(v2sf) =	vpush v1, $0x7;
	s18 =	simm.s32 $0x8600  }
0x47: {  	[tilespmem:s18], [sflag:$0x1] =	stream.linear.gather [hbm4b:s12+s2], $0x80, $0x38;
	[tilespmem:$0x10400] =	vst v63  }
0x48: {  	s20 =	sadd.s32 s7, s13;
	s21 =	sand.u32 $0x1FFFFFF0, s19;
	s23 =	spop (v2sf);
	(v2sf) =	vpush v63, $0x7  }
0x49: {  	[tilespmem:s24], [sflag:$0x1] =	stream.linear.gather [hbm4b:s20+s2], $0x80, $0x38;
	[tilespmem:$0x10400] =	vst v63  }
0x4a: {  	s14 =	sadd.s32 s4, s21;
	s13 =	sand.u32 $0x1FFFFFF0, s23;
	s24 =	simm.s32 $0x680  }
0x4b: {  	[tilespmem:s24], [sflag:$0x1] =	stream.linear.gather [hbm4b:s14+s2], $0x80, $0x38;
	[tilespmem:$0x10400] =	vst v63  }
0x4c: {  	s26 =	sshll.u32 s25, $0x7;
	s18 =	sadd.s32 s5, s13;
	s14 =	simm.s32 $0x4680  }
0x4d: {  	[tilespmem:s14], [sflag:$0x1] =	stream.linear.gather [hbm4b:s18+s2], $0x80, $0x38;
	[tilespmem:$0x10400] =	vst v63  }
0x4e: {  	s19 =	simm.s32 $0xC680;
	s12 =	sadd.s32 s6, s21;
	s21 =	spop (v2sf);
	(v2sf) =	vpush v1, $0x8  }
0x4f: {  	s22 =	simm.s32 $0x4780;
	s20 =	simm.s32 $0x8680;
	s24 =	spop (v2sf)  }
0x50: {  	(v2sf) =	vpush v63, $0x8;
	[tilespmem:s20], [sflag:$0x1] =	stream.linear.gather [hbm4b:s12+s2], $0x80, $0x38;
	[tilespmem:$0x10400] =	vst v63  }
0x51: {  	s23 =	sadd.s32 s7, s13;
	s18 =	simm.s32 $0x700;
	s12 =	sand.u32 $0x1FFFFFF0, s21  }
0x52: {  	[tilespmem:s19], [sflag:$0x1] =	stream.linear.gather [hbm4b:s23+s2], $0x80, $0x38;
	[tilespmem:$0x10400] =	vst v63  }
0x53: {  	s13 =	sand.u32 $0x1FFFFFF0, s24;
	s21 =	simm.s32 $0xC700;
	s14 =	sadd.s32 s4, s12  }
0x54: {  	[tilespmem:s18], [sflag:$0x1] =	stream.linear.gather [hbm4b:s14+s2], $0x80, $0x38;
	[tilespmem:$0x10400] =	vst v63  }
0x55: {  	s24 =	spop (v2sf);
	s20 =	sadd.s32 s5, s13;
	s19 =	simm.s32 $0x4700  }
0x56: {  	(v2sf) =	vpush v1, $0x9;
	[tilespmem:s19], [sflag:$0x1] =	stream.linear.gather [hbm4b:s20+s2], $0x80, $0x38;
	[tilespmem:$0x10400] =	vst v63  }
0x57: {  	s12 =	sadd.s32 s6, s12;
	s23 =	simm.s32 $0x8700;
	s20 =	spop (v2sf)  }
0x58: {  	(v2sf) =	vpush v63, $0x9;
	[tilespmem:s23], [sflag:$0x1] =	stream.linear.gather [hbm4b:s12+s2], $0x80, $0x38;
	[tilespmem:$0x10400] =	vst v63  }
0x59: {  	s18 =	sadd.s32 s7, s13;
	s19 =	sand.u32 $0x1FFFFFF0, s24;
	s24 =	simm.s32 $0xC780  }
0x5a: {  	[tilespmem:s21], [sflag:$0x1] =	stream.linear.gather [hbm4b:s18+s2], $0x80, $0x38;
	[tilespmem:$0x10400] =	vst v63  }
0x5b: {  	s14 =	sadd.s32 s4, s19;
	s13 =	sand.u32 $0x1FFFFFF0, s20;
	s21 =	simm.s32 $0x780  }
0x5c: {  	[tilespmem:s21], [sflag:$0x1] =	stream.linear.gather [hbm4b:s14+s2], $0x80, $0x38;
	[tilespmem:$0x10400] =	vst v63  }
0x5d: {  	s23 =	sadd.s32 s5, s13;
	s12 =	sadd.s32 s6, s19;
	s19 =	spop (v2sf)  }
0x5e: {  	(v2sf) =	vpush v1, $0xA;
	[tilespmem:s22], [sflag:$0x1] =	stream.linear.gather [hbm4b:s23+s2], $0x80, $0x38;
	[tilespmem:$0x10400] =	vst v63  }
0x5f: {  	s20 =	sadd.s32 s7, s13;
	s18 =	simm.s32 $0x8780;
	s23 =	spop (v2sf)  }
0x60: {  	[tilespmem:s18], [sflag:$0x1] =	stream.linear.gather [hbm4b:s12+s2], $0x80, $0x38;
	[tilespmem:$0x10400] =	vst v63  }
0x61: {  	s21 =	sand.u32 $0x1FFFFFF0, s19;
	s19 =	simm.s32 $0xC800;
	s13 =	sand.u32 $0x1FFFFFF0, s23  }
0x62: {  	(v2sf) =	vpush v63, $0xA;
	[tilespmem:s24], [sflag:$0x1] =	stream.linear.gather [hbm4b:s20+s2], $0x80, $0x38;
	[tilespmem:$0x10400] =	vst v63  }
0x63: {  	s14 =	sadd.s32 s4, s21;
	s18 =	sadd.s32 s5, s13;
	s24 =	simm.s32 $0x800  }
0x64: {  	[tilespmem:s24], [sflag:$0x1] =	stream.linear.gather [hbm4b:s14+s2], $0x80, $0x38;
	[tilespmem:$0x10400] =	vst v63  }
0x65: {  	s12 =	sadd.s32 s6, s21;
	s21 =	spop (v2sf);
	s14 =	simm.s32 $0x4800  }
0x66: {  	(v2sf) =	vpush v1, $0xB;
	[tilespmem:s14], [sflag:$0x1] =	stream.linear.gather [hbm4b:s18+s2], $0x80, $0x38;
	[tilespmem:$0x10400] =	vst v63  }
0x67: {  	s22 =	simm.s32 $0x4900;
	s20 =	simm.s32 $0x8800;
	s24 =	spop (v2sf)  }
0x68: {  	(v2sf) =	vpush v63, $0xB;
	[tilespmem:s20], [sflag:$0x1] =	stream.linear.gather [hbm4b:s12+s2], $0x80, $0x38;
	[tilespmem:$0x10400] =	vst v63  }
0x69: {  	s23 =	sadd.s32 s7, s13;
	s13 =	sand.u32 $0x1FFFFFF0, s24;
	s12 =	sand.u32 $0x1FFFFFF0, s21  }
0x6a: {  	[tilespmem:s19], [sflag:$0x1] =	stream.linear.gather [hbm4b:s23+s2], $0x80, $0x38;
	[tilespmem:$0x10400] =	vst v63  }
0x6b: {  	s18 =	simm.s32 $0x880;
	s20 =	sadd.s32 s5, s13;
	s14 =	sadd.s32 s4, s12  }
0x6c: {  	[tilespmem:s18], [sflag:$0x1] =	stream.linear.gather [hbm4b:s14+s2], $0x80, $0x38;
	[tilespmem:$0x10400] =	vst v63  }
0x6d: {  	s21 =	simm.s32 $0xC880;
	s19 =	simm.s32 $0x4880;
	s24 =	spop (v2sf)  }
0x6e: {  	(v2sf) =	vpush v1, $0xC;
	[tilespmem:s19], [sflag:$0x1] =	stream.linear.gather [hbm4b:s20+s2], $0x80, $0x38;
	[tilespmem:$0x10400] =	vst v63  }
0x6f: {  	s12 =	sadd.s32 s6, s12;
	s23 =	simm.s32 $0x8880;
	s18 =	sadd.s32 s7, s13  }
0x70: {  	[tilespmem:s23], [sflag:$0x1] =	stream.linear.gather [hbm4b:s12+s2], $0x80, $0x38;
	[tilespmem:$0x10400] =	vst v63  }
0x71: {  	s19 =	sand.u32 $0x1FFFFFF0, s24;
	s20 =	spop (v2sf);
	s24 =	simm.s32 $0xC900  }
0x72: {  	(v2sf) =	vpush v63, $0xC;
	[tilespmem:s21], [sflag:$0x1] =	stream.linear.gather [hbm4b:s18+s2], $0x80, $0x38;
	[tilespmem:$0x10400] =	vst v63  }
0x73: {  	s14 =	sadd.s32 s4, s19;
	s13 =	sand.u32 $0x1FFFFFF0, s20;
	s21 =	simm.s32 $0x900  }
0x74: {  	[tilespmem:s21], [sflag:$0x1] =	stream.linear.gather [hbm4b:s14+s2], $0x80, $0x38;
	[tilespmem:$0x10400] =	vst v63  }
0x75: {  	s23 =	sadd.s32 s5, s13;
	s12 =	sadd.s32 s6, s19;
	s18 =	spop (v2sf)  }
0x76: {  	(v2sf) =	vpush v1, $0xD;
	[tilespmem:s22], [sflag:$0x1] =	stream.linear.gather [hbm4b:s23+s2], $0x80, $0x38;
	[tilespmem:$0x10400] =	vst v63  }
0x77: {  	s19 =	sadd.s32 s7, s13;
	s14 =	simm.s32 $0x8900;
	s21 =	spop (v2sf)  }
0x78: {  	(v2sf) =	vpush v63, $0xD;
	[tilespmem:s14], [sflag:$0x1] =	stream.linear.gather [hbm4b:s12+s2], $0x80, $0x38;
	[tilespmem:$0x10400] =	vst v63  }
0x79: {  	s20 =	sand.u32 $0x1FFFFFF0, s18;
	s18 =	simm.s32 $0xC980;
	s13 =	sand.u32 $0x1FFFFFF0, s21  }
0x7a: {  	[tilespmem:s24], [sflag:$0x1] =	stream.linear.gather [hbm4b:s19+s2], $0x80, $0x38;
	[tilespmem:$0x10400] =	vst v63  }
0x7b: {  	s22 =	simm.s32 $0x980;
	s23 =	simm.s32 $0x4980;
	s14 =	sadd.s32 s4, s20  }
0x7c: {  	[tilespmem:s22], [sflag:$0x1] =	stream.linear.gather [hbm4b:s14+s2], $0x80, $0x38;
	[tilespmem:$0x10400] =	vst v63  }
0x7d: {  	s12 =	sadd.s32 s6, s20;
	s24 =	sadd.s32 s5, s13;
	s20 =	spop (v2sf)  }
0x7e: {  	[tilespmem:s23], [sflag:$0x1] =	stream.linear.gather [hbm4b:s24+s2], $0x80, $0x38;
	[tilespmem:$0x10400] =	vst v63  }
0x7f: {  	s21 =	sadd.s32 s7, s13;
	s19 =	simm.s32 $0x8980;
	s23 =	sand.u32 $0x1FFFFFF0, s20  }
0x80: {  	(v2sf) =	vpush v1, $0xE;
	[tilespmem:s19], [sflag:$0x1] =	stream.linear.gather [hbm4b:s12+s2], $0x80, $0x38;
	[tilespmem:$0x10400] =	vst v63  }
0x81: {  	s22 =	simm.s32 $0xCA00;
	s24 =	spop (v2sf);
	s14 =	sadd.s32 s4, s23  }
0x82: {  	(v2sf) =	vpush v63, $0xE;
	[tilespmem:s18], [sflag:$0x1] =	stream.linear.gather [hbm4b:s21+s2], $0x80, $0x38;
	[tilespmem:$0x10400] =	vst v63  }
0x83: {  	s13 =	sand.u32 $0x1FFFFFF0, s24;
	s19 =	simm.s32 $0x4A00;
	s18 =	simm.s32 $0xA00  }
0x84: {  	[tilespmem:s18], [sflag:$0x1] =	stream.linear.gather [hbm4b:s14+s2], $0x80, $0x38;
	[tilespmem:$0x10400] =	vst v63  }
0x85: {  	s20 =	sadd.s32 s5, s13;
	s12 =	sadd.s32 s6, s23;
	s23 =	spop (v2sf)  }
0x86: {  	[tilespmem:s19], [sflag:$0x1] =	stream.linear.gather [hbm4b:s20+s2], $0x80, $0x38;
	[tilespmem:$0x10400] =	vst v63  }
0x87: {  	s13 =	sadd.s32 s7, s13;
	s21 =	simm.s32 $0x8A00;
	s24 =	spop (v2sf)  }
0x88: {  	(v2sf) =	vpush v1, $0xF;
	[tilespmem:s21], [sflag:$0x1] =	stream.linear.gather [hbm4b:s12+s2], $0x80, $0x38;
	[tilespmem:$0x10400] =	vst v63  }
0x89: {  	s14 =	simm.s32 $0xA80;
	s12 =	sand.u32 $0x1FFFFFF0, s23;
	s23 =	smov.u32 s1  }
0x8a: {  	(v2sf) =	vpush v63, $0xF;
	[tilespmem:s22], [sflag:$0x1] =	stream.linear.gather [hbm4b:s13+s2], $0x80, $0x38;
	[tilespmem:$0x10400] =	vst v63  }
0x8b: {  	s22 =	sadd.s32 s4, s12;
	s13 =	sand.u32 $0x1FFFFFF0, s24;
	s24 =	smov.u32 s16  }
.LBB2_3:
0x8c: {  	v0 =	vld [tilespmem:s31+$0xFFFFFFF0];
	[tilespmem:s14], [sflag:$0x1] =	stream.linear.gather [hbm4b:s22+s2], $0x80, $0x38  }
0x8d: {  	s14 =	sadd.s32 $0x4A80, s28;
	s22 =	sadd.s32 s5, s13;
	s18 =	sadd.s32 $0xCA80, s28  }
0x8e: {  	v1 =	vld [tilespmem:s0+$0xFFFFFFF0];
	[tilespmem:s14], [sflag:$0x1] =	stream.linear.gather [hbm4b:s22+s2], $0x80, $0x38  }
0x8f: {  	s12 =	sadd.s32 s6, s12;
	s14 =	sadd.s32 $0x8A80, s28;
	s22 =	spop (v2sf)  }
0x90: {  	[tilespmem:s14], [sflag:$0x1] =	stream.linear.gather [hbm4b:s12+s2], $0x80, $0x38;
	[tilespmem:$0x10400] =	vst v63  }
0x91: {  	s12 =	sadd.s32 s7, s13;
	s13 =	sand.u32 $0x1FFFFFF0, s22;
	v0 =	vshll.u32 v0, $0x4;
	s14 =	spop (v2sf)  }
0x92: {  	(v2sf) =	vpush v0, $0x0;
	[tilespmem:s18], [sflag:$0x1] =	stream.linear.gather [hbm4b:s12+s2], $0x80, $0x38;
	[tilespmem:$0x10400] =	vst v63  }
0x93: {  	s12 =	sadd.s32 $0xB00, s28;
	s18 =	sadd.s32 s4, s13;
	s14 =	sand.u32 $0x1FFFFFF0, s14;
	v1 =	vshll.u32 v1, $0x4  }
0x94: {  	(v2sf) =	vpush v1, $0x0;
	[tilespmem:s12], [sflag:$0x1] =	stream.linear.gather [hbm4b:s18+s2], $0x80, $0x38;
	[tilespmem:$0x10400] =	vst v63  }
0x95: {  	s22 =	sadd.s32 $0xCB00, s28;
	s12 =	sadd.s32 $0x4B00, s28;
	s18 =	sadd.s32 s5, s14  }
0x96: {  	[tilespmem:s12], [sflag:$0x1] =	stream.linear.gather [hbm4b:s18+s2], $0x80, $0x38;
	[tilespmem:$0x10400] =	vst v63  }
0x97: {  	s13 =	sadd.s32 s6, s13;
	s12 =	sadd.s32 $0x8B00, s28;
	s18 =	spop (v2sf)  }
0x98: {  	[tilespmem:s12], [sflag:$0x1] =	stream.linear.gather [hbm4b:s13+s2], $0x80, $0x38;
	[tilespmem:$0x10400] =	vst v63  }
0x99: {  	s12 =	sadd.s32 s7, s14;
	s13 =	sand.u32 $0x1FFFFFF0, s18;
	(v2sf) =	vpush v0, $0x1;
	s14 =	spop (v2sf)  }
0x9a: {  	[tilespmem:s22], [sflag:$0x1] =	stream.linear.gather [hbm4b:s12+s2], $0x80, $0x38;
	[tilespmem:$0x10400] =	vst v63  }
0x9b: {  	s18 =	sadd.s32 s4, s13;
	s12 =	sadd.s32 $0xB80, s28;
	s14 =	sand.u32 $0x1FFFFFF0, s14;
	(v2sf) =	vpush v1, $0x1  }
0x9c: {  	[tilespmem:s12], [sflag:$0x1] =	stream.linear.gather [hbm4b:s18+s2], $0x80, $0x38;
	[tilespmem:$0x10400] =	vst v63  }
0x9d: {  	s12 =	sadd.s32 $0x4B80, s28;
	s18 =	sadd.s32 s5, s14  }
0x9e: {  	[tilespmem:s12], [sflag:$0x1] =	stream.linear.gather [hbm4b:s18+s2], $0x80, $0x38;
	[tilespmem:$0x10400] =	vst v63  }
0x9f: {  	s29 =	sadd.s32 $0x4000, s29;
	s13 =	sadd.s32 s6, s13;
	s12 =	sadd.s32 $0x8B80, s28  }
0xa0: {  	[tilespmem:s12], [sflag:$0x1] =	stream.linear.gather [hbm4b:s13+s2], $0x80, $0x38;
	[tilespmem:$0x10400] =	vst v63  }
0xa1: {  	s14 =	sadd.s32 s7, s14;
	s12 =	sadd.s32 $0xCB80, s28;
	s13 =	spop (v2sf);
	(v2sf) =	vpush v0, $0x2  }
0xa2: {  	[tilespmem:s12], [sflag:$0x1] =	stream.linear.gather [hbm4b:s14+s2], $0x80, $0x38;
	[tilespmem:$0x10400] =	vst v63  }
0xa3: {  	s12 =	sshra.s32 s29, $0x2;
	s13 =	sand.u32 $0x1FFFFFF0, s13;
	s14 =	spop (v2sf);
	(v2sf) =	vpush v1, $0x2;
	v2 =	vld [tilespmem:s23+$0x0]  }
0xa4: {  	s18 =	sadd.s32 $0x400, s12;
	s22 =	sadd.s32 s4, s13;
	s14 =	sand.u32 $0x1FFFFFF0, s14;
	v4 =	vld [tilespmem:s24+$0x0]  }
0xa5: {  	[tilespmem:s18], [sflag:$0x1] =	stream.linear.gather [hbm4b:s22+s2], $0x80, $0x38;
	[tilespmem:$0x10400] =	vst v63  }
0xa6: {  	s23 =	sadd.s32 $0xC400, s12;
	s18 =	sadd.s32 $0x4400, s12;
	s22 =	sadd.s32 s5, s14  }
0xa7: {  	[tilespmem:s18], [sflag:$0x1] =	stream.linear.gather [hbm4b:s22+s2], $0x80, $0x38;
	[tilespmem:$0x10400] =	vst v63  }
0xa8: {  	s13 =	sadd.s32 s6, s13;
	s18 =	sadd.s32 $0x8400, s12;
	s22 =	spop (v2sf);
	v3 =	vshll.u32 v2, $0x4  }
0xa9: {  	[tilespmem:s18], [sflag:$0x1] =	stream.linear.gather [hbm4b:s13+s2], $0x80, $0x38;
	v2 =	vshll.u32 v4, $0x4;
	(v2sf) =	vpush v3, $0x0;
	[tilespmem:$0x10400] =	vst v63  }
0xaa: {  	s13 =	sadd.s32 s7, s14;
	s14 =	sand.u32 $0x1FFFFFF0, s22;
	s18 =	spop (v2sf);
	(v2sf) =	vpush v2, $0x0  }
0xab: {  	[tilespmem:s23], [sflag:$0x1] =	stream.linear.gather [hbm4b:s13+s2], $0x80, $0x38;
	[tilespmem:$0x10400] =	vst v63  }
0xac: {  	s22 =	sadd.s32 s4, s14;
	s13 =	sadd.s32 $0x480, s12;
	s18 =	sand.u32 $0x1FFFFFF0, s18  }
0xad: {  	[tilespmem:s13], [sflag:$0x1] =	stream.linear.gather [hbm4b:s22+s2], $0x80, $0x38;
	[tilespmem:$0x10400] =	vst v63  }
0xae: {  	s23 =	sadd.s32 $0xC480, s12;
	s13 =	sadd.s32 $0x4480, s12;
	s22 =	sadd.s32 s5, s18  }
0xaf: {  	[tilespmem:s13], [sflag:$0x1] =	stream.linear.gather [hbm4b:s22+s2], $0x80, $0x38;
	(v2sf) =	vpush v3, $0x1;
	[tilespmem:$0x10400] =	vst v63  }
0xb0: {  	s14 =	sadd.s32 s6, s14;
	s13 =	sadd.s32 $0x8480, s12;
	s22 =	spop (v2sf)  }
0xb1: {  	[tilespmem:s13], [sflag:$0x1] =	stream.linear.gather [hbm4b:s14+s2], $0x80, $0x38;
	(v2sf) =	vpush v2, $0x1;
	[tilespmem:$0x10400] =	vst v63  }
0xb2: {  	s14 =	sadd.s32 s7, s18;
	s13 =	sand.u32 $0x1FFFFFF0, s22;
	s18 =	spop (v2sf)  }
0xb3: {  	[tilespmem:s23], [sflag:$0x1] =	stream.linear.gather [hbm4b:s14+s2], $0x80, $0x38;
	[tilespmem:$0x10400] =	vst v63  }
0xb4: {  	s22 =	sadd.s32 $0x500, s12;
	s23 =	sadd.s32 s4, s13;
	s14 =	sand.u32 $0x1FFFFFF0, s18  }
0xb5: {  	[tilespmem:s22], [sflag:$0x1] =	stream.linear.gather [hbm4b:s23+s2], $0x80, $0x38;
	[tilespmem:$0x10400] =	vst v63  }
0xb6: {  	s18 =	sadd.s32 $0x4500, s12;
	s22 =	sadd.s32 s5, s14;
	s23 =	smov.u32 s31  }
0xb7: {  	[tilespmem:s18], [sflag:$0x1] =	stream.linear.gather [hbm4b:s22+s2], $0x80, $0x38;
	(v2sf) =	vpush v3, $0x2;
	[tilespmem:$0x10400] =	vst v63  }
0xb8: {  	s24 =	smov.u32 s0;
	s18 =	spop (v2sf)  }
0xb9: {  	s18 =	sand.u32 $0x1FFFFFF0, s18;
	s22 =	spop (v2sf);
	(v2sf) =	vpush v2, $0x2  }
0xba: {  	s19 =	sadd.s32 $0xC00, s28;
	s20 =	sadd.s32 s4, s18;
	s22 =	sand.u32 $0x1FFFFFF0, s22  }
0xbb: {  	[tilespmem:s19], [sflag:$0x1] =	stream.linear.gather [hbm4b:s20+s2], $0x80, $0x38;
	[tilespmem:$0x10400] =	vst v63  }
0xbc: {  	s21 =	sadd.s32 $0xCC00, s28;
	s19 =	sadd.s32 $0x4C00, s28;
	s20 =	sadd.s32 s5, s22  }
0xbd: {  	[tilespmem:s19], [sflag:$0x1] =	stream.linear.gather [hbm4b:s20+s2], $0x80, $0x38;
	[tilespmem:$0x10400] =	vst v63  }
0xbe: {  	s18 =	sadd.s32 s6, s18;
	s19 =	sadd.s32 $0x8C00, s28;
	s20 =	spop (v2sf)  }
0xbf: {  	[tilespmem:s19], [sflag:$0x1] =	stream.linear.gather [hbm4b:s18+s2], $0x80, $0x38;
	(v2sf) =	vpush v3, $0x3;
	[tilespmem:$0x10400] =	vst v63  }
0xc0: {  	s18 =	sadd.s32 s7, s22;
	s19 =	sand.u32 $0x1FFFFFF0, s20;
	s20 =	spop (v2sf)  }
0xc1: {  	[tilespmem:s21], [sflag:$0x1] =	stream.linear.gather [hbm4b:s18+s2], $0x80, $0x38;
	(v2sf) =	vpush v2, $0x3;
	[tilespmem:$0x10400] =	vst v63  }
0xc2: {  	s18 =	sadd.s32 $0xC80, s28;
	s21 =	sadd.s32 s4, s19;
	s20 =	sand.u32 $0x1FFFFFF0, s20  }
0xc3: {  	[tilespmem:s18], [sflag:$0x1] =	stream.linear.gather [hbm4b:s21+s2], $0x80, $0x38;
	[tilespmem:$0x10400] =	vst v63  }
0xc4: {  	s22 =	sadd.s32 $0xCC80, s28;
	s18 =	sadd.s32 $0x4C80, s28;
	s21 =	sadd.s32 s5, s20  }
0xc5: {  	[tilespmem:s18], [sflag:$0x1] =	stream.linear.gather [hbm4b:s21+s2], $0x80, $0x38;
	[tilespmem:$0x10400] =	vst v63  }
0xc6: {  	s19 =	sadd.s32 s6, s19;
	s18 =	sadd.s32 $0x8C80, s28;
	s21 =	spop (v2sf)  }
0xc7: {  	[tilespmem:s18], [sflag:$0x1] =	stream.linear.gather [hbm4b:s19+s2], $0x80, $0x38;
	(v2sf) =	vpush v3, $0x4;
	[tilespmem:$0x10400] =	vst v63  }
0xc8: {  	s18 =	sadd.s32 s7, s20;
	s19 =	sand.u32 $0x1FFFFFF0, s21;
	s20 =	spop (v2sf)  }
0xc9: {  	[tilespmem:s22], [sflag:$0x1] =	stream.linear.gather [hbm4b:s18+s2], $0x80, $0x38;
	(v2sf) =	vpush v2, $0x4;
	[tilespmem:$0x10400] =	vst v63  }
0xca: {  	s21 =	sadd.s32 s4, s19;
	s18 =	sadd.s32 $0xD00, s28;
	s20 =	sand.u32 $0x1FFFFFF0, s20  }
0xcb: {  	[tilespmem:s18], [sflag:$0x1] =	stream.linear.gather [hbm4b:s21+s2], $0x80, $0x38;
	[tilespmem:$0x10400] =	vst v63  }
0xcc: {  	s22 =	sadd.s32 $0xCD00, s28;
	s18 =	sadd.s32 $0x4D00, s28;
	s21 =	sadd.s32 s5, s20  }
0xcd: {  	[tilespmem:s18], [sflag:$0x1] =	stream.linear.gather [hbm4b:s21+s2], $0x80, $0x38;
	[tilespmem:$0x10400] =	vst v63  }
0xce: {  	s19 =	sadd.s32 s6, s19;
	s18 =	sadd.s32 $0x8D00, s28;
	s21 =	spop (v2sf)  }
0xcf: {  	[tilespmem:s18], [sflag:$0x1] =	stream.linear.gather [hbm4b:s19+s2], $0x80, $0x38;
	(v2sf) =	vpush v3, $0x5;
	[tilespmem:$0x10400] =	vst v63  }
0xd0: {  	s18 =	sadd.s32 s7, s20;
	s19 =	sand.u32 $0x1FFFFFF0, s21;
	s20 =	spop (v2sf)  }
0xd1: {  	[tilespmem:s22], [sflag:$0x1] =	stream.linear.gather [hbm4b:s18+s2], $0x80, $0x38;
	(v2sf) =	vpush v2, $0x5;
	[tilespmem:$0x10400] =	vst v63  }
0xd2: {  	s21 =	sadd.s32 s4, s19;
	s18 =	sadd.s32 $0xD80, s28;
	s20 =	sand.u32 $0x1FFFFFF0, s20  }
0xd3: {  	[tilespmem:s18], [sflag:$0x1] =	stream.linear.gather [hbm4b:s21+s2], $0x80, $0x38;
	[tilespmem:$0x10400] =	vst v63  }
0xd4: {  	s22 =	sadd.s32 $0xCD80, s28;
	s18 =	sadd.s32 $0x4D80, s28;
	s21 =	sadd.s32 s5, s20  }
0xd5: {  	[tilespmem:s18], [sflag:$0x1] =	stream.linear.gather [hbm4b:s21+s2], $0x80, $0x38;
	[tilespmem:$0x10400] =	vst v63  }
0xd6: {  	s19 =	sadd.s32 s6, s19;
	s18 =	sadd.s32 $0x8D80, s28;
	s21 =	spop (v2sf)  }
0xd7: {  	[tilespmem:s18], [sflag:$0x1] =	stream.linear.gather [hbm4b:s19+s2], $0x80, $0x38;
	(v2sf) =	vpush v3, $0x6;
	[tilespmem:$0x10400] =	vst v63  }
0xd8: {  	s18 =	sadd.s32 s7, s20;
	s19 =	sand.u32 $0x1FFFFFF0, s21;
	s20 =	spop (v2sf)  }
0xd9: {  	[tilespmem:s22], [sflag:$0x1] =	stream.linear.gather [hbm4b:s18+s2], $0x80, $0x38;
	(v2sf) =	vpush v2, $0x6;
	[tilespmem:$0x10400] =	vst v63  }
0xda: {  	s21 =	sadd.s32 s4, s19;
	s18 =	sadd.s32 $0xE00, s28;
	s20 =	sand.u32 $0x1FFFFFF0, s20  }
0xdb: {  	[tilespmem:s18], [sflag:$0x1] =	stream.linear.gather [hbm4b:s21+s2], $0x80, $0x38;
	[tilespmem:$0x10400] =	vst v63  }
0xdc: {  	s22 =	sadd.s32 $0xCE00, s28;
	s18 =	sadd.s32 $0x4E00, s28;
	s21 =	sadd.s32 s5, s20  }
0xdd: {  	[tilespmem:s18], [sflag:$0x1] =	stream.linear.gather [hbm4b:s21+s2], $0x80, $0x38;
	[tilespmem:$0x10400] =	vst v63  }
0xde: {  	s19 =	sadd.s32 s6, s19;
	s18 =	sadd.s32 $0x8E00, s28;
	s21 =	spop (v2sf)  }
0xdf: {  	[tilespmem:s18], [sflag:$0x1] =	stream.linear.gather [hbm4b:s19+s2], $0x80, $0x38;
	(v2sf) =	vpush v3, $0x7;
	[tilespmem:$0x10400] =	vst v63  }
0xe0: {  	s18 =	sadd.s32 s7, s20;
	s19 =	sand.u32 $0x1FFFFFF0, s21;
	s20 =	spop (v2sf)  }
0xe1: {  	[tilespmem:s22], [sflag:$0x1] =	stream.linear.gather [hbm4b:s18+s2], $0x80, $0x38;
	(v2sf) =	vpush v2, $0x7;
	[tilespmem:$0x10400] =	vst v63  }
0xe2: {  	s21 =	sadd.s32 s4, s19;
	s18 =	sadd.s32 $0xE80, s28;
	s20 =	sand.u32 $0x1FFFFFF0, s20  }
0xe3: {  	[tilespmem:s18], [sflag:$0x1] =	stream.linear.gather [hbm4b:s21+s2], $0x80, $0x38;
	[tilespmem:$0x10400] =	vst v63  }
0xe4: {  	s22 =	sadd.s32 $0xCE80, s28;
	s18 =	sadd.s32 $0x4E80, s28;
	s21 =	sadd.s32 s5, s20  }
0xe5: {  	[tilespmem:s18], [sflag:$0x1] =	stream.linear.gather [hbm4b:s21+s2], $0x80, $0x38;
	[tilespmem:$0x10400] =	vst v63  }
0xe6: {  	s19 =	sadd.s32 s6, s19;
	s18 =	sadd.s32 $0x8E80, s28;
	s21 =	spop (v2sf)  }
0xe7: {  	[tilespmem:s18], [sflag:$0x1] =	stream.linear.gather [hbm4b:s19+s2], $0x80, $0x38;
	(v2sf) =	vpush v3, $0x8;
	[tilespmem:$0x10400] =	vst v63  }
0xe8: {  	s18 =	sadd.s32 s7, s20;
	s19 =	sand.u32 $0x1FFFFFF0, s21;
	s20 =	spop (v2sf)  }
0xe9: {  	[tilespmem:s22], [sflag:$0x1] =	stream.linear.gather [hbm4b:s18+s2], $0x80, $0x38;
	(v2sf) =	vpush v2, $0x8;
	[tilespmem:$0x10400] =	vst v63  }
0xea: {  	s21 =	sadd.s32 s4, s19;
	s18 =	sadd.s32 $0xF00, s28;
	s20 =	sand.u32 $0x1FFFFFF0, s20  }
0xeb: {  	[tilespmem:s18], [sflag:$0x1] =	stream.linear.gather [hbm4b:s21+s2], $0x80, $0x38;
	[tilespmem:$0x10400] =	vst v63  }
0xec: {  	s22 =	sadd.s32 $0xCF00, s28;
	s18 =	sadd.s32 $0x4F00, s28;
	s21 =	sadd.s32 s5, s20  }
0xed: {  	[tilespmem:s18], [sflag:$0x1] =	stream.linear.gather [hbm4b:s21+s2], $0x80, $0x38;
	[tilespmem:$0x10400] =	vst v63  }
0xee: {  	s19 =	sadd.s32 s6, s19;
	s18 =	sadd.s32 $0x8F00, s28;
	s21 =	spop (v2sf)  }
0xef: {  	[tilespmem:s18], [sflag:$0x1] =	stream.linear.gather [hbm4b:s19+s2], $0x80, $0x38;
	(v2sf) =	vpush v3, $0x9;
	[tilespmem:$0x10400] =	vst v63  }
0xf0: {  	s18 =	sadd.s32 s7, s20;
	s19 =	sand.u32 $0x1FFFFFF0, s21;
	s20 =	spop (v2sf)  }
0xf1: {  	[tilespmem:s22], [sflag:$0x1] =	stream.linear.gather [hbm4b:s18+s2], $0x80, $0x38;
	(v2sf) =	vpush v2, $0x9;
	[tilespmem:$0x10400] =	vst v63  }
0xf2: {  	s21 =	sadd.s32 s4, s19;
	s18 =	sadd.s32 $0xF80, s28;
	s20 =	sand.u32 $0x1FFFFFF0, s20  }
0xf3: {  	[tilespmem:s18], [sflag:$0x1] =	stream.linear.gather [hbm4b:s21+s2], $0x80, $0x38;
	[tilespmem:$0x10400] =	vst v63  }
0xf4: {  	s22 =	sadd.s32 $0xCF80, s28;
	s18 =	sadd.s32 $0x4F80, s28;
	s21 =	sadd.s32 s5, s20  }
0xf5: {  	[tilespmem:s18], [sflag:$0x1] =	stream.linear.gather [hbm4b:s21+s2], $0x80, $0x38;
	[tilespmem:$0x10400] =	vst v63  }
0xf6: {  	s19 =	sadd.s32 s6, s19;
	s18 =	sadd.s32 $0x8F80, s28;
	s21 =	spop (v2sf)  }
0xf7: {  	[tilespmem:s18], [sflag:$0x1] =	stream.linear.gather [hbm4b:s19+s2], $0x80, $0x38;
	(v2sf) =	vpush v3, $0xA;
	[tilespmem:$0x10400] =	vst v63  }
0xf8: {  	s18 =	sadd.s32 s7, s20;
	s19 =	sand.u32 $0x1FFFFFF0, s21;
	s20 =	spop (v2sf)  }
0xf9: {  	[tilespmem:s22], [sflag:$0x1] =	stream.linear.gather [hbm4b:s18+s2], $0x80, $0x38;
	(v2sf) =	vpush v2, $0xA;
	[tilespmem:$0x10400] =	vst v63  }
0xfa: {  	s21 =	sadd.s32 s4, s19;
	s18 =	sadd.s32 $0x1000, s28;
	s20 =	sand.u32 $0x1FFFFFF0, s20  }
0xfb: {  	[tilespmem:s18], [sflag:$0x1] =	stream.linear.gather [hbm4b:s21+s2], $0x80, $0x38;
	[tilespmem:$0x10400] =	vst v63  }
0xfc: {  	s22 =	sadd.s32 $0xD000, s28;
	s18 =	sadd.s32 $0x5000, s28;
	s21 =	sadd.s32 s5, s20  }
0xfd: {  	[tilespmem:s18], [sflag:$0x1] =	stream.linear.gather [hbm4b:s21+s2], $0x80, $0x38;
	[tilespmem:$0x10400] =	vst v63  }
0xfe: {  	s19 =	sadd.s32 s6, s19;
	s18 =	sadd.s32 $0x9000, s28;
	s21 =	spop (v2sf)  }
0xff: {  	[tilespmem:s18], [sflag:$0x1] =	stream.linear.gather [hbm4b:s19+s2], $0x80, $0x38;
	[tilespmem:$0x10400] =	vst v63  }
0x100: {  	s18 =	sadd.s32 s7, s20;
	s19 =	sand.u32 $0x1FFFFFF0, s21;
	s20 =	spop (v2sf)  }
0x101: {  	[tilespmem:s22], [sflag:$0x1] =	stream.linear.gather [hbm4b:s18+s2], $0x80, $0x38;
	(v2sf) =	vpush v3, $0xB;
	[tilespmem:$0x10400] =	vst v63  }
0x102: {  	s21 =	sadd.s32 s4, s19;
	s18 =	sadd.s32 $0x1080, s28;
	s20 =	sand.u32 $0x1FFFFFF0, s20  }
0x103: {  	[tilespmem:s18], [sflag:$0x1] =	stream.linear.gather [hbm4b:s21+s2], $0x80, $0x38;
	(v2sf) =	vpush v2, $0xB;
	[tilespmem:$0x10400] =	vst v63  }
0x104: {  	s22 =	sadd.s32 $0xD080, s28;
	s18 =	sadd.s32 $0x5080, s28;
	s21 =	sadd.s32 s5, s20  }
0x105: {  	[tilespmem:s18], [sflag:$0x1] =	stream.linear.gather [hbm4b:s21+s2], $0x80, $0x38;
	[tilespmem:$0x10400] =	vst v63  }
0x106: {  	s19 =	sadd.s32 s6, s19;
	s18 =	sadd.s32 $0x9080, s28;
	s21 =	spop (v2sf)  }
0x107: {  	[tilespmem:s18], [sflag:$0x1] =	stream.linear.gather [hbm4b:s19+s2], $0x80, $0x38;
	[tilespmem:$0x10400] =	vst v63  }
0x108: {  	s18 =	sadd.s32 s7, s20;
	s19 =	sand.u32 $0x1FFFFFF0, s21;
	s20 =	spop (v2sf);
	(v2sf) =	vpush v3, $0xC  }
0x109: {  	[tilespmem:s22], [sflag:$0x1] =	stream.linear.gather [hbm4b:s18+s2], $0x80, $0x38;
	[tilespmem:$0x10400] =	vst v63  }
0x10a: {  	s21 =	sadd.s32 s4, s19;
	s18 =	sadd.s32 $0x1100, s28;
	s20 =	sand.u32 $0x1FFFFFF0, s20;
	(v2sf) =	vpush v2, $0xC  }
0x10b: {  	[tilespmem:s18], [sflag:$0x1] =	stream.linear.gather [hbm4b:s21+s2], $0x80, $0x38;
	[tilespmem:$0x10400] =	vst v63  }
0x10c: {  	s18 =	sadd.s32 $0x5100, s28;
	s21 =	sadd.s32 s5, s20  }
0x10d: {  	[tilespmem:s18], [sflag:$0x1] =	stream.linear.gather [hbm4b:s21+s2], $0x80, $0x38;
	[tilespmem:$0x10400] =	vst v63  }
0x10e: {  	s19 =	sadd.s32 s6, s19;
	s18 =	sadd.s32 $0x9100, s28;
	s21 =	sadd.s32 $0x1180, s28  }
0x10f: {  	[tilespmem:s18], [sflag:$0x1] =	stream.linear.gather [hbm4b:s19+s2], $0x80, $0x38;
	[tilespmem:$0x10400] =	vst v63  }
0x110: {  	s18 =	sadd.s32 $0xD100, s28;
	s19 =	sadd.s32 s7, s20;
	s20 =	spop (v2sf);
	(v2sf) =	vpush v3, $0xD  }
0x111: {  	[tilespmem:s18], [sflag:$0x1] =	stream.linear.gather [hbm4b:s19+s2], $0x80, $0x38;
	[tilespmem:$0x10400] =	vst v63  }
0x112: {  	s30 =	sadd.s32 $0x2, s30;
	s18 =	sand.u32 $0x1FFFFFF0, s20;
	s19 =	spop (v2sf);
	(v2sf) =	vpush v2, $0xD  }
0x113: {  	p0 =	slt.u32 s30, $0x6;
	s20 =	sadd.s32 s4, s18;
	s19 =	sand.u32 $0x1FFFFFF0, s19  }
0x114: {  	[tilespmem:s21], [sflag:$0x1] =	stream.linear.gather [hbm4b:s20+s2], $0x80, $0x38;
	[tilespmem:$0x10400] =	vst v63  }
0x115: {  	s22 =	sadd.s32 $0xD180, s28;
	s20 =	sadd.s32 $0x5180, s28;
	s21 =	sadd.s32 s5, s19  }
0x116: {  	[tilespmem:s20], [sflag:$0x1] =	stream.linear.gather [hbm4b:s21+s2], $0x80, $0x38;
	[tilespmem:$0x10400] =	vst v63  }
0x117: {  	s18 =	sadd.s32 s6, s18;
	s20 =	sadd.s32 $0x9180, s28;
	s21 =	spop (v2sf)  }
0x118: {  	[tilespmem:s20], [sflag:$0x1] =	stream.linear.gather [hbm4b:s18+s2], $0x80, $0x38;
	(v2sf) =	vpush v3, $0xE;
	[tilespmem:$0x10400] =	vst v63  }
0x119: {  	s18 =	sadd.s32 s7, s19;
	s19 =	sand.u32 $0x1FFFFFF0, s21;
	s20 =	spop (v2sf)  }
0x11a: {  	[tilespmem:s22], [sflag:$0x1] =	stream.linear.gather [hbm4b:s18+s2], $0x80, $0x38;
	(v2sf) =	vpush v2, $0xE;
	[tilespmem:$0x10400] =	vst v63  }
0x11b: {  	s21 =	sadd.s32 s4, s19;
	s18 =	sadd.s32 $0x1200, s28;
	s20 =	sand.u32 $0x1FFFFFF0, s20  }
0x11c: {  	[tilespmem:s18], [sflag:$0x1] =	stream.linear.gather [hbm4b:s21+s2], $0x80, $0x38;
	[tilespmem:$0x10400] =	vst v63  }
0x11d: {  	s22 =	sadd.s32 $0xD200, s28;
	s18 =	sadd.s32 $0x5200, s28;
	s21 =	sadd.s32 s5, s20  }
0x11e: {  	[tilespmem:s18], [sflag:$0x1] =	stream.linear.gather [hbm4b:s21+s2], $0x80, $0x38;
	[tilespmem:$0x10400] =	vst v63  }
0x11f: {  	s19 =	sadd.s32 s6, s19;
	s18 =	sadd.s32 $0x9200, s28;
	s21 =	spop (v2sf)  }
0x120: {  	[tilespmem:s18], [sflag:$0x1] =	stream.linear.gather [hbm4b:s19+s2], $0x80, $0x38;
	(v2sf) =	vpush v3, $0xF;
	[tilespmem:$0x10400] =	vst v63  }
0x121: {  	s18 =	sadd.s32 s7, s20;
	s19 =	sand.u32 $0x1FFFFFF0, s21;
	s20 =	spop (v2sf)  }
0x122: {  	[tilespmem:s22], [sflag:$0x1] =	stream.linear.gather [hbm4b:s18+s2], $0x80, $0x38;
	(v2sf) =	vpush v2, $0xF;
	[tilespmem:$0x10400] =	vst v63  }
0x123: {  	s21 =	sadd.s32 s4, s19;
	s18 =	sadd.s32 $0x1280, s28;
	s20 =	sand.u32 $0x1FFFFFF0, s20  }
0x124: {  	[tilespmem:s18], [sflag:$0x1] =	stream.linear.gather [hbm4b:s21+s2], $0x80, $0x38;
	[tilespmem:$0x10400] =	vst v63  }
0x125: {  	s22 =	sadd.s32 $0xD280, s28;
	s18 =	sadd.s32 $0x5280, s28;
	s21 =	sadd.s32 s5, s20  }
0x126: {  	[tilespmem:s18], [sflag:$0x1] =	stream.linear.gather [hbm4b:s21+s2], $0x80, $0x38;
	[tilespmem:$0x10400] =	vst v63  }
0x127: {  	s19 =	sadd.s32 s6, s19;
	s18 =	sadd.s32 $0x9280, s28;
	s21 =	spop (v2sf)  }
0x128: {  	[tilespmem:s18], [sflag:$0x1] =	stream.linear.gather [hbm4b:s19+s2], $0x80, $0x38;
	[tilespmem:$0x10400] =	vst v63  }
0x129: {  	s18 =	sadd.s32 s7, s20;
	s19 =	sand.u32 $0x1FFFFFF0, s21;
	s20 =	spop (v2sf)  }
0x12a: {  	[tilespmem:s22], [sflag:$0x1] =	stream.linear.gather [hbm4b:s18+s2], $0x80, $0x38;
	[tilespmem:$0x10400] =	vst v63  }
0x12b: {  	s21 =	sadd.s32 s4, s19;
	s18 =	sadd.s32 $0x1300, s28;
	s20 =	sand.u32 $0x1FFFFFF0, s20  }
0x12c: {  	[tilespmem:s18], [sflag:$0x1] =	stream.linear.gather [hbm4b:s21+s2], $0x80, $0x38;
	[tilespmem:$0x10400] =	vst v63  }
0x12d: {  	s22 =	sadd.s32 $0xD300, s28;
	s18 =	sadd.s32 $0x5300, s28;
	s21 =	sadd.s32 s5, s20;
	(v2sf) =	vpush v0, $0x3  }
0x12e: {  	[tilespmem:s18], [sflag:$0x1] =	stream.linear.gather [hbm4b:s21+s2], $0x80, $0x38;
	[tilespmem:$0x10400] =	vst v63  }
0x12f: {  	s19 =	sadd.s32 s6, s19;
	s18 =	sadd.s32 $0x9300, s28;
	(v2sf) =	vpush v1, $0x3;
	s21 =	spop (v2sf)  }
0x130: {  	[tilespmem:s18], [sflag:$0x1] =	stream.linear.gather [hbm4b:s19+s2], $0x80, $0x38;
	[tilespmem:$0x10400] =	vst v63  }
0x131: {  	s18 =	sadd.s32 s7, s20;
	s19 =	sand.u32 $0x1FFFFFF0, s21;
	s20 =	spop (v2sf)  }
0x132: {  	[tilespmem:s22], [sflag:$0x1] =	stream.linear.gather [hbm4b:s18+s2], $0x80, $0x38;
	[tilespmem:$0x10400] =	vst v63  }
0x133: {  	s21 =	sadd.s32 s4, s19;
	s18 =	sadd.s32 $0x1380, s28;
	s20 =	sand.u32 $0x1FFFFFF0, s20  }
0x134: {  	[tilespmem:s18], [sflag:$0x1] =	stream.linear.gather [hbm4b:s21+s2], $0x80, $0x38;
	[tilespmem:$0x10400] =	vst v63  }
0x135: {  	s18 =	sadd.s32 $0x5380, s28;
	s21 =	sadd.s32 s5, s20;
	(v2sf) =	vpush v0, $0x4  }
0x136: {  	[tilespmem:s18], [sflag:$0x1] =	stream.linear.gather [hbm4b:s21+s2], $0x80, $0x38;
	[tilespmem:$0x10400] =	vst v63  }
0x137: {  	s19 =	sadd.s32 s6, s19;
	s18 =	sadd.s32 $0x9380, s28;
	(v2sf) =	vpush v1, $0x4  }
0x138: {  	[tilespmem:s18], [sflag:$0x1] =	stream.linear.gather [hbm4b:s19+s2], $0x80, $0x38;
	[tilespmem:$0x10400] =	vst v63  }
0x139: {  	s18 =	sadd.s32 $0xD380, s28;
	s19 =	sadd.s32 s7, s20;
	s28 =	smov.u32 s12  }
0x13a: {  	[tilespmem:s18], [sflag:$0x1] =	stream.linear.gather [hbm4b:s19+s2], $0x80, $0x38;
	[tilespmem:$0x10400] =	vst v63  }
0x13b: {  	s0 =	sadd.s32 $0x20, s0;
	s31 =	sadd.s32 $0x20, s31;
	s12 =	sadd.s32 $0xC500, s28  }
0x13c: {  	s13 =	sadd.s32 s6, s13;
	s18 =	sadd.s32 $0x8500, s28;
	s19 =	spop (v2sf)  }
0x13d: {  	[tilespmem:s18], [sflag:$0x1] =	stream.linear.gather [hbm4b:s13+s2], $0x80, $0x38;
	(v2sf) =	vpush v0, $0x5;
	[tilespmem:$0x10400] =	vst v63  }
0x13e: {  	s13 =	sadd.s32 s7, s14;
	s14 =	sand.u32 $0x1FFFFFF0, s19;
	s18 =	spop (v2sf)  }
0x13f: {  	[tilespmem:s12], [sflag:$0x1] =	stream.linear.gather [hbm4b:s13+s2], $0x80, $0x38;
	(v2sf) =	vpush v1, $0x5;
	[tilespmem:$0x10400] =	vst v63  }
0x140: {  	s12 =	sadd.s32 $0x580, s28;
	s13 =	sadd.s32 s4, s14;
	s18 =	sand.u32 $0x1FFFFFF0, s18  }
0x141: {  	[tilespmem:s12], [sflag:$0x1] =	stream.linear.gather [hbm4b:s13+s2], $0x80, $0x38;
	[tilespmem:$0x10400] =	vst v63  }
0x142: {  	s19 =	sadd.s32 $0xC580, s28;
	s12 =	sadd.s32 $0x4580, s28;
	s13 =	sadd.s32 s5, s18  }
0x143: {  	[tilespmem:s12], [sflag:$0x1] =	stream.linear.gather [hbm4b:s13+s2], $0x80, $0x38;
	[tilespmem:$0x10400] =	vst v63  }
0x144: {  	s12 =	sadd.s32 $0x8580, s28;
	s13 =	sadd.s32 s6, s14;
	s14 =	spop (v2sf)  }
0x145: {  	[tilespmem:s12], [sflag:$0x1] =	stream.linear.gather [hbm4b:s13+s2], $0x80, $0x38;
	(v2sf) =	vpush v0, $0x6;
	[tilespmem:$0x10400] =	vst v63  }
0x146: {  	s12 =	sadd.s32 s7, s18;
	s13 =	sand.u32 $0x1FFFFFF0, s14;
	s14 =	spop (v2sf)  }
0x147: {  	[tilespmem:s19], [sflag:$0x1] =	stream.linear.gather [hbm4b:s12+s2], $0x80, $0x38;
	(v2sf) =	vpush v1, $0x6;
	[tilespmem:$0x10400] =	vst v63  }
0x148: {  	s18 =	sadd.s32 s4, s13;
	s12 =	sadd.s32 $0x600, s28;
	s14 =	sand.u32 $0x1FFFFFF0, s14  }
0x149: {  	[tilespmem:s12], [sflag:$0x1] =	stream.linear.gather [hbm4b:s18+s2], $0x80, $0x38;
	[tilespmem:$0x10400] =	vst v63  }
0x14a: {  	s19 =	sadd.s32 $0xC600, s28;
	s12 =	sadd.s32 $0x4600, s28;
	s18 =	sadd.s32 s5, s14  }
0x14b: {  	[tilespmem:s12], [sflag:$0x1] =	stream.linear.gather [hbm4b:s18+s2], $0x80, $0x38;
	[tilespmem:$0x10400] =	vst v63  }
0x14c: {  	s13 =	sadd.s32 s6, s13;
	s12 =	sadd.s32 $0x8600, s28;
	s18 =	spop (v2sf)  }
0x14d: {  	[tilespmem:s12], [sflag:$0x1] =	stream.linear.gather [hbm4b:s13+s2], $0x80, $0x38;
	(v2sf) =	vpush v0, $0x7;
	[tilespmem:$0x10400] =	vst v63  }
0x14e: {  	s12 =	sadd.s32 s7, s14;
	s13 =	sand.u32 $0x1FFFFFF0, s18;
	s14 =	spop (v2sf)  }
0x14f: {  	[tilespmem:s19], [sflag:$0x1] =	stream.linear.gather [hbm4b:s12+s2], $0x80, $0x38;
	(v2sf) =	vpush v1, $0x7;
	[tilespmem:$0x10400] =	vst v63  }
0x150: {  	s18 =	sadd.s32 s4, s13;
	s12 =	sadd.s32 $0x680, s28;
	s14 =	sand.u32 $0x1FFFFFF0, s14  }
0x151: {  	[tilespmem:s12], [sflag:$0x1] =	stream.linear.gather [hbm4b:s18+s2], $0x80, $0x38;
	[tilespmem:$0x10400] =	vst v63  }
0x152: {  	s19 =	sadd.s32 $0xC680, s28;
	s12 =	sadd.s32 $0x4680, s28;
	s18 =	sadd.s32 s5, s14  }
0x153: {  	[tilespmem:s12], [sflag:$0x1] =	stream.linear.gather [hbm4b:s18+s2], $0x80, $0x38;
	[tilespmem:$0x10400] =	vst v63  }
0x154: {  	s13 =	sadd.s32 s6, s13;
	s12 =	sadd.s32 $0x8680, s28;
	s18 =	spop (v2sf)  }
0x155: {  	[tilespmem:s12], [sflag:$0x1] =	stream.linear.gather [hbm4b:s13+s2], $0x80, $0x38;
	(v2sf) =	vpush v0, $0x8;
	[tilespmem:$0x10400] =	vst v63  }
0x156: {  	s12 =	sadd.s32 s7, s14;
	s13 =	sand.u32 $0x1FFFFFF0, s18;
	s14 =	spop (v2sf)  }
0x157: {  	[tilespmem:s19], [sflag:$0x1] =	stream.linear.gather [hbm4b:s12+s2], $0x80, $0x38;
	(v2sf) =	vpush v1, $0x8;
	[tilespmem:$0x10400] =	vst v63  }
0x158: {  	s18 =	sadd.s32 s4, s13;
	s12 =	sadd.s32 $0x700, s28;
	s14 =	sand.u32 $0x1FFFFFF0, s14  }
0x159: {  	[tilespmem:s12], [sflag:$0x1] =	stream.linear.gather [hbm4b:s18+s2], $0x80, $0x38;
	[tilespmem:$0x10400] =	vst v63  }
0x15a: {  	s19 =	sadd.s32 $0xC700, s28;
	s12 =	sadd.s32 $0x4700, s28;
	s18 =	sadd.s32 s5, s14  }
0x15b: {  	[tilespmem:s12], [sflag:$0x1] =	stream.linear.gather [hbm4b:s18+s2], $0x80, $0x38;
	[tilespmem:$0x10400] =	vst v63  }
0x15c: {  	s13 =	sadd.s32 s6, s13;
	s12 =	sadd.s32 $0x8700, s28;
	s18 =	spop (v2sf)  }
0x15d: {  	[tilespmem:s12], [sflag:$0x1] =	stream.linear.gather [hbm4b:s13+s2], $0x80, $0x38;
	(v2sf) =	vpush v0, $0x9;
	[tilespmem:$0x10400] =	vst v63  }
0x15e: {  	s12 =	sadd.s32 s7, s14;
	s13 =	sand.u32 $0x1FFFFFF0, s18;
	s14 =	spop (v2sf)  }
0x15f: {  	[tilespmem:s19], [sflag:$0x1] =	stream.linear.gather [hbm4b:s12+s2], $0x80, $0x38;
	(v2sf) =	vpush v1, $0x9;
	[tilespmem:$0x10400] =	vst v63  }
0x160: {  	s18 =	sadd.s32 s4, s13;
	s12 =	sadd.s32 $0x780, s28;
	s14 =	sand.u32 $0x1FFFFFF0, s14  }
0x161: {  	[tilespmem:s12], [sflag:$0x1] =	stream.linear.gather [hbm4b:s18+s2], $0x80, $0x38;
	[tilespmem:$0x10400] =	vst v63  }
0x162: {  	s19 =	sadd.s32 $0xC780, s28;
	s12 =	sadd.s32 $0x4780, s28;
	s18 =	sadd.s32 s5, s14  }
0x163: {  	[tilespmem:s12], [sflag:$0x1] =	stream.linear.gather [hbm4b:s18+s2], $0x80, $0x38;
	[tilespmem:$0x10400] =	vst v63  }
0x164: {  	s13 =	sadd.s32 s6, s13;
	s12 =	sadd.s32 $0x8780, s28;
	s18 =	spop (v2sf)  }
0x165: {  	[tilespmem:s12], [sflag:$0x1] =	stream.linear.gather [hbm4b:s13+s2], $0x80, $0x38;
	(v2sf) =	vpush v0, $0xA;
	[tilespmem:$0x10400] =	vst v63  }
0x166: {  	s12 =	sadd.s32 s7, s14;
	s13 =	sand.u32 $0x1FFFFFF0, s18;
	s14 =	spop (v2sf)  }
0x167: {  	[tilespmem:s19], [sflag:$0x1] =	stream.linear.gather [hbm4b:s12+s2], $0x80, $0x38;
	(v2sf) =	vpush v1, $0xA;
	[tilespmem:$0x10400] =	vst v63  }
0x168: {  	s18 =	sadd.s32 s4, s13;
	s12 =	sadd.s32 $0x800, s28;
	s14 =	sand.u32 $0x1FFFFFF0, s14  }
0x169: {  	[tilespmem:s12], [sflag:$0x1] =	stream.linear.gather [hbm4b:s18+s2], $0x80, $0x38;
	[tilespmem:$0x10400] =	vst v63  }
0x16a: {  	s19 =	sadd.s32 $0xC800, s28;
	s12 =	sadd.s32 $0x4800, s28;
	s18 =	sadd.s32 s5, s14  }
0x16b: {  	[tilespmem:s12], [sflag:$0x1] =	stream.linear.gather [hbm4b:s18+s2], $0x80, $0x38;
	[tilespmem:$0x10400] =	vst v63  }
0x16c: {  	s13 =	sadd.s32 s6, s13;
	s12 =	sadd.s32 $0x8800, s28;
	s18 =	spop (v2sf)  }
0x16d: {  	[tilespmem:s12], [sflag:$0x1] =	stream.linear.gather [hbm4b:s13+s2], $0x80, $0x38;
	(v2sf) =	vpush v0, $0xB;
	[tilespmem:$0x10400] =	vst v63  }
0x16e: {  	s12 =	sadd.s32 s7, s14;
	s13 =	sand.u32 $0x1FFFFFF0, s18;
	s14 =	spop (v2sf)  }
0x16f: {  	[tilespmem:s19], [sflag:$0x1] =	stream.linear.gather [hbm4b:s12+s2], $0x80, $0x38;
	(v2sf) =	vpush v1, $0xB;
	[tilespmem:$0x10400] =	vst v63  }
0x170: {  	s18 =	sadd.s32 s4, s13;
	s12 =	sadd.s32 $0x880, s28;
	s14 =	sand.u32 $0x1FFFFFF0, s14  }
0x171: {  	[tilespmem:s12], [sflag:$0x1] =	stream.linear.gather [hbm4b:s18+s2], $0x80, $0x38;
	[tilespmem:$0x10400] =	vst v63  }
0x172: {  	s19 =	sadd.s32 $0xC880, s28;
	s12 =	sadd.s32 $0x4880, s28;
	s18 =	sadd.s32 s5, s14  }
0x173: {  	[tilespmem:s12], [sflag:$0x1] =	stream.linear.gather [hbm4b:s18+s2], $0x80, $0x38;
	[tilespmem:$0x10400] =	vst v63  }
0x174: {  	s13 =	sadd.s32 s6, s13;
	s12 =	sadd.s32 $0x8880, s28;
	s18 =	spop (v2sf)  }
0x175: {  	[tilespmem:s12], [sflag:$0x1] =	stream.linear.gather [hbm4b:s13+s2], $0x80, $0x38;
	(v2sf) =	vpush v0, $0xC;
	[tilespmem:$0x10400] =	vst v63  }
0x176: {  	s12 =	sadd.s32 s7, s14;
	s13 =	sand.u32 $0x1FFFFFF0, s18;
	s14 =	spop (v2sf)  }
0x177: {  	[tilespmem:s19], [sflag:$0x1] =	stream.linear.gather [hbm4b:s12+s2], $0x80, $0x38;
	(v2sf) =	vpush v1, $0xC;
	[tilespmem:$0x10400] =	vst v63  }
0x178: {  	s18 =	sadd.s32 s4, s13;
	s12 =	sadd.s32 $0x900, s28;
	s14 =	sand.u32 $0x1FFFFFF0, s14  }
0x179: {  	[tilespmem:s12], [sflag:$0x1] =	stream.linear.gather [hbm4b:s18+s2], $0x80, $0x38;
	[tilespmem:$0x10400] =	vst v63  }
0x17a: {  	s19 =	sadd.s32 $0xC900, s28;
	s12 =	sadd.s32 $0x4900, s28;
	s18 =	sadd.s32 s5, s14  }
0x17b: {  	[tilespmem:s12], [sflag:$0x1] =	stream.linear.gather [hbm4b:s18+s2], $0x80, $0x38;
	[tilespmem:$0x10400] =	vst v63  }
0x17c: {  	s13 =	sadd.s32 s6, s13;
	s12 =	sadd.s32 $0x8900, s28;
	s18 =	spop (v2sf)  }
0x17d: {  	[tilespmem:s12], [sflag:$0x1] =	stream.linear.gather [hbm4b:s13+s2], $0x80, $0x38;
	(v2sf) =	vpush v0, $0xD;
	[tilespmem:$0x10400] =	vst v63  }
0x17e: {  	s12 =	sadd.s32 s7, s14;
	s13 =	sand.u32 $0x1FFFFFF0, s18;
	s14 =	spop (v2sf)  }
0x17f: {  	[tilespmem:s19], [sflag:$0x1] =	stream.linear.gather [hbm4b:s12+s2], $0x80, $0x38;
	(v2sf) =	vpush v1, $0xD;
	[tilespmem:$0x10400] =	vst v63  }
0x180: {  	s18 =	sadd.s32 s4, s13;
	s12 =	sadd.s32 $0x980, s28;
	s14 =	sand.u32 $0x1FFFFFF0, s14  }
0x181: {  	[tilespmem:s12], [sflag:$0x1] =	stream.linear.gather [hbm4b:s18+s2], $0x80, $0x38;
	[tilespmem:$0x10400] =	vst v63  }
0x182: {  	s19 =	sadd.s32 $0xC980, s28;
	s12 =	sadd.s32 $0x4980, s28;
	s18 =	sadd.s32 s5, s14  }
0x183: {  	[tilespmem:s12], [sflag:$0x1] =	stream.linear.gather [hbm4b:s18+s2], $0x80, $0x38;
	[tilespmem:$0x10400] =	vst v63  }
0x184: {  	s13 =	sadd.s32 s6, s13;
	s12 =	sadd.s32 $0x8980, s28;
	s18 =	spop (v2sf)  }
0x185: {  	[tilespmem:s12], [sflag:$0x1] =	stream.linear.gather [hbm4b:s13+s2], $0x80, $0x38;
	[tilespmem:$0x10400] =	vst v63  }
0x186: {  	(v2sf) =	vpush v0, $0xE;
	s13 =	sand.u32 $0x1FFFFFF0, s18  }
0x187: {  	s12 =	sadd.s32 s7, s14;
	s14 =	spop (v2sf);
	s18 =	sadd.s32 s4, s13  }
0x188: {  	[tilespmem:s19], [sflag:$0x1] =	stream.linear.gather [hbm4b:s12+s2], $0x80, $0x38;
	(v2sf) =	vpush v1, $0xE;
	[tilespmem:$0x10400] =	vst v63  }
0x189: {  	s13 =	sadd.s32 s6, s13;
	s12 =	sadd.s32 $0xA00, s28;
	s14 =	sand.u32 $0x1FFFFFF0, s14  }
0x18a: {  	[tilespmem:s12], [sflag:$0x1] =	stream.linear.gather [hbm4b:s18+s2], $0x80, $0x38;
	[tilespmem:$0x10400] =	vst v63  }
0x18b: {  	s19 =	sadd.s32 $0xCA00, s28;
	s12 =	sadd.s32 $0x4A00, s28;
	s18 =	sadd.s32 s5, s14  }
0x18c: {  	[tilespmem:s12], [sflag:$0x1] =	stream.linear.gather [hbm4b:s18+s2], $0x80, $0x38;
	[tilespmem:$0x10400] =	vst v63  }
.Ltmp0:
0x18d: {  	s12 =	sadd.s32 $0x8A00, s28;
	s18 =	spop (v2sf);
	(pc) =	sbr.rel @p0 .LBB2_3-.Ltmp0, $4  }
0x18e: {  	[tilespmem:s12], [sflag:$0x1] =	stream.linear.gather [hbm4b:s13+s2], $0x80, $0x38;
	(v2sf) =	vpush v0, $0xF;
	[tilespmem:$0x10400] =	vst v63  }
0x18f: {  	s13 =	sadd.s32 s7, s14;
	s12 =	sand.u32 $0x1FFFFFF0, s18;
	s18 =	spop (v2sf)  }
0x190: {  	[tilespmem:s19], [sflag:$0x1] =	stream.linear.gather [hbm4b:s13+s2], $0x80, $0x38;
	(v2sf) =	vpush v1, $0xF;
	[tilespmem:$0x10400] =	vst v63  }
0x191: {  	s14 =	sadd.s32 $0xA80, s28;
	s22 =	sadd.s32 s4, s12;
	s13 =	sand.u32 $0x1FFFFFF0, s18  }
0x192: {  	[tilespmem:s14], [sflag:$0x1] =	stream.linear.gather [hbm4b:s22+s2], $0x80, $0x38;
	[tilespmem:$0x10400] =	vst v63  }
0x193: {  	s0 =	sadd.s32 $0x4A80, s28;
	s18 =	sadd.s32 s5, s13;
	s19 =	sadd.s32 $0x8A80, s28  }
0x194: {  	[tilespmem:s0], [sflag:$0x1] =	stream.linear.gather [hbm4b:s18+s2], $0x80, $0x38;
	[tilespmem:$0x10400] =	vst v63  }
0x195: {  	s12 =	sadd.s32 s6, s12;
	s20 =	sadd.s32 $0xCA80, s28;
	s21 =	spop (v2sf)  }
0x196: {  	[tilespmem:s19], [sflag:$0x1] =	stream.linear.gather [hbm4b:s12+s2], $0x80, $0x38;
	[tilespmem:$0x10400] =	vst v63  }
0x197: {  	s22 =	sadd.s32 s7, s13;
	s12 =	sand.u32 $0x1FFFFFF0, s21;
	s29 =	spop (v2sf)  }
0x198: {  	[tilespmem:s20], [sflag:$0x1] =	stream.linear.gather [hbm4b:s22+s2], $0x80, $0x38;
	[tilespmem:$0x10400] =	vst v63  }
0x199: {  	s30 =	sadd.s32 $0xB00, s28;
	s31 =	sadd.s32 s4, s12;
	s14 =	sand.u32 $0x1FFFFFF0, s29  }
0x19a: {  	[tilespmem:s30], [sflag:$0x1] =	stream.linear.gather [hbm4b:s31+s2], $0x80, $0x38;
	[tilespmem:$0x10400] =	vst v63  }
0x19b: {  	s13 =	sadd.s32 $0x4B00, s28;
	s19 =	sadd.s32 $0x8B00, s28;
	s18 =	sadd.s32 s5, s14  }
0x19c: {  	[tilespmem:s13], [sflag:$0x1] =	stream.linear.gather [hbm4b:s18+s2], $0x80, $0x38;
	[tilespmem:$0x10400] =	vst v63  }
0x19d: {  	s12 =	sadd.s32 s6, s12;
	s20 =	sadd.s32 $0xCB00, s28;
	s21 =	spop (v2sf)  }
0x19e: {  	[tilespmem:s19], [sflag:$0x1] =	stream.linear.gather [hbm4b:s12+s2], $0x80, $0x38;
	[tilespmem:$0x10400] =	vst v63  }
0x19f: {  	s22 =	sadd.s32 s7, s14;
	s12 =	sand.u32 $0x1FFFFFF0, s21;
	s29 =	spop (v2sf)  }
0x1a0: {  	[tilespmem:s20], [sflag:$0x1] =	stream.linear.gather [hbm4b:s22+s2], $0x80, $0x38;
	[tilespmem:$0x10400] =	vst v63  }
0x1a1: {  	s30 =	sadd.s32 $0xB80, s28;
	s31 =	sadd.s32 s4, s12;
	s14 =	sand.u32 $0x1FFFFFF0, s29  }
0x1a2: {  	[tilespmem:s30], [sflag:$0x1] =	stream.linear.gather [hbm4b:s31+s2], $0x80, $0x38;
	[tilespmem:$0x10400] =	vst v63  }
0x1a3: {  	s13 =	sadd.s32 $0x4B80, s28;
	s18 =	sadd.s32 s5, s14  }
0x1a4: {  	[tilespmem:s13], [sflag:$0x1] =	stream.linear.gather [hbm4b:s18+s2], $0x80, $0x38;
	[tilespmem:$0x10400] =	vst v63  }
0x1a5: {  	s19 =	sadd.s32 $0x8B80, s28;
	s12 =	sadd.s32 s6, s12  }
0x1a6: {  	[tilespmem:s19], [sflag:$0x1] =	stream.linear.gather [hbm4b:s12+s2], $0x80, $0x38;
	[tilespmem:$0x10400] =	vst v63  }
0x1a7: {  	s20 =	sadd.s32 $0xCB80, s28;
	s21 =	sadd.s32 s7, s14  }
0x1a8: {  	[tilespmem:s20], [sflag:$0x1] =	stream.linear.gather [hbm4b:s21+s2], $0x80, $0x38;
	[tilespmem:$0x10400] =	vst v63  }
0x1a9: {  	v0 =	vld [tilespmem:s23+$0x0]  }
0x1aa: {  	v2 =	vld [tilespmem:s24+$0x0];
	_ =	sdelay $0x3  }
0x1ab: {  	v1 =	vshll.u32 v0, $0x4  }
0x1ac: {  	v63 =	vshll.u32 v2, $0x4;
	(v2sf) =	vpush v1, $0x0  }
0x1ad: {  	(v2sf) =	vpush v63, $0x0;
	_ =	sdelay $0x4  }
0x1ae: {  	(v2sf) =	vpush v1, $0x1;
	_ =	sdelay $0x1  }
0x1af: {  	(v2sf) =	vpush v63, $0x1;
	_ =	sdelay $0x6  }
0x1b0: {  	s22 =	spop (v2sf)  }
0x1b1: {  	(v2sf) =	vpush v1, $0x2;
	s0 =	sand.u32 $0x1FFFFFF0, s22;
	s23 =	spop (v2sf)  }
0x1b2: {  	s24 =	sadd.s32 $0xC00, s28;
	(v2sf) =	vpush v63, $0x2;
	s29 =	sadd.s32 s4, s0;
	s12 =	sand.u32 $0x1FFFFFF0, s23  }
0x1b3: {  	[tilespmem:s24], [sflag:$0x1] =	stream.linear.gather [hbm4b:s29+s2], $0x80, $0x38;
	[tilespmem:$0x10400] =	vst v63  }
0x1b4: {  	s14 =	sadd.s32 $0x8C00, s28;
	s30 =	sadd.s32 $0x4C00, s28;
	s31 =	sadd.s32 s5, s12  }
0x1b5: {  	[tilespmem:s30], [sflag:$0x1] =	stream.linear.gather [hbm4b:s31+s2], $0x80, $0x38;
	[tilespmem:$0x10400] =	vst v63  }
0x1b6: {  	s18 =	sadd.s32 $0xCC00, s28;
	s0 =	sadd.s32 s6, s0;
	s19 =	spop (v2sf)  }
0x1b7: {  	[tilespmem:s14], [sflag:$0x1] =	stream.linear.gather [hbm4b:s0+s2], $0x80, $0x38;
	[tilespmem:$0x10400] =	vst v63  }
0x1b8: {  	(v2sf) =	vpush v1, $0x3;
	s12 =	sadd.s32 s7, s12;
	s13 =	sand.u32 $0x1FFFFFF0, s19;
	s20 =	spop (v2sf)  }
0x1b9: {  	[tilespmem:s18], [sflag:$0x1] =	stream.linear.gather [hbm4b:s12+s2], $0x80, $0x38;
	[tilespmem:$0x10400] =	vst v63  }
0x1ba: {  	s21 =	sadd.s32 $0xC80, s28;
	(v2sf) =	vpush v63, $0x3;
	s22 =	sadd.s32 s4, s13;
	s14 =	sand.u32 $0x1FFFFFF0, s20  }
0x1bb: {  	[tilespmem:s21], [sflag:$0x1] =	stream.linear.gather [hbm4b:s22+s2], $0x80, $0x38;
	[tilespmem:$0x10400] =	vst v63  }
0x1bc: {  	s23 =	sadd.s32 $0x4C80, s28;
	s24 =	sadd.s32 s5, s14  }
0x1bd: {  	[tilespmem:s23], [sflag:$0x1] =	stream.linear.gather [hbm4b:s24+s2], $0x80, $0x38;
	[tilespmem:$0x10400] =	vst v63  }
0x1be: {  	s29 =	sadd.s32 $0x8C80, s28;
	s30 =	sadd.s32 s6, s13  }
0x1bf: {  	[tilespmem:s29], [sflag:$0x1] =	stream.linear.gather [hbm4b:s30+s2], $0x80, $0x38;
	[tilespmem:$0x10400] =	vst v63  }
0x1c0: {  	s31 =	sadd.s32 $0xCC80, s28;
	s13 =	spop (v2sf);
	(v2sf) =	vpush v1, $0x4  }
0x1c1: {  	s14 =	sadd.s32 s7, s14;
	s12 =	sand.u32 $0x1FFFFFF0, s13;
	s18 =	spop (v2sf)  }
0x1c2: {  	(v2sf) =	vpush v63, $0x4;
	[tilespmem:s31], [sflag:$0x1] =	stream.linear.gather [hbm4b:s14+s2], $0x80, $0x38;
	[tilespmem:$0x10400] =	vst v63  }
0x1c3: {  	s19 =	sadd.s32 $0xD00, s28;
	s20 =	sadd.s32 s4, s12;
	s14 =	sand.u32 $0x1FFFFFF0, s18  }
0x1c4: {  	[tilespmem:s19], [sflag:$0x1] =	stream.linear.gather [hbm4b:s20+s2], $0x80, $0x38;
	[tilespmem:$0x10400] =	vst v63  }
0x1c5: {  	s21 =	sadd.s32 $0x4D00, s28;
	s23 =	sadd.s32 $0x8D00, s28;
	s22 =	sadd.s32 s5, s14  }
0x1c6: {  	[tilespmem:s21], [sflag:$0x1] =	stream.linear.gather [hbm4b:s22+s2], $0x80, $0x38;
	[tilespmem:$0x10400] =	vst v63  }
0x1c7: {  	s24 =	sadd.s32 $0xCD00, s28;
	s12 =	sadd.s32 s6, s12;
	s29 =	spop (v2sf)  }
0x1c8: {  	(v2sf) =	vpush v1, $0x5;
	[tilespmem:s23], [sflag:$0x1] =	stream.linear.gather [hbm4b:s12+s2], $0x80, $0x38;
	[tilespmem:$0x10400] =	vst v63  }
0x1c9: {  	s30 =	sadd.s32 s7, s14;
	s31 =	spop (v2sf);
	s12 =	sand.u32 $0x1FFFFFF0, s29  }
0x1ca: {  	(v2sf) =	vpush v63, $0x5;
	[tilespmem:s24], [sflag:$0x1] =	stream.linear.gather [hbm4b:s30+s2], $0x80, $0x38;
	[tilespmem:$0x10400] =	vst v63  }
0x1cb: {  	s13 =	sadd.s32 $0xD80, s28;
	s14 =	sand.u32 $0x1FFFFFF0, s31;
	s18 =	sadd.s32 s4, s12  }
0x1cc: {  	[tilespmem:s13], [sflag:$0x1] =	stream.linear.gather [hbm4b:s18+s2], $0x80, $0x38;
	[tilespmem:$0x10400] =	vst v63  }
0x1cd: {  	s19 =	sadd.s32 $0x4D80, s28;
	s20 =	sadd.s32 s5, s14;
	s21 =	sadd.s32 $0x8D80, s28  }
0x1ce: {  	[tilespmem:s19], [sflag:$0x1] =	stream.linear.gather [hbm4b:s20+s2], $0x80, $0x38;
	[tilespmem:$0x10400] =	vst v63  }
0x1cf: {  	s22 =	sadd.s32 $0xCD80, s28;
	s12 =	sadd.s32 s6, s12;
	s23 =	spop (v2sf)  }
0x1d0: {  	(v2sf) =	vpush v1, $0x6;
	[tilespmem:s21], [sflag:$0x1] =	stream.linear.gather [hbm4b:s12+s2], $0x80, $0x38;
	[tilespmem:$0x10400] =	vst v63  }
0x1d1: {  	s24 =	sadd.s32 s7, s14;
	s12 =	sand.u32 $0x1FFFFFF0, s23;
	s29 =	spop (v2sf)  }
0x1d2: {  	(v2sf) =	vpush v63, $0x6;
	[tilespmem:s22], [sflag:$0x1] =	stream.linear.gather [hbm4b:s24+s2], $0x80, $0x38;
	[tilespmem:$0x10400] =	vst v63  }
0x1d3: {  	s30 =	sadd.s32 $0xE00, s28;
	s31 =	sadd.s32 s4, s12;
	s14 =	sand.u32 $0x1FFFFFF0, s29  }
0x1d4: {  	[tilespmem:s30], [sflag:$0x1] =	stream.linear.gather [hbm4b:s31+s2], $0x80, $0x38;
	[tilespmem:$0x10400] =	vst v63  }
0x1d5: {  	s13 =	sadd.s32 $0x4E00, s28;
	s19 =	sadd.s32 $0x8E00, s28;
	s18 =	sadd.s32 s5, s14  }
0x1d6: {  	[tilespmem:s13], [sflag:$0x1] =	stream.linear.gather [hbm4b:s18+s2], $0x80, $0x38;
	[tilespmem:$0x10400] =	vst v63  }
0x1d7: {  	s20 =	sadd.s32 $0xCE00, s28;
	s12 =	sadd.s32 s6, s12;
	s21 =	spop (v2sf)  }
0x1d8: {  	(v2sf) =	vpush v1, $0x7;
	[tilespmem:s19], [sflag:$0x1] =	stream.linear.gather [hbm4b:s12+s2], $0x80, $0x38;
	[tilespmem:$0x10400] =	vst v63  }
0x1d9: {  	s22 =	sadd.s32 s7, s14;
	s23 =	spop (v2sf);
	s12 =	sand.u32 $0x1FFFFFF0, s21  }
0x1da: {  	(v2sf) =	vpush v63, $0x7;
	[tilespmem:s20], [sflag:$0x1] =	stream.linear.gather [hbm4b:s22+s2], $0x80, $0x38;
	[tilespmem:$0x10400] =	vst v63  }
0x1db: {  	s24 =	sadd.s32 $0xE80, s28;
	s14 =	sand.u32 $0x1FFFFFF0, s23;
	s29 =	sadd.s32 s4, s12  }
0x1dc: {  	[tilespmem:s24], [sflag:$0x1] =	stream.linear.gather [hbm4b:s29+s2], $0x80, $0x38;
	[tilespmem:$0x10400] =	vst v63  }
0x1dd: {  	s30 =	sadd.s32 $0x4E80, s28;
	s31 =	sadd.s32 s5, s14;
	s13 =	sadd.s32 $0x8E80, s28  }
0x1de: {  	[tilespmem:s30], [sflag:$0x1] =	stream.linear.gather [hbm4b:s31+s2], $0x80, $0x38;
	[tilespmem:$0x10400] =	vst v63  }
0x1df: {  	s18 =	sadd.s32 $0xCE80, s28;
	s12 =	sadd.s32 s6, s12;
	s19 =	spop (v2sf)  }
0x1e0: {  	(v2sf) =	vpush v1, $0x8;
	[tilespmem:s13], [sflag:$0x1] =	stream.linear.gather [hbm4b:s12+s2], $0x80, $0x38;
	[tilespmem:$0x10400] =	vst v63  }
0x1e1: {  	s20 =	sadd.s32 s7, s14;
	s21 =	spop (v2sf);
	s12 =	sand.u32 $0x1FFFFFF0, s19  }
0x1e2: {  	(v2sf) =	vpush v63, $0x8;
	[tilespmem:s18], [sflag:$0x1] =	stream.linear.gather [hbm4b:s20+s2], $0x80, $0x38;
	[tilespmem:$0x10400] =	vst v63  }
0x1e3: {  	s22 =	sadd.s32 $0xF00, s28;
	s14 =	sand.u32 $0x1FFFFFF0, s21;
	s23 =	sadd.s32 s4, s12  }
0x1e4: {  	[tilespmem:s22], [sflag:$0x1] =	stream.linear.gather [hbm4b:s23+s2], $0x80, $0x38;
	[tilespmem:$0x10400] =	vst v63  }
0x1e5: {  	s24 =	sadd.s32 $0x4F00, s28;
	s30 =	sadd.s32 $0x8F00, s28;
	s29 =	sadd.s32 s5, s14  }
0x1e6: {  	[tilespmem:s24], [sflag:$0x1] =	stream.linear.gather [hbm4b:s29+s2], $0x80, $0x38;
	[tilespmem:$0x10400] =	vst v63  }
0x1e7: {  	s31 =	sadd.s32 $0xCF00, s28;
	s13 =	spop (v2sf);
	s12 =	sadd.s32 s6, s12  }
0x1e8: {  	(v2sf) =	vpush v1, $0x9;
	[tilespmem:s30], [sflag:$0x1] =	stream.linear.gather [hbm4b:s12+s2], $0x80, $0x38;
	[tilespmem:$0x10400] =	vst v63  }
0x1e9: {  	s14 =	sadd.s32 s7, s14;
	s18 =	spop (v2sf);
	s12 =	sand.u32 $0x1FFFFFF0, s13  }
0x1ea: {  	(v2sf) =	vpush v63, $0x9;
	[tilespmem:s31], [sflag:$0x1] =	stream.linear.gather [hbm4b:s14+s2], $0x80, $0x38;
	[tilespmem:$0x10400] =	vst v63  }
0x1eb: {  	s19 =	sadd.s32 $0xF80, s28;
	s20 =	sadd.s32 s4, s12;
	s14 =	sand.u32 $0x1FFFFFF0, s18  }
0x1ec: {  	[tilespmem:s19], [sflag:$0x1] =	stream.linear.gather [hbm4b:s20+s2], $0x80, $0x38;
	[tilespmem:$0x10400] =	vst v63  }
0x1ed: {  	s21 =	sadd.s32 $0x4F80, s28;
	s23 =	sadd.s32 $0x8F80, s28;
	s22 =	sadd.s32 s5, s14  }
0x1ee: {  	[tilespmem:s21], [sflag:$0x1] =	stream.linear.gather [hbm4b:s22+s2], $0x80, $0x38;
	[tilespmem:$0x10400] =	vst v63  }
0x1ef: {  	s24 =	sadd.s32 $0xCF80, s28;
	s12 =	sadd.s32 s6, s12;
	s29 =	spop (v2sf)  }
0x1f0: {  	(v2sf) =	vpush v1, $0xA;
	[tilespmem:s23], [sflag:$0x1] =	stream.linear.gather [hbm4b:s12+s2], $0x80, $0x38;
	[tilespmem:$0x10400] =	vst v63  }
0x1f1: {  	s30 =	sadd.s32 s7, s14;
	s31 =	spop (v2sf);
	s12 =	sand.u32 $0x1FFFFFF0, s29  }
0x1f2: {  	(v2sf) =	vpush v63, $0xA;
	[tilespmem:s24], [sflag:$0x1] =	stream.linear.gather [hbm4b:s30+s2], $0x80, $0x38;
	[tilespmem:$0x10400] =	vst v63  }
0x1f3: {  	s13 =	sadd.s32 $0x1000, s28;
	s14 =	sand.u32 $0x1FFFFFF0, s31;
	s18 =	sadd.s32 s4, s12  }
0x1f4: {  	[tilespmem:s13], [sflag:$0x1] =	stream.linear.gather [hbm4b:s18+s2], $0x80, $0x38;
	[tilespmem:$0x10400] =	vst v63  }
0x1f5: {  	s19 =	sadd.s32 $0x5000, s28;
	s21 =	sadd.s32 $0x9000, s28;
	s20 =	sadd.s32 s5, s14  }
0x1f6: {  	[tilespmem:s19], [sflag:$0x1] =	stream.linear.gather [hbm4b:s20+s2], $0x80, $0x38;
	[tilespmem:$0x10400] =	vst v63  }
0x1f7: {  	s22 =	sadd.s32 $0xD000, s28;
	s23 =	spop (v2sf);
	s12 =	sadd.s32 s6, s12  }
0x1f8: {  	(v2sf) =	vpush v1, $0xB;
	[tilespmem:s21], [sflag:$0x1] =	stream.linear.gather [hbm4b:s12+s2], $0x80, $0x38;
	[tilespmem:$0x10400] =	vst v63  }
0x1f9: {  	s29 =	spop (v2sf);
	s24 =	sadd.s32 s7, s14;
	s12 =	sand.u32 $0x1FFFFFF0, s23  }
0x1fa: {  	(v2sf) =	vpush v63, $0xB;
	[tilespmem:s22], [sflag:$0x1] =	stream.linear.gather [hbm4b:s24+s2], $0x80, $0x38;
	[tilespmem:$0x10400] =	vst v63  }
0x1fb: {  	s30 =	sadd.s32 $0x1080, s28;
	s14 =	sand.u32 $0x1FFFFFF0, s29;
	s31 =	sadd.s32 s4, s12  }
0x1fc: {  	[tilespmem:s30], [sflag:$0x1] =	stream.linear.gather [hbm4b:s31+s2], $0x80, $0x38;
	[tilespmem:$0x10400] =	vst v63  }
0x1fd: {  	s13 =	sadd.s32 $0x5080, s28;
	s18 =	sadd.s32 s5, s14;
	s19 =	sadd.s32 $0x9080, s28  }
0x1fe: {  	[tilespmem:s13], [sflag:$0x1] =	stream.linear.gather [hbm4b:s18+s2], $0x80, $0x38;
	[tilespmem:$0x10400] =	vst v63  }
0x1ff: {  	s20 =	sadd.s32 $0xD080, s28;
	s12 =	sadd.s32 s6, s12;
	s21 =	spop (v2sf)  }
0x200: {  	(v2sf) =	vpush v1, $0xC;
	[tilespmem:s19], [sflag:$0x1] =	stream.linear.gather [hbm4b:s12+s2], $0x80, $0x38;
	[tilespmem:$0x10400] =	vst v63  }
0x201: {  	s22 =	sadd.s32 s7, s14;
	s23 =	spop (v2sf);
	s12 =	sand.u32 $0x1FFFFFF0, s21  }
0x202: {  	(v2sf) =	vpush v63, $0xC;
	[tilespmem:s20], [sflag:$0x1] =	stream.linear.gather [hbm4b:s22+s2], $0x80, $0x38;
	[tilespmem:$0x10400] =	vst v63  }
0x203: {  	s24 =	sadd.s32 $0x1100, s28;
	s14 =	sand.u32 $0x1FFFFFF0, s23;
	s29 =	sadd.s32 s4, s12  }
0x204: {  	[tilespmem:s24], [sflag:$0x1] =	stream.linear.gather [hbm4b:s29+s2], $0x80, $0x38;
	[tilespmem:$0x10400] =	vst v63  }
0x205: {  	s30 =	sadd.s32 $0x5100, s28;
	s18 =	sadd.s32 $0x9100, s28;
	s31 =	sadd.s32 s5, s14  }
0x206: {  	[tilespmem:s30], [sflag:$0x1] =	stream.linear.gather [hbm4b:s31+s2], $0x80, $0x38;
	[tilespmem:$0x10400] =	vst v63  }
0x207: {  	s19 =	sadd.s32 $0xD100, s28;
	s21 =	spop (v2sf);
	s12 =	sadd.s32 s6, s12  }
0x208: {  	(v2sf) =	vpush v1, $0xD;
	[tilespmem:s18], [sflag:$0x1] =	stream.linear.gather [hbm4b:s12+s2], $0x80, $0x38;
	[tilespmem:$0x10400] =	vst v63  }
0x209: {  	s23 =	spop (v2sf);
	s20 =	sadd.s32 s7, s14;
	s22 =	sand.u32 $0x1FFFFFF0, s21  }
0x20a: {  	(v2sf) =	vpush v63, $0xD;
	[tilespmem:s19], [sflag:$0x1] =	stream.linear.gather [hbm4b:s20+s2], $0x80, $0x38;
	[tilespmem:$0x10400] =	vst v63  }
0x20b: {  	s24 =	sadd.s32 $0x1180, s28;
	s29 =	sadd.s32 s4, s22;
	s12 =	sand.u32 $0x1FFFFFF0, s23  }
0x20c: {  	[tilespmem:s24], [sflag:$0x1] =	stream.linear.gather [hbm4b:s29+s2], $0x80, $0x38;
	[tilespmem:$0x10400] =	vst v63  }
0x20d: {  	s14 =	sadd.s32 $0x9180, s28;
	s30 =	sadd.s32 $0x5180, s28;
	s31 =	sadd.s32 s5, s12  }
0x20e: {  	[tilespmem:s30], [sflag:$0x1] =	stream.linear.gather [hbm4b:s31+s2], $0x80, $0x38;
	[tilespmem:$0x10400] =	vst v63  }
0x20f: {  	s0 =	sadd.s32 s6, s22;
	s18 =	sadd.s32 $0xD180, s28;
	s19 =	spop (v2sf)  }
0x210: {  	(v2sf) =	vpush v1, $0xE;
	[tilespmem:s14], [sflag:$0x1] =	stream.linear.gather [hbm4b:s0+s2], $0x80, $0x38;
	[tilespmem:$0x10400] =	vst v63  }
0x211: {  	s12 =	sadd.s32 s7, s12;
	s13 =	sand.u32 $0x1FFFFFF0, s19;
	s20 =	spop (v2sf)  }
0x212: {  	(v2sf) =	vpush v63, $0xE;
	[tilespmem:s18], [sflag:$0x1] =	stream.linear.gather [hbm4b:s12+s2], $0x80, $0x38;
	[tilespmem:$0x10400] =	vst v63  }
0x213: {  	s21 =	sadd.s32 $0x1200, s28;
	s22 =	sadd.s32 s4, s13;
	s14 =	sand.u32 $0x1FFFFFF0, s20  }
0x214: {  	[tilespmem:s21], [sflag:$0x1] =	stream.linear.gather [hbm4b:s22+s2], $0x80, $0x38;
	[tilespmem:$0x10400] =	vst v63  }
0x215: {  	s23 =	sadd.s32 $0x5200, s28;
	s29 =	sadd.s32 $0x9200, s28;
	s24 =	sadd.s32 s5, s14  }
0x216: {  	[tilespmem:s23], [sflag:$0x1] =	stream.linear.gather [hbm4b:s24+s2], $0x80, $0x38;
	[tilespmem:$0x10400] =	vst v63  }
0x217: {  	s30 =	sadd.s32 s6, s13;
	s31 =	sadd.s32 $0xD200, s28;
	s13 =	spop (v2sf)  }
0x218: {  	(v2sf) =	vpush v1, $0xF;
	[tilespmem:s29], [sflag:$0x1] =	stream.linear.gather [hbm4b:s30+s2], $0x80, $0x38;
	[tilespmem:$0x10400] =	vst v63  }
0x219: {  	s14 =	sadd.s32 s7, s14;
	s12 =	sand.u32 $0x1FFFFFF0, s13;
	s18 =	spop (v2sf)  }
0x21a: {  	(v2sf) =	vpush v63, $0xF;
	[tilespmem:s31], [sflag:$0x1] =	stream.linear.gather [hbm4b:s14+s2], $0x80, $0x38;
	[tilespmem:$0x10400] =	vst v63  }
0x21b: {  	s19 =	sadd.s32 $0x1280, s28;
	s20 =	sadd.s32 s4, s12;
	s14 =	sand.u32 $0x1FFFFFF0, s18  }
0x21c: {  	[tilespmem:s19], [sflag:$0x1] =	stream.linear.gather [hbm4b:s20+s2], $0x80, $0x38;
	[tilespmem:$0x10400] =	vst v63  }
0x21d: {  	s12 =	sadd.s32 s6, s12;
	s21 =	sadd.s32 $0x5280, s28;
	s22 =	sadd.s32 s5, s14  }
0x21e: {  	[tilespmem:s21], [sflag:$0x1] =	stream.linear.gather [hbm4b:s22+s2], $0x80, $0x38;
	[tilespmem:$0x10400] =	vst v63  }
0x21f: {  	s23 =	sadd.s32 $0x9280, s28;
	s24 =	sadd.s32 $0xD280, s28;
	s29 =	spop (v2sf)  }
0x220: {  	[tilespmem:s23], [sflag:$0x1] =	stream.linear.gather [hbm4b:s12+s2], $0x80, $0x38;
	[tilespmem:$0x10400] =	vst v63  }
0x221: {  	s30 =	sadd.s32 s7, s14;
	s31 =	spop (v2sf);
	s12 =	sand.u32 $0x1FFFFFF0, s29  }
0x222: {  	[tilespmem:s24], [sflag:$0x1] =	stream.linear.gather [hbm4b:s30+s2], $0x80, $0x38;
	[tilespmem:$0x10400] =	vst v63  }
0x223: {  	s13 =	sadd.s32 $0x1300, s28;
	s14 =	sand.u32 $0x1FFFFFF0, s31;
	s18 =	sadd.s32 s4, s12  }
0x224: {  	[tilespmem:s13], [sflag:$0x1] =	stream.linear.gather [hbm4b:s18+s2], $0x80, $0x38;
	[tilespmem:$0x10400] =	vst v63  }
0x225: {  	s19 =	sadd.s32 $0x5300, s28;
	s20 =	sadd.s32 s5, s14;
	s21 =	sadd.s32 $0x9300, s28  }
0x226: {  	[tilespmem:s19], [sflag:$0x1] =	stream.linear.gather [hbm4b:s20+s2], $0x80, $0x38;
	[tilespmem:$0x10400] =	vst v63  }
0x227: {  	s22 =	sadd.s32 $0xD300, s28;
	s23 =	spop (v2sf);
	s12 =	sadd.s32 s6, s12  }
0x228: {  	[tilespmem:s21], [sflag:$0x1] =	stream.linear.gather [hbm4b:s12+s2], $0x80, $0x38;
	[tilespmem:$0x10400] =	vst v63  }
0x229: {  	s29 =	spop (v2sf);
	s24 =	sadd.s32 s7, s14;
	s12 =	sand.u32 $0x1FFFFFF0, s23  }
0x22a: {  	[tilespmem:s22], [sflag:$0x1] =	stream.linear.gather [hbm4b:s24+s2], $0x80, $0x38;
	[tilespmem:$0x10400] =	vst v63  }
0x22b: {  	s30 =	sadd.s32 $0x1380, s28;
	s14 =	sand.u32 $0x1FFFFFF0, s29;
	s31 =	sadd.s32 s4, s12  }
0x22c: {  	[tilespmem:s30], [sflag:$0x1] =	stream.linear.gather [hbm4b:s31+s2], $0x80, $0x38;
	[tilespmem:$0x10400] =	vst v63  }
0x22d: {  	s13 =	sadd.s32 $0x5380, s28;
	s18 =	sadd.s32 s5, s14  }
0x22e: {  	[tilespmem:s13], [sflag:$0x1] =	stream.linear.gather [hbm4b:s18+s2], $0x80, $0x38;
	[tilespmem:$0x10400] =	vst v63  }
0x22f: {  	s19 =	sadd.s32 $0x9380, s28;
	s12 =	sadd.s32 s6, s12  }
0x230: {  	[tilespmem:s19], [sflag:$0x1] =	stream.linear.gather [hbm4b:s12+s2], $0x80, $0x38;
	[tilespmem:$0x10400] =	vst v63  }
0x231: {  	s20 =	sadd.s32 $0xD380, s28;
	s21 =	sadd.s32 s7, s14  }
0x232: {  	[tilespmem:s20], [sflag:$0x1] =	stream.linear.gather [hbm4b:s21+s2], $0x80, $0x38;
	[tilespmem:$0x10400] =	vst v63  }
0x233: {  	_ =	swait.ge [sflag:s17], $0x4000  }
0x234: {  	[sflag:s17] =	ssyncset.done $0x0  }
0x235: {  	[sflag:s17] =	ssyncadd.s32 $0xFFFFC000  }
0x236: {  	_ =	swait.ge [sflag:s17], $0x4000  }
0x237: {  	[sflag:s17] =	ssyncset.done $0x0  }
0x238: {  	[sflag:s17] =	ssyncadd.s32 $0xFFFFC000  }
0x239: {  	_ =	swait.ge [sflag:s17], $0x4000  }
0x23a: {  	[sflag:s17] =	ssyncset.done $0x0  }
0x23b: {  	[sflag:s17] =	ssyncadd.s32 $0xFFFFC000  }
0x23c: {  	s22 =	sor.u32 s3, s26;
	_ =	swait.ge [sflag:s17], $0x4000  }
0x23d: {  	s0 =	sshll.u32 s22, $0x4;
	[sflag:s17] =	ssyncset.done $0x0  }
0x23e: {  	s24 =	simm.s32 $0x400;
	s23 =	sadd.s32 s8, s0;
	[sflag:s17] =	ssyncadd.s32 $0xFFFFC000  }
0x23f: {  	[hbm4b:s23+s2] =	stream.linear.scatter [tilespmem:s24], [sflag:$0x2], $0x4000, $0x38;
	[tilespmem:$0x10400] =	vst v63  }
0x240: {  	_ =	swait.ge [sflag:s15], $0x4000  }
0x241: {  	[sflag:s15] =	ssyncset.done $0x0  }
0x242: {  	s28 =	simm.s32 $0x4400;
	s26 =	sadd.s32 s9, s0;
	[sflag:s15] =	ssyncadd.s32 $0xFFFFC000  }
0x243: {  	[hbm4b:s26+s2] =	stream.linear.scatter [tilespmem:s28], [sflag:$0x2], $0x4000, $0x38;
	[tilespmem:$0x10400] =	vst v63  }
0x244: {  	_ =	swait.ge [sflag:s15], $0x4000  }
0x245: {  	[sflag:s15] =	ssyncset.done $0x0  }
0x246: {  	s29 =	sadd.s32 s10, s0;
	s30 =	simm.s32 $0x8400;
	[sflag:s15] =	ssyncadd.s32 $0xFFFFC000  }
0x247: {  	[hbm4b:s29+s2] =	stream.linear.scatter [tilespmem:s30], [sflag:$0x2], $0x4000, $0x38;
	[tilespmem:$0x10400] =	vst v63  }
0x248: {  	s25 =	sadd.s32 $0x1, s25;
	_ =	swait.ge [sflag:s15], $0x4000  }
0x249: {  	p0 =	sne.s32 s25, $0x4;
	s0 =	sadd.s32 s11, s0;
	[sflag:s15] =	ssyncset.done $0x0  }
.Ltmp1:
0x24a: {  	s31 =	simm.s32 $0xC400;
	[sflag:s15] =	ssyncadd.s32 $0xFFFFC000;
	(pc) =	sbr.rel @p0 .LBB2_2-.Ltmp1, $4  }
0x24b: {  	[hbm4b:s0+s2] =	stream.linear.scatter [tilespmem:s31], [sflag:$0x2], $0x4000, $0x38;
	[tilespmem:$0x10400] =	vst v63  }
0x24c: {  	_ =	swait.ge [sflag:s15], $0x4000  }
0x24d: {  	[sflag:s15] =	ssyncset.done $0x0  }
0x24e: {  	s1 =	sadd.s32 $0x80, s1;
	s16 =	sadd.s32 $0x80, s16;
	[sflag:s15] =	ssyncadd.s32 $0xFFFFC000  }
0x24f: {  	s1 =	rddreg [dreg:$0x6]  }
0x250: {  	s0 =	rddreg [dreg:$0x5];
	s1 =	sadd.s32 $0x1, s1  }
0x251: {  	p0 =	sne.s32 s1, s0  }
.Ltmp2:
0x252: {  	_ = 	snop;
	(pc) =	sbr.rel @p0 .LBB2_1-.Ltmp2, $1  }
0x253: {  	_ =	sdelay $0x3  }
0x254: {  	_ =	sfence.sel $0x180000  }
0x255: {  	[bflag:$0x0] =	sbarrier.arrive $0xFFFF  }
0x256: {  	_ =	strace $0x90000047  }
0x257: {  	s0 =	stileid.u32;
	[bflag:$0x2] =	sbarrier.arrive $0xFFFF  }
0x258: {  	p0 =	sne.s32 s0, $0x0;
	s0 =	rddreg [dreg:$0x2]  }
0x259: {  	s0 =	sadd.s32 @!p0 $0x100000, s0  }
0x25a: {  	[sflag:s0] =	ssyncadd.tile.s32 @!p0 $0x1;
	_ =	shalt  }
.Lfunc_end2:
_tile_overlayer_lowered:
.L_overlay_start_2:
0x25b: {  	(tag) =	ssettag $0x2  }
0x25c: {  	s0 =	rddreg [dreg:$0x0];
	s2 =	stileid.u32  }
0x25d: {  	s1 =	rddreg [dreg:$0x1];
	p0 =	sne.s32 s2, $0x0  }
0x25e: {  	s3 =	rddreg [dreg:$0x2];
	[bflag:$0x3] =	sbarrier.arrive $0xFFFF;
	s2 =	simm.s32 @!p0 $0x1C02  }
0x25f: {  	[timem:s3], [sflag:s2] =	dma.local @!p0 [hbm:s0], s1  }
0x260: {  	s0 =	simm.s32 @!p0 $0x2  }
0x261: {  	_ =	swait.ge @!p0 [sflag:s0], s1  }
0x262: {  	s1 =	ssub.s32 @!p0 $0x0, s1;
	[sflag:s0] =	ssyncset.done @!p0 $0x0  }
0x263: {  	[sflag:s0] =	ssyncadd.s32 @!p0 s1  }
0x264: {  	[bflag:$0x3] =	sbarrier.arrive $0xFFFF  }
0x265: {  	_ =	shalt  }

</sc_bundles>
